<compile_context>
chip_gen: v7x
topology: tpu7x:2x2x1
jax: 0.10.2.dev20260603
libtpu: 0.0.44.dev20260713+nightly
codegen_flags: <defaults>
</compile_context>

<pallas_src>
import functools

import jax
import jax.numpy as jnp
from jax import lax
from jax.experimental import pallas as pl
from jax.experimental.pallas import tpu as pltpu
from jax.experimental.pallas import tpu_sc as plsc

N = 16384
D = 128
LEVELS = 4
NC = 2
NS = 16
NW = NC * NS
ROWS_PER_W = N // NW
CHUNK = 64
NCHUNK = ROWS_PER_W // CHUNK
LANES = 16
NSETS = 3
GROWS = LEVELS * CHUNK


def _body(idx_hbm, table, out, idx_v, b0, b1, b2, o0, o1, o2, sems):
    wid = lax.axis_index("s") * NC + lax.axis_index("c")
    base = wid * ROWS_PER_W
    bufs = (b0, b1, b2)
    obufs = (o0, o1, o2)
    gsems, wsems = sems[:NSETS], sems[NSETS:]

    pltpu.sync_copy(idx_hbm.at[wid], idx_v)

    def fire_gathers(k, s):
        return [
            pltpu.async_copy(table.at[idx_v.at[2 * k + j]],
                             bufs[s].at[pl.ds(j * 2 * CHUNK, 2 * CHUNK)],
                             gsems[s])
            for j in range(2)
        ]

    gcps = [fire_gathers(0, 0), fire_gathers(1, 1), None]
    wcps = [None] * NSETS
    for k in range(NCHUNK):
        s = k % NSETS
        if k + 2 < NCHUNK:
            gcps[(k + 2) % NSETS] = fire_gathers(k + 2, (k + 2) % NSETS)
        with jax.named_scope("gwait"):
            for cp in gcps[s]:
                cp.wait()
        with jax.named_scope("wbwait"):
            if wcps[s] is not None:
                wcps[s].wait()
        b, o = bufs[s], obufs[s]

        def add_row(r, _, b=b, o=o):
            for col in range(D // LANES):
                sl = pl.ds(col * LANES, LANES)
                o[r, sl] = (b[r, sl] + b[r + CHUNK, sl]
                            + b[r + 2 * CHUNK, sl] + b[r + 3 * CHUNK, sl])
            return 0

        with jax.named_scope("adds"):
            lax.fori_loop(0, CHUNK, add_row, 0)
        wcps[s] = pltpu.async_copy(
            o, out.at[pl.ds(base + k * CHUNK, CHUNK)], wsems[s])
    for cp in wcps:
        if cp is not None:
            cp.wait()


def _entry(idx_hbm, table, out, idx_v, b0, b1, b2, o0, o1, o2, *sems):
    _body(idx_hbm, table, out, idx_v, b0, b1, b2, o0, o1, o2, sems)


_mesh = plsc.VectorSubcoreMesh(core_axis_name="c", subcore_axis_name="s")

_sc_call = functools.partial(
    pl.kernel,
    mesh=_mesh,
    out_type=jax.ShapeDtypeStruct((N, D), jnp.float32),
    scratch_types=(
        [pltpu.VMEM((2 * NCHUNK, 2 * CHUNK), jnp.int32)]
        + [pltpu.VMEM((GROWS, D), jnp.float32)] * NSETS
        + [pltpu.VMEM((CHUNK, D), jnp.float32)] * NSETS
        + [pltpu.SemaphoreType.DMA] * (2 * NSETS)
    ),
)(_entry)


@jax.jit
def kernel(coords, emb0, emb1, emb2, emb3):
    table = jnp.concatenate([emb0, emb1, emb2, emb3], axis=0)
    off = jnp.arange(LEVELS, dtype=jnp.int32) * emb0.shape[0]
    idx = (coords.reshape(NW, NCHUNK, CHUNK, LEVELS).transpose(0, 1, 3, 2)
           + off[None, None, :, None])
    idx = idx.reshape(NW, 2 * NCHUNK, 2 * CHUNK)
    return _sc_call(idx, table)

# --- scband reference (transcript-rebuilt; emitter-appended) ---
"""Pipeline reference for scband-hierarchi-feature-positional-encoding-24223615549803 (READ-ONLY COPY).

The authoritative reference and input builder live on the scoring server;
editing this copy changes nothing except your own understanding.
"""

import jax, jax.numpy as jnp
import numpy as np

N = 16384
LEVELS = 4
MAX_BRANCHES = [1000, 1000, 1000, 1000]
D_EMB = 128


def setup_inputs(seed: int = 0) -> dict:
    key = jax.random.key(seed)
    kc, k0, k1, k2, k3 = jax.random.split(key, 5)
    coords = jax.random.randint(kc, (N, LEVELS), 0, 1000, dtype=jnp.int32)
    emb0 = jax.random.normal(k0, (MAX_BRANCHES[0], D_EMB), dtype=jnp.float32)
    emb1 = jax.random.normal(k1, (MAX_BRANCHES[1], D_EMB), dtype=jnp.float32)
    emb2 = jax.random.normal(k2, (MAX_BRANCHES[2], D_EMB), dtype=jnp.float32)
    emb3 = jax.random.normal(k3, (MAX_BRANCHES[3], D_EMB), dtype=jnp.float32)
    return {"coords": coords, "emb0": emb0, "emb1": emb1, "emb2": emb2, "emb3": emb3}


def reference(coords, emb0, emb1, emb2, emb3):
    # Hierarchical positional encoding: sum of per-level embedding lookups.
    tables = [emb0, emb1, emb2, emb3]
    embs = jnp.zeros((coords.shape[0], D_EMB), dtype=jnp.float32)
    for i in range(coords.shape[1]):
        embs = embs + jnp.take(tables[i], coords[:, i], axis=0)
    return embs

if __name__ == "__main__":
    import jax
    _d = setup_inputs()
    print(jax.jit(kernel)(*tuple(_d.values())))

</pallas_src>

<mosaic_0001>
#map = affine_map<(d0, d1) -> (0, 0, 0)>
#map1 = affine_map<(d0, d1) -> (0, 0)>
module attributes {stable_mosaic.version = 14 : i64} {
  func.func @_entry(%arg0: i32, %arg1: i32, %arg2: memref<32x16x128xi32, #tpu.memory_space<hbm>>, %arg3: memref<4000x128xf32, #tpu.memory_space<hbm>>, %arg4: memref<16384x128xf32, #tpu.memory_space<hbm>>, %arg5: memref<16x128xi32, #tpu.memory_space<vmem>>, %arg6: memref<256x128xf32, #tpu.memory_space<vmem>>, %arg7: memref<256x128xf32, #tpu.memory_space<vmem>>, %arg8: memref<256x128xf32, #tpu.memory_space<vmem>>, %arg9: memref<64x128xf32, #tpu.memory_space<vmem>>, %arg10: memref<64x128xf32, #tpu.memory_space<vmem>>, %arg11: memref<64x128xf32, #tpu.memory_space<vmem>>, %arg12: memref<!tpu.dma_semaphore, #tpu.memory_space<semaphore_mem>>, %arg13: memref<!tpu.dma_semaphore, #tpu.memory_space<semaphore_mem>>, %arg14: memref<!tpu.dma_semaphore, #tpu.memory_space<semaphore_mem>>, %arg15: memref<!tpu.dma_semaphore, #tpu.memory_space<semaphore_mem>>, %arg16: memref<!tpu.dma_semaphore, #tpu.memory_space<semaphore_mem>>, %arg17: memref<!tpu.dma_semaphore, #tpu.memory_space<semaphore_mem>>) attributes {dimension_semantics = [#tpu.dimension_semantics<core_parallel>, #tpu.dimension_semantics<subcore_parallel>], iteration_bounds = array<i64: 2, 16>, scalar_prefetch = 0 : i64, scratch_operands = 13 : i64, tpu.core_type = #tpu.core_type<sc_vector_subcore>, window_params = [{transform_indices = #map}, {transform_indices = #map1}, {transform_indices = #map1}]} {
    %mul3A = arith.constant 2 : i32
    %mul3A_0 = arith.muli %arg1, %mul3A : i32
    %add3A = arith.addi %mul3A_0, %arg0 : i32
    %mul3A_1 = arith.constant 512 : i32
    %mul3A_2 = arith.muli %add3A, %mul3A_1 : i32
    "tpu.region"() ({
      %run_scoped3A = tpu.sem_alloc : memref<!tpu.dma_semaphore, #tpu.memory_space<semaphore_mem>>
      %dma_start3A_456 = arith.constant 0 : i32
      %dma_start3A_457 = arith.constant 0 : i32
      %dma_start3A_458 = tpu.memref_slice %arg2[%add3A, %dma_start3A_456, %dma_start3A_457] : memref<32x16x128xi32, #tpu.memory_space<hbm>> -> memref<1x16x128xi32, #tpu.memory_space<hbm>>
      %dma_start3A_459 = tpu.memref_squeeze %dma_start3A_458 : memref<1x16x128xi32, #tpu.memory_space<hbm>> -> memref<16x128xi32, #tpu.memory_space<hbm>>
      %dma_start3A_460 = arith.constant 0 : i32
      %dma_start3A_461 = arith.constant 0 : i32
      %dma_start3A_462 = tpu.memref_slice %arg2[%add3A, %dma_start3A_460, %dma_start3A_461] : memref<32x16x128xi32, #tpu.memory_space<hbm>> -> memref<1x16x128xi32, #tpu.memory_space<hbm>>
      %dma_start3A_463 = tpu.memref_squeeze %dma_start3A_462 : memref<1x16x128xi32, #tpu.memory_space<hbm>> -> memref<16x128xi32, #tpu.memory_space<hbm>>
      tpu.enqueue_dma source(%dma_start3A_463 : memref<16x128xi32, #tpu.memory_space<hbm>>) target(%arg5 : memref<16x128xi32, #tpu.memory_space<vmem>>) target_semaphore(%run_scoped3A : memref<!tpu.dma_semaphore, #tpu.memory_space<semaphore_mem>>)
      %dma_wait3A_464 = arith.constant 0 : i32
      %dma_wait3A_465 = arith.constant 0 : i32
      %dma_wait3A_466 = tpu.memref_slice %arg2[%add3A, %dma_wait3A_464, %dma_wait3A_465] : memref<32x16x128xi32, #tpu.memory_space<hbm>> -> memref<1x16x128xi32, #tpu.memory_space<hbm>>
      %dma_wait3A_467 = tpu.memref_squeeze %dma_wait3A_466 : memref<1x16x128xi32, #tpu.memory_space<hbm>> -> memref<16x128xi32, #tpu.memory_space<hbm>>
      %dma_wait3A_468 = arith.constant 0 : i32
      %dma_wait3A_469 = arith.constant 0 : i32
      %dma_wait3A_470 = tpu.memref_slice %arg2[%add3A, %dma_wait3A_468, %dma_wait3A_469] : memref<32x16x128xi32, #tpu.memory_space<hbm>> -> memref<1x16x128xi32, #tpu.memory_space<hbm>>
      %dma_wait3A_471 = tpu.memref_squeeze %dma_wait3A_470 : memref<1x16x128xi32, #tpu.memory_space<hbm>> -> memref<16x128xi32, #tpu.memory_space<hbm>>
      tpu.wait_dma2 semaphore(%run_scoped3A : memref<!tpu.dma_semaphore, #tpu.memory_space<semaphore_mem>>) src(%dma_wait3A_471 : memref<16x128xi32, #tpu.memory_space<hbm>>) dst(%arg5 : memref<16x128xi32, #tpu.memory_space<vmem>>)
      tpu.yield
    }) : () -> ()
    %dma_start3A = arith.constant 0 : i32
    %dma_start3A_3 = arith.constant 0 : i32
    %dma_start3A_4 = arith.constant 0 : i32
    %dma_start3A_5 = tpu.memref_slice %arg6[%dma_start3A_3, %dma_start3A_4] : memref<256x128xf32, #tpu.memory_space<vmem>> -> memref<128x128xf32, #tpu.memory_space<vmem>>
    %dma_start3A_6 = arith.constant 0 : i32
    %dma_start3A_7 = tpu.memref_slice %arg5[%dma_start3A, %dma_start3A_6] : memref<16x128xi32, #tpu.memory_space<vmem>> -> memref<1x128xi32, #tpu.memory_space<vmem>>
    %dma_start3A_8 = tpu.memref_squeeze %dma_start3A_7 : memref<1x128xi32, #tpu.memory_space<vmem>> -> memref<128xi32, #tpu.memory_space<vmem>>
    %dma_start3A_9 = arith.constant 0 : i32
    %dma_start3A_10 = arith.constant 0 : i32
    %dma_start3A_11 = tpu.memref_slice %arg3[%dma_start3A_9, %dma_start3A_10] : memref<4000x128xf32, #tpu.memory_space<hbm>> -> memref<4000x128xf32, #tpu.memory_space<hbm>>
    tpu.enqueue_indirect_dma source(%dma_start3A_11 : memref<4000x128xf32, #tpu.memory_space<hbm>>) target(%dma_start3A_5 : memref<128x128xf32, #tpu.memory_space<vmem>>) offsets(%dma_start3A_8 : memref<128xi32, #tpu.memory_space<vmem>>) semaphore(%arg12 : memref<!tpu.dma_semaphore, #tpu.memory_space<semaphore_mem>>)
    %dma_start3A_12 = arith.constant 1 : i32
    %dma_start3A_13 = arith.constant 128 : i32
    %dma_start3A_14 = arith.constant 0 : i32
    %dma_start3A_15 = tpu.memref_slice %arg6[%dma_start3A_13, %dma_start3A_14] : memref<256x128xf32, #tpu.memory_space<vmem>> -> memref<128x128xf32, #tpu.memory_space<vmem>>
    %dma_start3A_16 = arith.constant 0 : i32
    %dma_start3A_17 = tpu.memref_slice %arg5[%dma_start3A_12, %dma_start3A_16] : memref<16x128xi32, #tpu.memory_space<vmem>> -> memref<1x128xi32, #tpu.memory_space<vmem>>
    %dma_start3A_18 = tpu.memref_squeeze %dma_start3A_17 : memref<1x128xi32, #tpu.memory_space<vmem>> -> memref<128xi32, #tpu.memory_space<vmem>>
    %dma_start3A_19 = arith.constant 0 : i32
    %dma_start3A_20 = arith.constant 0 : i32
    %dma_start3A_21 = tpu.memref_slice %arg3[%dma_start3A_19, %dma_start3A_20] : memref<4000x128xf32, #tpu.memory_space<hbm>> -> memref<4000x128xf32, #tpu.memory_space<hbm>>
    tpu.enqueue_indirect_dma source(%dma_start3A_21 : memref<4000x128xf32, #tpu.memory_space<hbm>>) target(%dma_start3A_15 : memref<128x128xf32, #tpu.memory_space<vmem>>) offsets(%dma_start3A_18 : memref<128xi32, #tpu.memory_space<vmem>>) semaphore(%arg12 : memref<!tpu.dma_semaphore, #tpu.memory_space<semaphore_mem>>)
    %dma_start3A_22 = arith.constant 2 : i32
    %dma_start3A_23 = arith.constant 0 : i32
    %dma_start3A_24 = arith.constant 0 : i32
    %dma_start3A_25 = tpu.memref_slice %arg7[%dma_start3A_23, %dma_start3A_24] : memref<256x128xf32, #tpu.memory_space<vmem>> -> memref<128x128xf32, #tpu.memory_space<vmem>>
    %dma_start3A_26 = arith.constant 0 : i32
    %dma_start3A_27 = tpu.memref_slice %arg5[%dma_start3A_22, %dma_start3A_26] : memref<16x128xi32, #tpu.memory_space<vmem>> -> memref<1x128xi32, #tpu.memory_space<vmem>>
    %dma_start3A_28 = tpu.memref_squeeze %dma_start3A_27 : memref<1x128xi32, #tpu.memory_space<vmem>> -> memref<128xi32, #tpu.memory_space<vmem>>
    %dma_start3A_29 = arith.constant 0 : i32
    %dma_start3A_30 = arith.constant 0 : i32
    %dma_start3A_31 = tpu.memref_slice %arg3[%dma_start3A_29, %dma_start3A_30] : memref<4000x128xf32, #tpu.memory_space<hbm>> -> memref<4000x128xf32, #tpu.memory_space<hbm>>
    tpu.enqueue_indirect_dma source(%dma_start3A_31 : memref<4000x128xf32, #tpu.memory_space<hbm>>) target(%dma_start3A_25 : memref<128x128xf32, #tpu.memory_space<vmem>>) offsets(%dma_start3A_28 : memref<128xi32, #tpu.memory_space<vmem>>) semaphore(%arg13 : memref<!tpu.dma_semaphore, #tpu.memory_space<semaphore_mem>>)
    %dma_start3A_32 = arith.constant 3 : i32
    %dma_start3A_33 = arith.constant 128 : i32
    %dma_start3A_34 = arith.constant 0 : i32
    %dma_start3A_35 = tpu.memref_slice %arg7[%dma_start3A_33, %dma_start3A_34] : memref<256x128xf32, #tpu.memory_space<vmem>> -> memref<128x128xf32, #tpu.memory_space<vmem>>
    %dma_start3A_36 = arith.constant 0 : i32
    %dma_start3A_37 = tpu.memref_slice %arg5[%dma_start3A_32, %dma_start3A_36] : memref<16x128xi32, #tpu.memory_space<vmem>> -> memref<1x128xi32, #tpu.memory_space<vmem>>
    %dma_start3A_38 = tpu.memref_squeeze %dma_start3A_37 : memref<1x128xi32, #tpu.memory_space<vmem>> -> memref<128xi32, #tpu.memory_space<vmem>>
    %dma_start3A_39 = arith.constant 0 : i32
    %dma_start3A_40 = arith.constant 0 : i32
    %dma_start3A_41 = tpu.memref_slice %arg3[%dma_start3A_39, %dma_start3A_40] : memref<4000x128xf32, #tpu.memory_space<hbm>> -> memref<4000x128xf32, #tpu.memory_space<hbm>>
    tpu.enqueue_indirect_dma source(%dma_start3A_41 : memref<4000x128xf32, #tpu.memory_space<hbm>>) target(%dma_start3A_35 : memref<128x128xf32, #tpu.memory_space<vmem>>) offsets(%dma_start3A_38 : memref<128xi32, #tpu.memory_space<vmem>>) semaphore(%arg13 : memref<!tpu.dma_semaphore, #tpu.memory_space<semaphore_mem>>)
    %dma_start3A_42 = arith.constant 4 : i32
    %dma_start3A_43 = arith.constant 0 : i32
    %dma_start3A_44 = arith.constant 0 : i32
    %dma_start3A_45 = tpu.memref_slice %arg8[%dma_start3A_43, %dma_start3A_44] : memref<256x128xf32, #tpu.memory_space<vmem>> -> memref<128x128xf32, #tpu.memory_space<vmem>>
    %dma_start3A_46 = arith.constant 0 : i32
    %dma_start3A_47 = tpu.memref_slice %arg5[%dma_start3A_42, %dma_start3A_46] : memref<16x128xi32, #tpu.memory_space<vmem>> -> memref<1x128xi32, #tpu.memory_space<vmem>>
    %dma_start3A_48 = tpu.memref_squeeze %dma_start3A_47 : memref<1x128xi32, #tpu.memory_space<vmem>> -> memref<128xi32, #tpu.memory_space<vmem>>
    %dma_start3A_49 = arith.constant 0 : i32
    %dma_start3A_50 = arith.constant 0 : i32
    %dma_start3A_51 = tpu.memref_slice %arg3[%dma_start3A_49, %dma_start3A_50] : memref<4000x128xf32, #tpu.memory_space<hbm>> -> memref<4000x128xf32, #tpu.memory_space<hbm>>
    tpu.enqueue_indirect_dma source(%dma_start3A_51 : memref<4000x128xf32, #tpu.memory_space<hbm>>) target(%dma_start3A_45 : memref<128x128xf32, #tpu.memory_space<vmem>>) offsets(%dma_start3A_48 : memref<128xi32, #tpu.memory_space<vmem>>) semaphore(%arg14 : memref<!tpu.dma_semaphore, #tpu.memory_space<semaphore_mem>>)
    %dma_start3A_52 = arith.constant 5 : i32
    %dma_start3A_53 = arith.constant 128 : i32
    %dma_start3A_54 = arith.constant 0 : i32
    %dma_start3A_55 = tpu.memref_slice %arg8[%dma_start3A_53, %dma_start3A_54] : memref<256x128xf32, #tpu.memory_space<vmem>> -> memref<128x128xf32, #tpu.memory_space<vmem>>
    %dma_start3A_56 = arith.constant 0 : i32
    %dma_start3A_57 = tpu.memref_slice %arg5[%dma_start3A_52, %dma_start3A_56] : memref<16x128xi32, #tpu.memory_space<vmem>> -> memref<1x128xi32, #tpu.memory_space<vmem>>
    %dma_start3A_58 = tpu.memref_squeeze %dma_start3A_57 : memref<1x128xi32, #tpu.memory_space<vmem>> -> memref<128xi32, #tpu.memory_space<vmem>>
    %dma_start3A_59 = arith.constant 0 : i32
    %dma_start3A_60 = arith.constant 0 : i32
    %dma_start3A_61 = tpu.memref_slice %arg3[%dma_start3A_59, %dma_start3A_60] : memref<4000x128xf32, #tpu.memory_space<hbm>> -> memref<4000x128xf32, #tpu.memory_space<hbm>>
    tpu.enqueue_indirect_dma source(%dma_start3A_61 : memref<4000x128xf32, #tpu.memory_space<hbm>>) target(%dma_start3A_55 : memref<128x128xf32, #tpu.memory_space<vmem>>) offsets(%dma_start3A_58 : memref<128xi32, #tpu.memory_space<vmem>>) semaphore(%arg14 : memref<!tpu.dma_semaphore, #tpu.memory_space<semaphore_mem>>)
    %dma_wait3A = arith.constant 0 : i32
    "tpu.trace_start"() <{level = 10 : i32, message = "gwait"}> : () -> ()
    %dma_wait3A_62 = arith.constant 0 : i32
    %dma_wait3A_63 = arith.constant 0 : i32
    %dma_wait3A_64 = tpu.memref_slice %arg6[%dma_wait3A_62, %dma_wait3A_63] : memref<256x128xf32, #tpu.memory_space<vmem>> -> memref<128x128xf32, #tpu.memory_space<vmem>>
    %dma_wait3A_65 = arith.constant 0 : i32
    %dma_wait3A_66 = tpu.memref_slice %arg5[%dma_wait3A, %dma_wait3A_65] : memref<16x128xi32, #tpu.memory_space<vmem>> -> memref<1x128xi32, #tpu.memory_space<vmem>>
    %dma_wait3A_67 = tpu.memref_squeeze %dma_wait3A_66 : memref<1x128xi32, #tpu.memory_space<vmem>> -> memref<128xi32, #tpu.memory_space<vmem>>
    %dma_wait3A_68 = arith.constant 0 : i32
    %dma_wait3A_69 = arith.constant 0 : i32
    %dma_wait3A_70 = tpu.memref_slice %arg3[%dma_wait3A_68, %dma_wait3A_69] : memref<4000x128xf32, #tpu.memory_space<hbm>> -> memref<4000x128xf32, #tpu.memory_space<hbm>>
    tpu.wait_indirect_dma semaphore(%arg12 : memref<!tpu.dma_semaphore, #tpu.memory_space<semaphore_mem>>) src(%dma_wait3A_70 : memref<4000x128xf32, #tpu.memory_space<hbm>>) dst(%dma_wait3A_64 : memref<128x128xf32, #tpu.memory_space<vmem>>)
    %dma_wait3A_71 = arith.constant 1 : i32
    %dma_wait3A_72 = arith.constant 128 : i32
    %dma_wait3A_73 = arith.constant 0 : i32
    %dma_wait3A_74 = tpu.memref_slice %arg6[%dma_wait3A_72, %dma_wait3A_73] : memref<256x128xf32, #tpu.memory_space<vmem>> -> memref<128x128xf32, #tpu.memory_space<vmem>>
    %dma_wait3A_75 = arith.constant 0 : i32
    %dma_wait3A_76 = tpu.memref_slice %arg5[%dma_wait3A_71, %dma_wait3A_75] : memref<16x128xi32, #tpu.memory_space<vmem>> -> memref<1x128xi32, #tpu.memory_space<vmem>>
    %dma_wait3A_77 = tpu.memref_squeeze %dma_wait3A_76 : memref<1x128xi32, #tpu.memory_space<vmem>> -> memref<128xi32, #tpu.memory_space<vmem>>
    %dma_wait3A_78 = arith.constant 0 : i32
    %dma_wait3A_79 = arith.constant 0 : i32
    %dma_wait3A_80 = tpu.memref_slice %arg3[%dma_wait3A_78, %dma_wait3A_79] : memref<4000x128xf32, #tpu.memory_space<hbm>> -> memref<4000x128xf32, #tpu.memory_space<hbm>>
    tpu.wait_indirect_dma semaphore(%arg12 : memref<!tpu.dma_semaphore, #tpu.memory_space<semaphore_mem>>) src(%dma_wait3A_80 : memref<4000x128xf32, #tpu.memory_space<hbm>>) dst(%dma_wait3A_74 : memref<128x128xf32, #tpu.memory_space<vmem>>)
    "tpu.trace_stop"() : () -> ()
    "tpu.trace_start"() <{level = 10 : i32, message = "adds"}> : () -> ()
    %scan3A = arith.constant 0 : i32
    %scan3A_81 = arith.constant 0 : i32
    %scan3A_82 = arith.constant 64 : i32
    %scan3A_83 = arith.addi %scan3A_81, %scan3A_82 : i32
    %scan3A_84 = arith.constant 1 : i32
    %scan3A_85 = scf.for %scan3A_456 = %scan3A_81 to %scan3A_83 step %scan3A_84 iter_args(%scan3A_457 = %scan3A) -> (i32)  : i32 {
      %get3A = arith.index_cast %scan3A_456 : i32 to index
      %get3A_458 = arith.constant 0 : index
      %get3A_459 = tpu.vector_load %arg6[%get3A, %get3A_458] {strides = array<i32>} : memref<256x128xf32, #tpu.memory_space<vmem>>, vector<1x16xf32>,
      %get3A_460 = vector.shape_cast %get3A_459 : vector<1x16xf32> to vector<16xf32>
      %add3A_461 = arith.constant 64 : i32
      %add3A_462 = arith.addi %scan3A_456, %add3A_461 : i32
      %get3A_463 = arith.index_cast %add3A_462 : i32 to index
      %get3A_464 = arith.constant 0 : index
      %get3A_465 = tpu.vector_load %arg6[%get3A_463, %get3A_464] {strides = array<i32>} : memref<256x128xf32, #tpu.memory_space<vmem>>, vector<1x16xf32>,
      %get3A_466 = vector.shape_cast %get3A_465 : vector<1x16xf32> to vector<16xf32>
      %add3A_467 = arith.addf %get3A_460, %get3A_466 : vector<16xf32>
      %add3A_468 = arith.constant 128 : i32
      %add3A_469 = arith.addi %scan3A_456, %add3A_468 : i32
      %get3A_470 = arith.index_cast %add3A_469 : i32 to index
      %get3A_471 = arith.constant 0 : index
      %get3A_472 = tpu.vector_load %arg6[%get3A_470, %get3A_471] {strides = array<i32>} : memref<256x128xf32, #tpu.memory_space<vmem>>, vector<1x16xf32>,
      %get3A_473 = vector.shape_cast %get3A_472 : vector<1x16xf32> to vector<16xf32>
      %add3A_474 = arith.addf %add3A_467, %get3A_473 : vector<16xf32>
      %add3A_475 = arith.constant 192 : i32
      %add3A_476 = arith.addi %scan3A_456, %add3A_475 : i32
      %get3A_477 = arith.index_cast %add3A_476 : i32 to index
      %get3A_478 = arith.constant 0 : index
      %get3A_479 = tpu.vector_load %arg6[%get3A_477, %get3A_478] {strides = array<i32>} : memref<256x128xf32, #tpu.memory_space<vmem>>, vector<1x16xf32>,
      %get3A_480 = vector.shape_cast %get3A_479 : vector<1x16xf32> to vector<16xf32>
      %add3A_481 = arith.addf %add3A_474, %get3A_480 : vector<16xf32>
      %swap3A = arith.index_cast %scan3A_456 : i32 to index
      %swap3A_482 = arith.constant 0 : index
      %swap3A_483 = tpu.vector_load %arg9[%swap3A, %swap3A_482] {strides = array<i32>} : memref<64x128xf32, #tpu.memory_space<vmem>>, vector<1x16xf32>,
      %swap3A_484 = vector.shape_cast %swap3A_483 : vector<1x16xf32> to vector<16xf32>
      %swap3A_485 = vector.shape_cast %add3A_481 : vector<16xf32> to vector<1x16xf32>
      tpu.vector_store %arg9[%swap3A, %swap3A_482], %swap3A_485 {strides = array<i32>} : memref<64x128xf32, #tpu.memory_space<vmem>>, vector<1x16xf32>,
      %get3A_486 = arith.index_cast %scan3A_456 : i32 to index
      %get3A_487 = arith.constant 16 : index
      %get3A_488 = tpu.vector_load %arg6[%get3A_486, %get3A_487] {strides = array<i32>} : memref<256x128xf32, #tpu.memory_space<vmem>>, vector<1x16xf32>,
      %get3A_489 = vector.shape_cast %get3A_488 : vector<1x16xf32> to vector<16xf32>
      %add3A_490 = arith.constant 64 : i32
      %add3A_491 = arith.addi %scan3A_456, %add3A_490 : i32
      %get3A_492 = arith.index_cast %add3A_491 : i32 to index
      %get3A_493 = arith.constant 16 : index
      %get3A_494 = tpu.vector_load %arg6[%get3A_492, %get3A_493] {strides = array<i32>} : memref<256x128xf32, #tpu.memory_space<vmem>>, vector<1x16xf32>,
      %get3A_495 = vector.shape_cast %get3A_494 : vector<1x16xf32> to vector<16xf32>
      %add3A_496 = arith.addf %get3A_489, %get3A_495 : vector<16xf32>
      %add3A_497 = arith.constant 128 : i32
      %add3A_498 = arith.addi %scan3A_456, %add3A_497 : i32
      %get3A_499 = arith.index_cast %add3A_498 : i32 to index
      %get3A_500 = arith.constant 16 : index
      %get3A_501 = tpu.vector_load %arg6[%get3A_499, %get3A_500] {strides = array<i32>} : memref<256x128xf32, #tpu.memory_space<vmem>>, vector<1x16xf32>,
      %get3A_502 = vector.shape_cast %get3A_501 : vector<1x16xf32> to vector<16xf32>
      %add3A_503 = arith.addf %add3A_496, %get3A_502 : vector<16xf32>
      %add3A_504 = arith.constant 192 : i32
      %add3A_505 = arith.addi %scan3A_456, %add3A_504 : i32
      %get3A_506 = arith.index_cast %add3A_505 : i32 to index
      %get3A_507 = arith.constant 16 : index
      %get3A_508 = tpu.vector_load %arg6[%get3A_506, %get3A_507] {strides = array<i32>} : memref<256x128xf32, #tpu.memory_space<vmem>>, vector<1x16xf32>,
      %get3A_509 = vector.shape_cast %get3A_508 : vector<1x16xf32> to vector<16xf32>
      %add3A_510 = arith.addf %add3A_503, %get3A_509 : vector<16xf32>
      %swap3A_511 = arith.index_cast %scan3A_456 : i32 to index
      %swap3A_512 = arith.constant 16 : index
      %swap3A_513 = tpu.vector_load %arg9[%swap3A_511, %swap3A_512] {strides = array<i32>} : memref<64x128xf32, #tpu.memory_space<vmem>>, vector<1x16xf32>,
      %swap3A_514 = vector.shape_cast %swap3A_513 : vector<1x16xf32> to vector<16xf32>
      %swap3A_515 = vector.shape_cast %add3A_510 : vector<16xf32> to vector<1x16xf32>
      tpu.vector_store %arg9[%swap3A_511, %swap3A_512], %swap3A_515 {strides = array<i32>} : memref<64x128xf32, #tpu.memory_space<vmem>>, vector<1x16xf32>,
      %get3A_516 = arith.index_cast %scan3A_456 : i32 to index
      %get3A_517 = arith.constant 32 : index
      %get3A_518 = tpu.vector_load %arg6[%get3A_516, %get3A_517] {strides = array<i32>} : memref<256x128xf32, #tpu.memory_space<vmem>>, vector<1x16xf32>,
      %get3A_519 = vector.shape_cast %get3A_518 : vector<1x16xf32> to vector<16xf32>
      %add3A_520 = arith.constant 64 : i32
      %add3A_521 = arith.addi %scan3A_456, %add3A_520 : i32
      %get3A_522 = arith.index_cast %add3A_521 : i32 to index
      %get3A_523 = arith.constant 32 : index
      %get3A_524 = tpu.vector_load %arg6[%get3A_522, %get3A_523] {strides = array<i32>} : memref<256x128xf32, #tpu.memory_space<vmem>>, vector<1x16xf32>,
      %get3A_525 = vector.shape_cast %get3A_524 : vector<1x16xf32> to vector<16xf32>
      %add3A_526 = arith.addf %get3A_519, %get3A_525 : vector<16xf32>
      %add3A_527 = arith.constant 128 : i32
      %add3A_528 = arith.addi %scan3A_456, %add3A_527 : i32
      %get3A_529 = arith.index_cast %add3A_528 : i32 to index
      %get3A_530 = arith.constant 32 : index
      %get3A_531 = tpu.vector_load %arg6[%get3A_529, %get3A_530] {strides = array<i32>} : memref<256x128xf32, #tpu.memory_space<vmem>>, vector<1x16xf32>,
      %get3A_532 = vector.shape_cast %get3A_531 : vector<1x16xf32> to vector<16xf32>
      %add3A_533 = arith.addf %add3A_526, %get3A_532 : vector<16xf32>
      %add3A_534 = arith.constant 192 : i32
      %add3A_535 = arith.addi %scan3A_456, %add3A_534 : i32
      %get3A_536 = arith.index_cast %add3A_535 : i32 to index
      %get3A_537 = arith.constant 32 : index
      %get3A_538 = tpu.vector_load %arg6[%get3A_536, %get3A_537] {strides = array<i32>} : memref<256x128xf32, #tpu.memory_space<vmem>>, vector<1x16xf32>,
      %get3A_539 = vector.shape_cast %get3A_538 : vector<1x16xf32> to vector<16xf32>
      %add3A_540 = arith.addf %add3A_533, %get3A_539 : vector<16xf32>
      %swap3A_541 = arith.index_cast %scan3A_456 : i32 to index
      %swap3A_542 = arith.constant 32 : index
      %swap3A_543 = tpu.vector_load %arg9[%swap3A_541, %swap3A_542] {strides = array<i32>} : memref<64x128xf32, #tpu.memory_space<vmem>>, vector<1x16xf32>,
      %swap3A_544 = vector.shape_cast %swap3A_543 : vector<1x16xf32> to vector<16xf32>
      %swap3A_545 = vector.shape_cast %add3A_540 : vector<16xf32> to vector<1x16xf32>
      tpu.vector_store %arg9[%swap3A_541, %swap3A_542], %swap3A_545 {strides = array<i32>} : memref<64x128xf32, #tpu.memory_space<vmem>>, vector<1x16xf32>,
      %get3A_546 = arith.index_cast %scan3A_456 : i32 to index
      %get3A_547 = arith.constant 48 : index
      %get3A_548 = tpu.vector_load %arg6[%get3A_546, %get3A_547] {strides = array<i32>} : memref<256x128xf32, #tpu.memory_space<vmem>>, vector<1x16xf32>,
      %get3A_549 = vector.shape_cast %get3A_548 : vector<1x16xf32> to vector<16xf32>
      %add3A_550 = arith.constant 64 : i32
      %add3A_551 = arith.addi %scan3A_456, %add3A_550 : i32
      %get3A_552 = arith.index_cast %add3A_551 : i32 to index
      %get3A_553 = arith.constant 48 : index
      %get3A_554 = tpu.vector_load %arg6[%get3A_552, %get3A_553] {strides = array<i32>} : memref<256x128xf32, #tpu.memory_space<vmem>>, vector<1x16xf32>,
      %get3A_555 = vector.shape_cast %get3A_554 : vector<1x16xf32> to vector<16xf32>
      %add3A_556 = arith.addf %get3A_549, %get3A_555 : vector<16xf32>
      %add3A_557 = arith.constant 128 : i32
      %add3A_558 = arith.addi %scan3A_456, %add3A_557 : i32
      %get3A_559 = arith.index_cast %add3A_558 : i32 to index
      %get3A_560 = arith.constant 48 : index
      %get3A_561 = tpu.vector_load %arg6[%get3A_559, %get3A_560] {strides = array<i32>} : memref<256x128xf32, #tpu.memory_space<vmem>>, vector<1x16xf32>,
      %get3A_562 = vector.shape_cast %get3A_561 : vector<1x16xf32> to vector<16xf32>
      %add3A_563 = arith.addf %add3A_556, %get3A_562 : vector<16xf32>
      %add3A_564 = arith.constant 192 : i32
      %add3A_565 = arith.addi %scan3A_456, %add3A_564 : i32
      %get3A_566 = arith.index_cast %add3A_565 : i32 to index
      %get3A_567 = arith.constant 48 : index
      %get3A_568 = tpu.vector_load %arg6[%get3A_566, %get3A_567] {strides = array<i32>} : memref<256x128xf32, #tpu.memory_space<vmem>>, vector<1x16xf32>,
      %get3A_569 = vector.shape_cast %get3A_568 : vector<1x16xf32> to vector<16xf32>
      %add3A_570 = arith.addf %add3A_563, %get3A_569 : vector<16xf32>
      %swap3A_571 = arith.index_cast %scan3A_456 : i32 to index
      %swap3A_572 = arith.constant 48 : index
      %swap3A_573 = tpu.vector_load %arg9[%swap3A_571, %swap3A_572] {strides = array<i32>} : memref<64x128xf32, #tpu.memory_space<vmem>>, vector<1x16xf32>,
      %swap3A_574 = vector.shape_cast %swap3A_573 : vector<1x16xf32> to vector<16xf32>
      %swap3A_575 = vector.shape_cast %add3A_570 : vector<16xf32> to vector<1x16xf32>
      tpu.vector_store %arg9[%swap3A_571, %swap3A_572], %swap3A_575 {strides = array<i32>} : memref<64x128xf32, #tpu.memory_space<vmem>>, vector<1x16xf32>,
      %get3A_576 = arith.index_cast %scan3A_456 : i32 to index
      %get3A_577 = arith.constant 64 : index
      %get3A_578 = tpu.vector_load %arg6[%get3A_576, %get3A_577] {strides = array<i32>} : memref<256x128xf32, #tpu.memory_space<vmem>>, vector<1x16xf32>,
      %get3A_579 = vector.shape_cast %get3A_578 : vector<1x16xf32> to vector<16xf32>
      %add3A_580 = arith.constant 64 : i32
      %add3A_581 = arith.addi %scan3A_456, %add3A_580 : i32
      %get3A_582 = arith.index_cast %add3A_581 : i32 to index
      %get3A_583 = arith.constant 64 : index
      %get3A_584 = tpu.vector_load %arg6[%get3A_582, %get3A_583] {strides = array<i32>} : memref<256x128xf32, #tpu.memory_space<vmem>>, vector<1x16xf32>,
      %get3A_585 = vector.shape_cast %get3A_584 : vector<1x16xf32> to vector<16xf32>
      %add3A_586 = arith.addf %get3A_579, %get3A_585 : vector<16xf32>
      %add3A_587 = arith.constant 128 : i32
      %add3A_588 = arith.addi %scan3A_456, %add3A_587 : i32
      %get3A_589 = arith.index_cast %add3A_588 : i32 to index
      %get3A_590 = arith.constant 64 : index
      %get3A_591 = tpu.vector_load %arg6[%get3A_589, %get3A_590] {strides = array<i32>} : memref<256x128xf32, #tpu.memory_space<vmem>>, vector<1x16xf32>,
      %get3A_592 = vector.shape_cast %get3A_591 : vector<1x16xf32> to vector<16xf32>
      %add3A_593 = arith.addf %add3A_586, %get3A_592 : vector<16xf32>
      %add3A_594 = arith.constant 192 : i32
      %add3A_595 = arith.addi %scan3A_456, %add3A_594 : i32
      %get3A_596 = arith.index_cast %add3A_595 : i32 to index
      %get3A_597 = arith.constant 64 : index
      %get3A_598 = tpu.vector_load %arg6[%get3A_596, %get3A_597] {strides = array<i32>} : memref<256x128xf32, #tpu.memory_space<vmem>>, vector<1x16xf32>,
      %get3A_599 = vector.shape_cast %get3A_598 : vector<1x16xf32> to vector<16xf32>
      %add3A_600 = arith.addf %add3A_593, %get3A_599 : vector<16xf32>
      %swap3A_601 = arith.index_cast %scan3A_456 : i32 to index
      %swap3A_602 = arith.constant 64 : index
      %swap3A_603 = tpu.vector_load %arg9[%swap3A_601, %swap3A_602] {strides = array<i32>} : memref<64x128xf32, #tpu.memory_space<vmem>>, vector<1x16xf32>,
      %swap3A_604 = vector.shape_cast %swap3A_603 : vector<1x16xf32> to vector<16xf32>
      %swap3A_605 = vector.shape_cast %add3A_600 : vector<16xf32> to vector<1x16xf32>
      tpu.vector_store %arg9[%swap3A_601, %swap3A_602], %swap3A_605 {strides = array<i32>} : memref<64x128xf32, #tpu.memory_space<vmem>>, vector<1x16xf32>,
      %get3A_606 = arith.index_cast %scan3A_456 : i32 to index
      %get3A_607 = arith.constant 80 : index
      %get3A_608 = tpu.vector_load %arg6[%get3A_606, %get3A_607] {strides = array<i32>} : memref<256x128xf32, #tpu.memory_space<vmem>>, vector<1x16xf32>,
      %get3A_609 = vector.shape_cast %get3A_608 : vector<1x16xf32> to vector<16xf32>
      %add3A_610 = arith.constant 64 : i32
      %add3A_611 = arith.addi %scan3A_456, %add3A_610 : i32
      %get3A_612 = arith.index_cast %add3A_611 : i32 to index
      %get3A_613 = arith.constant 80 : index
      %get3A_614 = tpu.vector_load %arg6[%get3A_612, %get3A_613] {strides = array<i32>} : memref<256x128xf32, #tpu.memory_space<vmem>>, vector<1x16xf32>,
      %get3A_615 = vector.shape_cast %get3A_614 : vector<1x16xf32> to vector<16xf32>
      %add3A_616 = arith.addf %get3A_609, %get3A_615 : vector<16xf32>
      %add3A_617 = arith.constant 128 : i32
      %add3A_618 = arith.addi %scan3A_456, %add3A_617 : i32
      %get3A_619 = arith.index_cast %add3A_618 : i32 to index
      %get3A_620 = arith.constant 80 : index
      %get3A_621 = tpu.vector_load %arg6[%get3A_619, %get3A_620] {strides = array<i32>} : memref<256x128xf32, #tpu.memory_space<vmem>>, vector<1x16xf32>,
      %get3A_622 = vector.shape_cast %get3A_621 : vector<1x16xf32> to vector<16xf32>
      %add3A_623 = arith.addf %add3A_616, %get3A_622 : vector<16xf32>
      %add3A_624 = arith.constant 192 : i32
      %add3A_625 = arith.addi %scan3A_456, %add3A_624 : i32
      %get3A_626 = arith.index_cast %add3A_625 : i32 to index
      %get3A_627 = arith.constant 80 : index
      %get3A_628 = tpu.vector_load %arg6[%get3A_626, %get3A_627] {strides = array<i32>} : memref<256x128xf32, #tpu.memory_space<vmem>>, vector<1x16xf32>,
      %get3A_629 = vector.shape_cast %get3A_628 : vector<1x16xf32> to vector<16xf32>
      %add3A_630 = arith.addf %add3A_623, %get3A_629 : vector<16xf32>
      %swap3A_631 = arith.index_cast %scan3A_456 : i32 to index
      %swap3A_632 = arith.constant 80 : index
      %swap3A_633 = tpu.vector_load %arg9[%swap3A_631, %swap3A_632] {strides = array<i32>} : memref<64x128xf32, #tpu.memory_space<vmem>>, vector<1x16xf32>,
      %swap3A_634 = vector.shape_cast %swap3A_633 : vector<1x16xf32> to vector<16xf32>
      %swap3A_635 = vector.shape_cast %add3A_630 : vector<16xf32> to vector<1x16xf32>
      tpu.vector_store %arg9[%swap3A_631, %swap3A_632], %swap3A_635 {strides = array<i32>} : memref<64x128xf32, #tpu.memory_space<vmem>>, vector<1x16xf32>,
      %get3A_636 = arith.index_cast %scan3A_456 : i32 to index
      %get3A_637 = arith.constant 96 : index
      %get3A_638 = tpu.vector_load %arg6[%get3A_636, %get3A_637] {strides = array<i32>} : memref<256x128xf32, #tpu.memory_space<vmem>>, vector<1x16xf32>,
      %get3A_639 = vector.shape_cast %get3A_638 : vector<1x16xf32> to vector<16xf32>
      %add3A_640 = arith.constant 64 : i32
      %add3A_641 = arith.addi %scan3A_456, %add3A_640 : i32
      %get3A_642 = arith.index_cast %add3A_641 : i32 to index
      %get3A_643 = arith.constant 96 : index
      %get3A_644 = tpu.vector_load %arg6[%get3A_642, %get3A_643] {strides = array<i32>} : memref<256x128xf32, #tpu.memory_space<vmem>>, vector<1x16xf32>,
      %get3A_645 = vector.shape_cast %get3A_644 : vector<1x16xf32> to vector<16xf32>
      %add3A_646 = arith.addf %get3A_639, %get3A_645 : vector<16xf32>
      %add3A_647 = arith.constant 128 : i32
      %add3A_648 = arith.addi %scan3A_456, %add3A_647 : i32
      %get3A_649 = arith.index_cast %add3A_648 : i32 to index
      %get3A_650 = arith.constant 96 : index
      %get3A_651 = tpu.vector_load %arg6[%get3A_649, %get3A_650] {strides = array<i32>} : memref<256x128xf32, #tpu.memory_space<vmem>>, vector<1x16xf32>,
      %get3A_652 = vector.shape_cast %get3A_651 : vector<1x16xf32> to vector<16xf32>
      %add3A_653 = arith.addf %add3A_646, %get3A_652 : vector<16xf32>
      %add3A_654 = arith.constant 192 : i32
      %add3A_655 = arith.addi %scan3A_456, %add3A_654 : i32
      %get3A_656 = arith.index_cast %add3A_655 : i32 to index
      %get3A_657 = arith.constant 96 : index
      %get3A_658 = tpu.vector_load %arg6[%get3A_656, %get3A_657] {strides = array<i32>} : memref<256x128xf32, #tpu.memory_space<vmem>>, vector<1x16xf32>,
      %get3A_659 = vector.shape_cast %get3A_658 : vector<1x16xf32> to vector<16xf32>
      %add3A_660 = arith.addf %add3A_653, %get3A_659 : vector<16xf32>
      %swap3A_661 = arith.index_cast %scan3A_456 : i32 to index
      %swap3A_662 = arith.constant 96 : index
      %swap3A_663 = tpu.vector_load %arg9[%swap3A_661, %swap3A_662] {strides = array<i32>} : memref<64x128xf32, #tpu.memory_space<vmem>>, vector<1x16xf32>,
      %swap3A_664 = vector.shape_cast %swap3A_663 : vector<1x16xf32> to vector<16xf32>
      %swap3A_665 = vector.shape_cast %add3A_660 : vector<16xf32> to vector<1x16xf32>
      tpu.vector_store %arg9[%swap3A_661, %swap3A_662], %swap3A_665 {strides = array<i32>} : memref<64x128xf32, #tpu.memory_space<vmem>>, vector<1x16xf32>,
      %get3A_666 = arith.index_cast %scan3A_456 : i32 to index
      %get3A_667 = arith.constant 112 : index
      %get3A_668 = tpu.vector_load %arg6[%get3A_666, %get3A_667] {strides = array<i32>} : memref<256x128xf32, #tpu.memory_space<vmem>>, vector<1x16xf32>,
      %get3A_669 = vector.shape_cast %get3A_668 : vector<1x16xf32> to vector<16xf32>
      %add3A_670 = arith.constant 64 : i32
      %add3A_671 = arith.addi %scan3A_456, %add3A_670 : i32
      %get3A_672 = arith.index_cast %add3A_671 : i32 to index
      %get3A_673 = arith.constant 112 : index
      %get3A_674 = tpu.vector_load %arg6[%get3A_672, %get3A_673] {strides = array<i32>} : memref<256x128xf32, #tpu.memory_space<vmem>>, vector<1x16xf32>,
      %get3A_675 = vector.shape_cast %get3A_674 : vector<1x16xf32> to vector<16xf32>
      %add3A_676 = arith.addf %get3A_669, %get3A_675 : vector<16xf32>
      %add3A_677 = arith.constant 128 : i32
      %add3A_678 = arith.addi %scan3A_456, %add3A_677 : i32
      %get3A_679 = arith.index_cast %add3A_678 : i32 to index
      %get3A_680 = arith.constant 112 : index
      %get3A_681 = tpu.vector_load %arg6[%get3A_679, %get3A_680] {strides = array<i32>} : memref<256x128xf32, #tpu.memory_space<vmem>>, vector<1x16xf32>,
      %get3A_682 = vector.shape_cast %get3A_681 : vector<1x16xf32> to vector<16xf32>
      %add3A_683 = arith.addf %add3A_676, %get3A_682 : vector<16xf32>
      %add3A_684 = arith.constant 192 : i32
      %add3A_685 = arith.addi %scan3A_456, %add3A_684 : i32
      %get3A_686 = arith.index_cast %add3A_685 : i32 to index
      %get3A_687 = arith.constant 112 : index
      %get3A_688 = tpu.vector_load %arg6[%get3A_686, %get3A_687] {strides = array<i32>} : memref<256x128xf32, #tpu.memory_space<vmem>>, vector<1x16xf32>,
      %get3A_689 = vector.shape_cast %get3A_688 : vector<1x16xf32> to vector<16xf32>
      %add3A_690 = arith.addf %add3A_683, %get3A_689 : vector<16xf32>
      %swap3A_691 = arith.index_cast %scan3A_456 : i32 to index
      %swap3A_692 = arith.constant 112 : index
      %swap3A_693 = tpu.vector_load %arg9[%swap3A_691, %swap3A_692] {strides = array<i32>} : memref<64x128xf32, #tpu.memory_space<vmem>>, vector<1x16xf32>,
      %swap3A_694 = vector.shape_cast %swap3A_693 : vector<1x16xf32> to vector<16xf32>
      %swap3A_695 = vector.shape_cast %add3A_690 : vector<16xf32> to vector<1x16xf32>
      tpu.vector_store %arg9[%swap3A_691, %swap3A_692], %swap3A_695 {strides = array<i32>} : memref<64x128xf32, #tpu.memory_space<vmem>>, vector<1x16xf32>,
      %scan3A_696 = arith.constant 0 : i32
      scf.yield %scan3A_696 : i32
    }
    %scan3A_86 = arith.constant 64 : i32
    "tpu.trace_stop"() : () -> ()
    %add3A_87 = arith.constant 0 : i32
    %add3A_88 = arith.addi %mul3A_2, %add3A_87 : i32
    %dma_start3A_89 = arith.constant 0 : i32
    %dma_start3A_90 = tpu.memref_slice %arg4[%add3A_88, %dma_start3A_89] : memref<16384x128xf32, #tpu.memory_space<hbm>> -> memref<64x128xf32, #tpu.memory_space<hbm>>
    %dma_start3A_91 = arith.constant 0 : i32
    %dma_start3A_92 = tpu.memref_slice %arg4[%add3A_88, %dma_start3A_91] : memref<16384x128xf32, #tpu.memory_space<hbm>> -> memref<64x128xf32, #tpu.memory_space<hbm>>
    tpu.enqueue_dma source(%arg9 : memref<64x128xf32, #tpu.memory_space<vmem>>) target(%dma_start3A_92 : memref<64x128xf32, #tpu.memory_space<hbm>>) target_semaphore(%arg15 : memref<!tpu.dma_semaphore, #tpu.memory_space<semaphore_mem>>)
    %dma_start3A_93 = arith.constant 6 : i32
    %dma_start3A_94 = arith.constant 0 : i32
    %dma_start3A_95 = arith.constant 0 : i32
    %dma_start3A_96 = tpu.memref_slice %arg6[%dma_start3A_94, %dma_start3A_95] : memref<256x128xf32, #tpu.memory_space<vmem>> -> memref<128x128xf32, #tpu.memory_space<vmem>>
    %dma_start3A_97 = arith.constant 0 : i32
    %dma_start3A_98 = tpu.memref_slice %arg5[%dma_start3A_93, %dma_start3A_97] : memref<16x128xi32, #tpu.memory_space<vmem>> -> memref<1x128xi32, #tpu.memory_space<vmem>>
    %dma_start3A_99 = tpu.memref_squeeze %dma_start3A_98 : memref<1x128xi32, #tpu.memory_space<vmem>> -> memref<128xi32, #tpu.memory_space<vmem>>
    %dma_start3A_100 = arith.constant 0 : i32
    %dma_start3A_101 = arith.constant 0 : i32
    %dma_start3A_102 = tpu.memref_slice %arg3[%dma_start3A_100, %dma_start3A_101] : memref<4000x128xf32, #tpu.memory_space<hbm>> -> memref<4000x128xf32, #tpu.memory_space<hbm>>
    tpu.enqueue_indirect_dma source(%dma_start3A_102 : memref<4000x128xf32, #tpu.memory_space<hbm>>) target(%dma_start3A_96 : memref<128x128xf32, #tpu.memory_space<vmem>>) offsets(%dma_start3A_99 : memref<128xi32, #tpu.memory_space<vmem>>) semaphore(%arg12 : memref<!tpu.dma_semaphore, #tpu.memory_space<semaphore_mem>>)
    %dma_start3A_103 = arith.constant 7 : i32
    %dma_start3A_104 = arith.constant 128 : i32
    %dma_start3A_105 = arith.constant 0 : i32
    %dma_start3A_106 = tpu.memref_slice %arg6[%dma_start3A_104, %dma_start3A_105] : memref<256x128xf32, #tpu.memory_space<vmem>> -> memref<128x128xf32, #tpu.memory_space<vmem>>
    %dma_start3A_107 = arith.constant 0 : i32
    %dma_start3A_108 = tpu.memref_slice %arg5[%dma_start3A_103, %dma_start3A_107] : memref<16x128xi32, #tpu.memory_space<vmem>> -> memref<1x128xi32, #tpu.memory_space<vmem>>
    %dma_start3A_109 = tpu.memref_squeeze %dma_start3A_108 : memref<1x128xi32, #tpu.memory_space<vmem>> -> memref<128xi32, #tpu.memory_space<vmem>>
    %dma_start3A_110 = arith.constant 0 : i32
    %dma_start3A_111 = arith.constant 0 : i32
    %dma_start3A_112 = tpu.memref_slice %arg3[%dma_start3A_110, %dma_start3A_111] : memref<4000x128xf32, #tpu.memory_space<hbm>> -> memref<4000x128xf32, #tpu.memory_space<hbm>>
    tpu.enqueue_indirect_dma source(%dma_start3A_112 : memref<4000x128xf32, #tpu.memory_space<hbm>>) target(%dma_start3A_106 : memref<128x128xf32, #tpu.memory_space<vmem>>) offsets(%dma_start3A_109 : memref<128xi32, #tpu.memory_space<vmem>>) semaphore(%arg12 : memref<!tpu.dma_semaphore, #tpu.memory_space<semaphore_mem>>)
    %dma_wait3A_113 = arith.constant 2 : i32
    "tpu.trace_start"() <{level = 10 : i32, message = "gwait"}> : () -> ()
    %dma_wait3A_114 = arith.constant 0 : i32
    %dma_wait3A_115 = arith.constant 0 : i32
    %dma_wait3A_116 = tpu.memref_slice %arg7[%dma_wait3A_114, %dma_wait3A_115] : memref<256x128xf32, #tpu.memory_space<vmem>> -> memref<128x128xf32, #tpu.memory_space<vmem>>
    %dma_wait3A_117 = arith.constant 0 : i32
    %dma_wait3A_118 = tpu.memref_slice %arg5[%dma_wait3A_113, %dma_wait3A_117] : memref<16x128xi32, #tpu.memory_space<vmem>> -> memref<1x128xi32, #tpu.memory_space<vmem>>
    %dma_wait3A_119 = tpu.memref_squeeze %dma_wait3A_118 : memref<1x128xi32, #tpu.memory_space<vmem>> -> memref<128xi32, #tpu.memory_space<vmem>>
    %dma_wait3A_120 = arith.constant 0 : i32
    %dma_wait3A_121 = arith.constant 0 : i32
    %dma_wait3A_122 = tpu.memref_slice %arg3[%dma_wait3A_120, %dma_wait3A_121] : memref<4000x128xf32, #tpu.memory_space<hbm>> -> memref<4000x128xf32, #tpu.memory_space<hbm>>
    tpu.wait_indirect_dma semaphore(%arg13 : memref<!tpu.dma_semaphore, #tpu.memory_space<semaphore_mem>>) src(%dma_wait3A_122 : memref<4000x128xf32, #tpu.memory_space<hbm>>) dst(%dma_wait3A_116 : memref<128x128xf32, #tpu.memory_space<vmem>>)
    %dma_wait3A_123 = arith.constant 3 : i32
    %dma_wait3A_124 = arith.constant 128 : i32
    %dma_wait3A_125 = arith.constant 0 : i32
    %dma_wait3A_126 = tpu.memref_slice %arg7[%dma_wait3A_124, %dma_wait3A_125] : memref<256x128xf32, #tpu.memory_space<vmem>> -> memref<128x128xf32, #tpu.memory_space<vmem>>
    %dma_wait3A_127 = arith.constant 0 : i32
    %dma_wait3A_128 = tpu.memref_slice %arg5[%dma_wait3A_123, %dma_wait3A_127] : memref<16x128xi32, #tpu.memory_space<vmem>> -> memref<1x128xi32, #tpu.memory_space<vmem>>
    %dma_wait3A_129 = tpu.memref_squeeze %dma_wait3A_128 : memref<1x128xi32, #tpu.memory_space<vmem>> -> memref<128xi32, #tpu.memory_space<vmem>>
    %dma_wait3A_130 = arith.constant 0 : i32
    %dma_wait3A_131 = arith.constant 0 : i32
    %dma_wait3A_132 = tpu.memref_slice %arg3[%dma_wait3A_130, %dma_wait3A_131] : memref<4000x128xf32, #tpu.memory_space<hbm>> -> memref<4000x128xf32, #tpu.memory_space<hbm>>
    tpu.wait_indirect_dma semaphore(%arg13 : memref<!tpu.dma_semaphore, #tpu.memory_space<semaphore_mem>>) src(%dma_wait3A_132 : memref<4000x128xf32, #tpu.memory_space<hbm>>) dst(%dma_wait3A_126 : memref<128x128xf32, #tpu.memory_space<vmem>>)
    "tpu.trace_stop"() : () -> ()
    "tpu.trace_start"() <{level = 10 : i32, message = "adds"}> : () -> ()
    %scan3A_133 = arith.constant 0 : i32
    %scan3A_134 = arith.constant 0 : i32
    %scan3A_135 = arith.constant 64 : i32
    %scan3A_136 = arith.addi %scan3A_134, %scan3A_135 : i32
    %scan3A_137 = arith.constant 1 : i32
    %scan3A_138 = scf.for %scan3A_456 = %scan3A_134 to %scan3A_136 step %scan3A_137 iter_args(%scan3A_457 = %scan3A_133) -> (i32)  : i32 {
      %get3A = arith.index_cast %scan3A_456 : i32 to index
      %get3A_458 = arith.constant 0 : index
      %get3A_459 = tpu.vector_load %arg7[%get3A, %get3A_458] {strides = array<i32>} : memref<256x128xf32, #tpu.memory_space<vmem>>, vector<1x16xf32>,
      %get3A_460 = vector.shape_cast %get3A_459 : vector<1x16xf32> to vector<16xf32>
      %add3A_461 = arith.constant 64 : i32
      %add3A_462 = arith.addi %scan3A_456, %add3A_461 : i32
      %get3A_463 = arith.index_cast %add3A_462 : i32 to index
      %get3A_464 = arith.constant 0 : index
      %get3A_465 = tpu.vector_load %arg7[%get3A_463, %get3A_464] {strides = array<i32>} : memref<256x128xf32, #tpu.memory_space<vmem>>, vector<1x16xf32>,
      %get3A_466 = vector.shape_cast %get3A_465 : vector<1x16xf32> to vector<16xf32>
      %add3A_467 = arith.addf %get3A_460, %get3A_466 : vector<16xf32>
      %add3A_468 = arith.constant 128 : i32
      %add3A_469 = arith.addi %scan3A_456, %add3A_468 : i32
      %get3A_470 = arith.index_cast %add3A_469 : i32 to index
      %get3A_471 = arith.constant 0 : index
      %get3A_472 = tpu.vector_load %arg7[%get3A_470, %get3A_471] {strides = array<i32>} : memref<256x128xf32, #tpu.memory_space<vmem>>, vector<1x16xf32>,
      %get3A_473 = vector.shape_cast %get3A_472 : vector<1x16xf32> to vector<16xf32>
      %add3A_474 = arith.addf %add3A_467, %get3A_473 : vector<16xf32>
      %add3A_475 = arith.constant 192 : i32
      %add3A_476 = arith.addi %scan3A_456, %add3A_475 : i32
      %get3A_477 = arith.index_cast %add3A_476 : i32 to index
      %get3A_478 = arith.constant 0 : index
      %get3A_479 = tpu.vector_load %arg7[%get3A_477, %get3A_478] {strides = array<i32>} : memref<256x128xf32, #tpu.memory_space<vmem>>, vector<1x16xf32>,
      %get3A_480 = vector.shape_cast %get3A_479 : vector<1x16xf32> to vector<16xf32>
      %add3A_481 = arith.addf %add3A_474, %get3A_480 : vector<16xf32>
      %swap3A = arith.index_cast %scan3A_456 : i32 to index
      %swap3A_482 = arith.constant 0 : index
      %swap3A_483 = tpu.vector_load %arg10[%swap3A, %swap3A_482] {strides = array<i32>} : memref<64x128xf32, #tpu.memory_space<vmem>>, vector<1x16xf32>,
      %swap3A_484 = vector.shape_cast %swap3A_483 : vector<1x16xf32> to vector<16xf32>
      %swap3A_485 = vector.shape_cast %add3A_481 : vector<16xf32> to vector<1x16xf32>
      tpu.vector_store %arg10[%swap3A, %swap3A_482], %swap3A_485 {strides = array<i32>} : memref<64x128xf32, #tpu.memory_space<vmem>>, vector<1x16xf32>,
      %get3A_486 = arith.index_cast %scan3A_456 : i32 to index
      %get3A_487 = arith.constant 16 : index
      %get3A_488 = tpu.vector_load %arg7[%get3A_486, %get3A_487] {strides = array<i32>} : memref<256x128xf32, #tpu.memory_space<vmem>>, vector<1x16xf32>,
      %get3A_489 = vector.shape_cast %get3A_488 : vector<1x16xf32> to vector<16xf32>
      %add3A_490 = arith.constant 64 : i32
      %add3A_491 = arith.addi %scan3A_456, %add3A_490 : i32
      %get3A_492 = arith.index_cast %add3A_491 : i32 to index
      %get3A_493 = arith.constant 16 : index
      %get3A_494 = tpu.vector_load %arg7[%get3A_492, %get3A_493] {strides = array<i32>} : memref<256x128xf32, #tpu.memory_space<vmem>>, vector<1x16xf32>,
      %get3A_495 = vector.shape_cast %get3A_494 : vector<1x16xf32> to vector<16xf32>
      %add3A_496 = arith.addf %get3A_489, %get3A_495 : vector<16xf32>
      %add3A_497 = arith.constant 128 : i32
      %add3A_498 = arith.addi %scan3A_456, %add3A_497 : i32
      %get3A_499 = arith.index_cast %add3A_498 : i32 to index
      %get3A_500 = arith.constant 16 : index
      %get3A_501 = tpu.vector_load %arg7[%get3A_499, %get3A_500] {strides = array<i32>} : memref<256x128xf32, #tpu.memory_space<vmem>>, vector<1x16xf32>,
      %get3A_502 = vector.shape_cast %get3A_501 : vector<1x16xf32> to vector<16xf32>
      %add3A_503 = arith.addf %add3A_496, %get3A_502 : vector<16xf32>
      %add3A_504 = arith.constant 192 : i32
      %add3A_505 = arith.addi %scan3A_456, %add3A_504 : i32
      %get3A_506 = arith.index_cast %add3A_505 : i32 to index
      %get3A_507 = arith.constant 16 : index
      %get3A_508 = tpu.vector_load %arg7[%get3A_506, %get3A_507] {strides = array<i32>} : memref<256x128xf32, #tpu.memory_space<vmem>>, vector<1x16xf32>,
      %get3A_509 = vector.shape_cast %get3A_508 : vector<1x16xf32> to vector<16xf32>
      %add3A_510 = arith.addf %add3A_503, %get3A_509 : vector<16xf32>
      %swap3A_511 = arith.index_cast %scan3A_456 : i32 to index
      %swap3A_512 = arith.constant 16 : index
      %swap3A_513 = tpu.vector_load %arg10[%swap3A_511, %swap3A_512] {strides = array<i32>} : memref<64x128xf32, #tpu.memory_space<vmem>>, vector<1x16xf32>,
      %swap3A_514 = vector.shape_cast %swap3A_513 : vector<1x16xf32> to vector<16xf32>
      %swap3A_515 = vector.shape_cast %add3A_510 : vector<16xf32> to vector<1x16xf32>
      tpu.vector_store %arg10[%swap3A_511, %swap3A_512], %swap3A_515 {strides = array<i32>} : memref<64x128xf32, #tpu.memory_space<vmem>>, vector<1x16xf32>,
      %get3A_516 = arith.index_cast %scan3A_456 : i32 to index
      %get3A_517 = arith.constant 32 : index
      %get3A_518 = tpu.vector_load %arg7[%get3A_516, %get3A_517] {strides = array<i32>} : memref<256x128xf32, #tpu.memory_space<vmem>>, vector<1x16xf32>,
      %get3A_519 = vector.shape_cast %get3A_518 : vector<1x16xf32> to vector<16xf32>
      %add3A_520 = arith.constant 64 : i32
      %add3A_521 = arith.addi %scan3A_456, %add3A_520 : i32
      %get3A_522 = arith.index_cast %add3A_521 : i32 to index
      %get3A_523 = arith.constant 32 : index
      %get3A_524 = tpu.vector_load %arg7[%get3A_522, %get3A_523] {strides = array<i32>} : memref<256x128xf32, #tpu.memory_space<vmem>>, vector<1x16xf32>,
      %get3A_525 = vector.shape_cast %get3A_524 : vector<1x16xf32> to vector<16xf32>
      %add3A_526 = arith.addf %get3A_519, %get3A_525 : vector<16xf32>
      %add3A_527 = arith.constant 128 : i32
      %add3A_528 = arith.addi %scan3A_456, %add3A_527 : i32
      %get3A_529 = arith.index_cast %add3A_528 : i32 to index
      %get3A_530 = arith.constant 32 : index
      %get3A_531 = tpu.vector_load %arg7[%get3A_529, %get3A_530] {strides = array<i32>} : memref<256x128xf32, #tpu.memory_space<vmem>>, vector<1x16xf32>,
      %get3A_532 = vector.shape_cast %get3A_531 : vector<1x16xf32> to vector<16xf32>
      %add3A_533 = arith.addf %add3A_526, %get3A_532 : vector<16xf32>
      %add3A_534 = arith.constant 192 : i32
      %add3A_535 = arith.addi %scan3A_456, %add3A_534 : i32
      %get3A_536 = arith.index_cast %add3A_535 : i32 to index
      %get3A_537 = arith.constant 32 : index
      %get3A_538 = tpu.vector_load %arg7[%get3A_536, %get3A_537] {strides = array<i32>} : memref<256x128xf32, #tpu.memory_space<vmem>>, vector<1x16xf32>,
      %get3A_539 = vector.shape_cast %get3A_538 : vector<1x16xf32> to vector<16xf32>
      %add3A_540 = arith.addf %add3A_533, %get3A_539 : vector<16xf32>
      %swap3A_541 = arith.index_cast %scan3A_456 : i32 to index
      %swap3A_542 = arith.constant 32 : index
      %swap3A_543 = tpu.vector_load %arg10[%swap3A_541, %swap3A_542] {strides = array<i32>} : memref<64x128xf32, #tpu.memory_space<vmem>>, vector<1x16xf32>,
      %swap3A_544 = vector.shape_cast %swap3A_543 : vector<1x16xf32> to vector<16xf32>
      %swap3A_545 = vector.shape_cast %add3A_540 : vector<16xf32> to vector<1x16xf32>
      tpu.vector_store %arg10[%swap3A_541, %swap3A_542], %swap3A_545 {strides = array<i32>} : memref<64x128xf32, #tpu.memory_space<vmem>>, vector<1x16xf32>,
      %get3A_546 = arith.index_cast %scan3A_456 : i32 to index
      %get3A_547 = arith.constant 48 : index
      %get3A_548 = tpu.vector_load %arg7[%get3A_546, %get3A_547] {strides = array<i32>} : memref<256x128xf32, #tpu.memory_space<vmem>>, vector<1x16xf32>,
      %get3A_549 = vector.shape_cast %get3A_548 : vector<1x16xf32> to vector<16xf32>
      %add3A_550 = arith.constant 64 : i32
      %add3A_551 = arith.addi %scan3A_456, %add3A_550 : i32
      %get3A_552 = arith.index_cast %add3A_551 : i32 to index
      %get3A_553 = arith.constant 48 : index
      %get3A_554 = tpu.vector_load %arg7[%get3A_552, %get3A_553] {strides = array<i32>} : memref<256x128xf32, #tpu.memory_space<vmem>>, vector<1x16xf32>,
      %get3A_555 = vector.shape_cast %get3A_554 : vector<1x16xf32> to vector<16xf32>
      %add3A_556 = arith.addf %get3A_549, %get3A_555 : vector<16xf32>
      %add3A_557 = arith.constant 128 : i32
      %add3A_558 = arith.addi %scan3A_456, %add3A_557 : i32
      %get3A_559 = arith.index_cast %add3A_558 : i32 to index
      %get3A_560 = arith.constant 48 : index
      %get3A_561 = tpu.vector_load %arg7[%get3A_559, %get3A_560] {strides = array<i32>} : memref<256x128xf32, #tpu.memory_space<vmem>>, vector<1x16xf32>,
      %get3A_562 = vector.shape_cast %get3A_561 : vector<1x16xf32> to vector<16xf32>
      %add3A_563 = arith.addf %add3A_556, %get3A_562 : vector<16xf32>
      %add3A_564 = arith.constant 192 : i32
      %add3A_565 = arith.addi %scan3A_456, %add3A_564 : i32
      %get3A_566 = arith.index_cast %add3A_565 : i32 to index
      %get3A_567 = arith.constant 48 : index
      %get3A_568 = tpu.vector_load %arg7[%get3A_566, %get3A_567] {strides = array<i32>} : memref<256x128xf32, #tpu.memory_space<vmem>>, vector<1x16xf32>,
      %get3A_569 = vector.shape_cast %get3A_568 : vector<1x16xf32> to vector<16xf32>
      %add3A_570 = arith.addf %add3A_563, %get3A_569 : vector<16xf32>
      %swap3A_571 = arith.index_cast %scan3A_456 : i32 to index
      %swap3A_572 = arith.constant 48 : index
      %swap3A_573 = tpu.vector_load %arg10[%swap3A_571, %swap3A_572] {strides = array<i32>} : memref<64x128xf32, #tpu.memory_space<vmem>>, vector<1x16xf32>,
      %swap3A_574 = vector.shape_cast %swap3A_573 : vector<1x16xf32> to vector<16xf32>
      %swap3A_575 = vector.shape_cast %add3A_570 : vector<16xf32> to vector<1x16xf32>
      tpu.vector_store %arg10[%swap3A_571, %swap3A_572], %swap3A_575 {strides = array<i32>} : memref<64x128xf32, #tpu.memory_space<vmem>>, vector<1x16xf32>,
      %get3A_576 = arith.index_cast %scan3A_456 : i32 to index
      %get3A_577 = arith.constant 64 : index
      %get3A_578 = tpu.vector_load %arg7[%get3A_576, %get3A_577] {strides = array<i32>} : memref<256x128xf32, #tpu.memory_space<vmem>>, vector<1x16xf32>,
      %get3A_579 = vector.shape_cast %get3A_578 : vector<1x16xf32> to vector<16xf32>
      %add3A_580 = arith.constant 64 : i32
      %add3A_581 = arith.addi %scan3A_456, %add3A_580 : i32
      %get3A_582 = arith.index_cast %add3A_581 : i32 to index
      %get3A_583 = arith.constant 64 : index
      %get3A_584 = tpu.vector_load %arg7[%get3A_582, %get3A_583] {strides = array<i32>} : memref<256x128xf32, #tpu.memory_space<vmem>>, vector<1x16xf32>,
      %get3A_585 = vector.shape_cast %get3A_584 : vector<1x16xf32> to vector<16xf32>
      %add3A_586 = arith.addf %get3A_579, %get3A_585 : vector<16xf32>
      %add3A_587 = arith.constant 128 : i32
      %add3A_588 = arith.addi %scan3A_456, %add3A_587 : i32
      %get3A_589 = arith.index_cast %add3A_588 : i32 to index
      %get3A_590 = arith.constant 64 : index
      %get3A_591 = tpu.vector_load %arg7[%get3A_589, %get3A_590] {strides = array<i32>} : memref<256x128xf32, #tpu.memory_space<vmem>>, vector<1x16xf32>,
      %get3A_592 = vector.shape_cast %get3A_591 : vector<1x16xf32> to vector<16xf32>
      %add3A_593 = arith.addf %add3A_586, %get3A_592 : vector<16xf32>
      %add3A_594 = arith.constant 192 : i32
      %add3A_595 = arith.addi %scan3A_456, %add3A_594 : i32
      %get3A_596 = arith.index_cast %add3A_595 : i32 to index
      %get3A_597 = arith.constant 64 : index
      %get3A_598 = tpu.vector_load %arg7[%get3A_596, %get3A_597] {strides = array<i32>} : memref<256x128xf32, #tpu.memory_space<vmem>>, vector<1x16xf32>,
      %get3A_599 = vector.shape_cast %get3A_598 : vector<1x16xf32> to vector<16xf32>
      %add3A_600 = arith.addf %add3A_593, %get3A_599 : vector<16xf32>
      %swap3A_601 = arith.index_cast %scan3A_456 : i32 to index
      %swap3A_602 = arith.constant 64 : index
      %swap3A_603 = tpu.vector_load %arg10[%swap3A_601, %swap3A_602] {strides = array<i32>} : memref<64x128xf32, #tpu.memory_space<vmem>>, vector<1x16xf32>,
      %swap3A_604 = vector.shape_cast %swap3A_603 : vector<1x16xf32> to vector<16xf32>
      %swap3A_605 = vector.shape_cast %add3A_600 : vector<16xf32> to vector<1x16xf32>
      tpu.vector_store %arg10[%swap3A_601, %swap3A_602], %swap3A_605 {strides = array<i32>} : memref<64x128xf32, #tpu.memory_space<vmem>>, vector<1x16xf32>,
      %get3A_606 = arith.index_cast %scan3A_456 : i32 to index
      %get3A_607 = arith.constant 80 : index
      %get3A_608 = tpu.vector_load %arg7[%get3A_606, %get3A_607] {strides = array<i32>} : memref<256x128xf32, #tpu.memory_space<vmem>>, vector<1x16xf32>,
      %get3A_609 = vector.shape_cast %get3A_608 : vector<1x16xf32> to vector<16xf32>
      %add3A_610 = arith.constant 64 : i32
      %add3A_611 = arith.addi %scan3A_456, %add3A_610 : i32
      %get3A_612 = arith.index_cast %add3A_611 : i32 to index
      %get3A_613 = arith.constant 80 : index
      %get3A_614 = tpu.vector_load %arg7[%get3A_612, %get3A_613] {strides = array<i32>} : memref<256x128xf32, #tpu.memory_space<vmem>>, vector<1x16xf32>,
      %get3A_615 = vector.shape_cast %get3A_614 : vector<1x16xf32> to vector<16xf32>
      %add3A_616 = arith.addf %get3A_609, %get3A_615 : vector<16xf32>
      %add3A_617 = arith.constant 128 : i32
      %add3A_618 = arith.addi %scan3A_456, %add3A_617 : i32
      %get3A_619 = arith.index_cast %add3A_618 : i32 to index
      %get3A_620 = arith.constant 80 : index
      %get3A_621 = tpu.vector_load %arg7[%get3A_619, %get3A_620] {strides = array<i32>} : memref<256x128xf32, #tpu.memory_space<vmem>>, vector<1x16xf32>,
      %get3A_622 = vector.shape_cast %get3A_621 : vector<1x16xf32> to vector<16xf32>
      %add3A_623 = arith.addf %add3A_616, %get3A_622 : vector<16xf32>
      %add3A_624 = arith.constant 192 : i32
      %add3A_625 = arith.addi %scan3A_456, %add3A_624 : i32
      %get3A_626 = arith.index_cast %add3A_625 : i32 to index
      %get3A_627 = arith.constant 80 : index
      %get3A_628 = tpu.vector_load %arg7[%get3A_626, %get3A_627] {strides = array<i32>} : memref<256x128xf32, #tpu.memory_space<vmem>>, vector<1x16xf32>,
      %get3A_629 = vector.shape_cast %get3A_628 : vector<1x16xf32> to vector<16xf32>
      %add3A_630 = arith.addf %add3A_623, %get3A_629 : vector<16xf32>
      %swap3A_631 = arith.index_cast %scan3A_456 : i32 to index
      %swap3A_632 = arith.constant 80 : index
      %swap3A_633 = tpu.vector_load %arg10[%swap3A_631, %swap3A_632] {strides = array<i32>} : memref<64x128xf32, #tpu.memory_space<vmem>>, vector<1x16xf32>,
      %swap3A_634 = vector.shape_cast %swap3A_633 : vector<1x16xf32> to vector<16xf32>
      %swap3A_635 = vector.shape_cast %add3A_630 : vector<16xf32> to vector<1x16xf32>
      tpu.vector_store %arg10[%swap3A_631, %swap3A_632], %swap3A_635 {strides = array<i32>} : memref<64x128xf32, #tpu.memory_space<vmem>>, vector<1x16xf32>,
      %get3A_636 = arith.index_cast %scan3A_456 : i32 to index
      %get3A_637 = arith.constant 96 : index
      %get3A_638 = tpu.vector_load %arg7[%get3A_636, %get3A_637] {strides = array<i32>} : memref<256x128xf32, #tpu.memory_space<vmem>>, vector<1x16xf32>,
      %get3A_639 = vector.shape_cast %get3A_638 : vector<1x16xf32> to vector<16xf32>
      %add3A_640 = arith.constant 64 : i32
      %add3A_641 = arith.addi %scan3A_456, %add3A_640 : i32
      %get3A_642 = arith.index_cast %add3A_641 : i32 to index
      %get3A_643 = arith.constant 96 : index
      %get3A_644 = tpu.vector_load %arg7[%get3A_642, %get3A_643] {strides = array<i32>} : memref<256x128xf32, #tpu.memory_space<vmem>>, vector<1x16xf32>,
      %get3A_645 = vector.shape_cast %get3A_644 : vector<1x16xf32> to vector<16xf32>
      %add3A_646 = arith.addf %get3A_639, %get3A_645 : vector<16xf32>
      %add3A_647 = arith.constant 128 : i32
      %add3A_648 = arith.addi %scan3A_456, %add3A_647 : i32
      %get3A_649 = arith.index_cast %add3A_648 : i32 to index
      %get3A_650 = arith.constant 96 : index
      %get3A_651 = tpu.vector_load %arg7[%get3A_649, %get3A_650] {strides = array<i32>} : memref<256x128xf32, #tpu.memory_space<vmem>>, vector<1x16xf32>,
      %get3A_652 = vector.shape_cast %get3A_651 : vector<1x16xf32> to vector<16xf32>
      %add3A_653 = arith.addf %add3A_646, %get3A_652 : vector<16xf32>
      %add3A_654 = arith.constant 192 : i32
      %add3A_655 = arith.addi %scan3A_456, %add3A_654 : i32
      %get3A_656 = arith.index_cast %add3A_655 : i32 to index
      %get3A_657 = arith.constant 96 : index
      %get3A_658 = tpu.vector_load %arg7[%get3A_656, %get3A_657] {strides = array<i32>} : memref<256x128xf32, #tpu.memory_space<vmem>>, vector<1x16xf32>,
      %get3A_659 = vector.shape_cast %get3A_658 : vector<1x16xf32> to vector<16xf32>
      %add3A_660 = arith.addf %add3A_653, %get3A_659 : vector<16xf32>
      %swap3A_661 = arith.index_cast %scan3A_456 : i32 to index
      %swap3A_662 = arith.constant 96 : index
      %swap3A_663 = tpu.vector_load %arg10[%swap3A_661, %swap3A_662] {strides = array<i32>} : memref<64x128xf32, #tpu.memory_space<vmem>>, vector<1x16xf32>,
      %swap3A_664 = vector.shape_cast %swap3A_663 : vector<1x16xf32> to vector<16xf32>
      %swap3A_665 = vector.shape_cast %add3A_660 : vector<16xf32> to vector<1x16xf32>
      tpu.vector_store %arg10[%swap3A_661, %swap3A_662], %swap3A_665 {strides = array<i32>} : memref<64x128xf32, #tpu.memory_space<vmem>>, vector<1x16xf32>,
      %get3A_666 = arith.index_cast %scan3A_456 : i32 to index
      %get3A_667 = arith.constant 112 : index
      %get3A_668 = tpu.vector_load %arg7[%get3A_666, %get3A_667] {strides = array<i32>} : memref<256x128xf32, #tpu.memory_space<vmem>>, vector<1x16xf32>,
      %get3A_669 = vector.shape_cast %get3A_668 : vector<1x16xf32> to vector<16xf32>
      %add3A_670 = arith.constant 64 : i32
      %add3A_671 = arith.addi %scan3A_456, %add3A_670 : i32
      %get3A_672 = arith.index_cast %add3A_671 : i32 to index
      %get3A_673 = arith.constant 112 : index
      %get3A_674 = tpu.vector_load %arg7[%get3A_672, %get3A_673] {strides = array<i32>} : memref<256x128xf32, #tpu.memory_space<vmem>>, vector<1x16xf32>,
      %get3A_675 = vector.shape_cast %get3A_674 : vector<1x16xf32> to vector<16xf32>
      %add3A_676 = arith.addf %get3A_669, %get3A_675 : vector<16xf32>
      %add3A_677 = arith.constant 128 : i32
      %add3A_678 = arith.addi %scan3A_456, %add3A_677 : i32
      %get3A_679 = arith.index_cast %add3A_678 : i32 to index
      %get3A_680 = arith.constant 112 : index
      %get3A_681 = tpu.vector_load %arg7[%get3A_679, %get3A_680] {strides = array<i32>} : memref<256x128xf32, #tpu.memory_space<vmem>>, vector<1x16xf32>,
      %get3A_682 = vector.shape_cast %get3A_681 : vector<1x16xf32> to vector<16xf32>
      %add3A_683 = arith.addf %add3A_676, %get3A_682 : vector<16xf32>
      %add3A_684 = arith.constant 192 : i32
      %add3A_685 = arith.addi %scan3A_456, %add3A_684 : i32
      %get3A_686 = arith.index_cast %add3A_685 : i32 to index
      %get3A_687 = arith.constant 112 : index
      %get3A_688 = tpu.vector_load %arg7[%get3A_686, %get3A_687] {strides = array<i32>} : memref<256x128xf32, #tpu.memory_space<vmem>>, vector<1x16xf32>,
      %get3A_689 = vector.shape_cast %get3A_688 : vector<1x16xf32> to vector<16xf32>
      %add3A_690 = arith.addf %add3A_683, %get3A_689 : vector<16xf32>
      %swap3A_691 = arith.index_cast %scan3A_456 : i32 to index
      %swap3A_692 = arith.constant 112 : index
      %swap3A_693 = tpu.vector_load %arg10[%swap3A_691, %swap3A_692] {strides = array<i32>} : memref<64x128xf32, #tpu.memory_space<vmem>>, vector<1x16xf32>,
      %swap3A_694 = vector.shape_cast %swap3A_693 : vector<1x16xf32> to vector<16xf32>
      %swap3A_695 = vector.shape_cast %add3A_690 : vector<16xf32> to vector<1x16xf32>
      tpu.vector_store %arg10[%swap3A_691, %swap3A_692], %swap3A_695 {strides = array<i32>} : memref<64x128xf32, #tpu.memory_space<vmem>>, vector<1x16xf32>,
      %scan3A_696 = arith.constant 0 : i32
      scf.yield %scan3A_696 : i32
    }
    %scan3A_139 = arith.constant 64 : i32
    "tpu.trace_stop"() : () -> ()
    %add3A_140 = arith.constant 64 : i32
    %add3A_141 = arith.addi %mul3A_2, %add3A_140 : i32
    %dma_start3A_142 = arith.constant 0 : i32
    %dma_start3A_143 = tpu.memref_slice %arg4[%add3A_141, %dma_start3A_142] : memref<16384x128xf32, #tpu.memory_space<hbm>> -> memref<64x128xf32, #tpu.memory_space<hbm>>
    %dma_start3A_144 = arith.constant 0 : i32
    %dma_start3A_145 = tpu.memref_slice %arg4[%add3A_141, %dma_start3A_144] : memref<16384x128xf32, #tpu.memory_space<hbm>> -> memref<64x128xf32, #tpu.memory_space<hbm>>
    tpu.enqueue_dma source(%arg10 : memref<64x128xf32, #tpu.memory_space<vmem>>) target(%dma_start3A_145 : memref<64x128xf32, #tpu.memory_space<hbm>>) target_semaphore(%arg16 : memref<!tpu.dma_semaphore, #tpu.memory_space<semaphore_mem>>)
    %dma_start3A_146 = arith.constant 8 : i32
    %dma_start3A_147 = arith.constant 0 : i32
    %dma_start3A_148 = arith.constant 0 : i32
    %dma_start3A_149 = tpu.memref_slice %arg7[%dma_start3A_147, %dma_start3A_148] : memref<256x128xf32, #tpu.memory_space<vmem>> -> memref<128x128xf32, #tpu.memory_space<vmem>>
    %dma_start3A_150 = arith.constant 0 : i32
    %dma_start3A_151 = tpu.memref_slice %arg5[%dma_start3A_146, %dma_start3A_150] : memref<16x128xi32, #tpu.memory_space<vmem>> -> memref<1x128xi32, #tpu.memory_space<vmem>>
    %dma_start3A_152 = tpu.memref_squeeze %dma_start3A_151 : memref<1x128xi32, #tpu.memory_space<vmem>> -> memref<128xi32, #tpu.memory_space<vmem>>
    %dma_start3A_153 = arith.constant 0 : i32
    %dma_start3A_154 = arith.constant 0 : i32
    %dma_start3A_155 = tpu.memref_slice %arg3[%dma_start3A_153, %dma_start3A_154] : memref<4000x128xf32, #tpu.memory_space<hbm>> -> memref<4000x128xf32, #tpu.memory_space<hbm>>
    tpu.enqueue_indirect_dma source(%dma_start3A_155 : memref<4000x128xf32, #tpu.memory_space<hbm>>) target(%dma_start3A_149 : memref<128x128xf32, #tpu.memory_space<vmem>>) offsets(%dma_start3A_152 : memref<128xi32, #tpu.memory_space<vmem>>) semaphore(%arg13 : memref<!tpu.dma_semaphore, #tpu.memory_space<semaphore_mem>>)
    %dma_start3A_156 = arith.constant 9 : i32
    %dma_start3A_157 = arith.constant 128 : i32
    %dma_start3A_158 = arith.constant 0 : i32
    %dma_start3A_159 = tpu.memref_slice %arg7[%dma_start3A_157, %dma_start3A_158] : memref<256x128xf32, #tpu.memory_space<vmem>> -> memref<128x128xf32, #tpu.memory_space<vmem>>
    %dma_start3A_160 = arith.constant 0 : i32
    %dma_start3A_161 = tpu.memref_slice %arg5[%dma_start3A_156, %dma_start3A_160] : memref<16x128xi32, #tpu.memory_space<vmem>> -> memref<1x128xi32, #tpu.memory_space<vmem>>
    %dma_start3A_162 = tpu.memref_squeeze %dma_start3A_161 : memref<1x128xi32, #tpu.memory_space<vmem>> -> memref<128xi32, #tpu.memory_space<vmem>>
    %dma_start3A_163 = arith.constant 0 : i32
    %dma_start3A_164 = arith.constant 0 : i32
    %dma_start3A_165 = tpu.memref_slice %arg3[%dma_start3A_163, %dma_start3A_164] : memref<4000x128xf32, #tpu.memory_space<hbm>> -> memref<4000x128xf32, #tpu.memory_space<hbm>>
    tpu.enqueue_indirect_dma source(%dma_start3A_165 : memref<4000x128xf32, #tpu.memory_space<hbm>>) target(%dma_start3A_159 : memref<128x128xf32, #tpu.memory_space<vmem>>) offsets(%dma_start3A_162 : memref<128xi32, #tpu.memory_space<vmem>>) semaphore(%arg13 : memref<!tpu.dma_semaphore, #tpu.memory_space<semaphore_mem>>)
    %dma_wait3A_166 = arith.constant 4 : i32
    "tpu.trace_start"() <{level = 10 : i32, message = "gwait"}> : () -> ()
    %dma_wait3A_167 = arith.constant 0 : i32
    %dma_wait3A_168 = arith.constant 0 : i32
    %dma_wait3A_169 = tpu.memref_slice %arg8[%dma_wait3A_167, %dma_wait3A_168] : memref<256x128xf32, #tpu.memory_space<vmem>> -> memref<128x128xf32, #tpu.memory_space<vmem>>
    %dma_wait3A_170 = arith.constant 0 : i32
    %dma_wait3A_171 = tpu.memref_slice %arg5[%dma_wait3A_166, %dma_wait3A_170] : memref<16x128xi32, #tpu.memory_space<vmem>> -> memref<1x128xi32, #tpu.memory_space<vmem>>
    %dma_wait3A_172 = tpu.memref_squeeze %dma_wait3A_171 : memref<1x128xi32, #tpu.memory_space<vmem>> -> memref<128xi32, #tpu.memory_space<vmem>>
    %dma_wait3A_173 = arith.constant 0 : i32
    %dma_wait3A_174 = arith.constant 0 : i32
    %dma_wait3A_175 = tpu.memref_slice %arg3[%dma_wait3A_173, %dma_wait3A_174] : memref<4000x128xf32, #tpu.memory_space<hbm>> -> memref<4000x128xf32, #tpu.memory_space<hbm>>
    tpu.wait_indirect_dma semaphore(%arg14 : memref<!tpu.dma_semaphore, #tpu.memory_space<semaphore_mem>>) src(%dma_wait3A_175 : memref<4000x128xf32, #tpu.memory_space<hbm>>) dst(%dma_wait3A_169 : memref<128x128xf32, #tpu.memory_space<vmem>>)
    %dma_wait3A_176 = arith.constant 5 : i32
    %dma_wait3A_177 = arith.constant 128 : i32
    %dma_wait3A_178 = arith.constant 0 : i32
    %dma_wait3A_179 = tpu.memref_slice %arg8[%dma_wait3A_177, %dma_wait3A_178] : memref<256x128xf32, #tpu.memory_space<vmem>> -> memref<128x128xf32, #tpu.memory_space<vmem>>
    %dma_wait3A_180 = arith.constant 0 : i32
    %dma_wait3A_181 = tpu.memref_slice %arg5[%dma_wait3A_176, %dma_wait3A_180] : memref<16x128xi32, #tpu.memory_space<vmem>> -> memref<1x128xi32, #tpu.memory_space<vmem>>
    %dma_wait3A_182 = tpu.memref_squeeze %dma_wait3A_181 : memref<1x128xi32, #tpu.memory_space<vmem>> -> memref<128xi32, #tpu.memory_space<vmem>>
    %dma_wait3A_183 = arith.constant 0 : i32
    %dma_wait3A_184 = arith.constant 0 : i32
    %dma_wait3A_185 = tpu.memref_slice %arg3[%dma_wait3A_183, %dma_wait3A_184] : memref<4000x128xf32, #tpu.memory_space<hbm>> -> memref<4000x128xf32, #tpu.memory_space<hbm>>
    tpu.wait_indirect_dma semaphore(%arg14 : memref<!tpu.dma_semaphore, #tpu.memory_space<semaphore_mem>>) src(%dma_wait3A_185 : memref<4000x128xf32, #tpu.memory_space<hbm>>) dst(%dma_wait3A_179 : memref<128x128xf32, #tpu.memory_space<vmem>>)
    "tpu.trace_stop"() : () -> ()
    "tpu.trace_start"() <{level = 10 : i32, message = "adds"}> : () -> ()
    %scan3A_186 = arith.constant 0 : i32
    %scan3A_187 = arith.constant 0 : i32
    %scan3A_188 = arith.constant 64 : i32
    %scan3A_189 = arith.addi %scan3A_187, %scan3A_188 : i32
    %scan3A_190 = arith.constant 1 : i32
    %scan3A_191 = scf.for %scan3A_456 = %scan3A_187 to %scan3A_189 step %scan3A_190 iter_args(%scan3A_457 = %scan3A_186) -> (i32)  : i32 {
      %get3A = arith.index_cast %scan3A_456 : i32 to index
      %get3A_458 = arith.constant 0 : index
      %get3A_459 = tpu.vector_load %arg8[%get3A, %get3A_458] {strides = array<i32>} : memref<256x128xf32, #tpu.memory_space<vmem>>, vector<1x16xf32>,
      %get3A_460 = vector.shape_cast %get3A_459 : vector<1x16xf32> to vector<16xf32>
      %add3A_461 = arith.constant 64 : i32
      %add3A_462 = arith.addi %scan3A_456, %add3A_461 : i32
      %get3A_463 = arith.index_cast %add3A_462 : i32 to index
      %get3A_464 = arith.constant 0 : index
      %get3A_465 = tpu.vector_load %arg8[%get3A_463, %get3A_464] {strides = array<i32>} : memref<256x128xf32, #tpu.memory_space<vmem>>, vector<1x16xf32>,
      %get3A_466 = vector.shape_cast %get3A_465 : vector<1x16xf32> to vector<16xf32>
      %add3A_467 = arith.addf %get3A_460, %get3A_466 : vector<16xf32>
      %add3A_468 = arith.constant 128 : i32
      %add3A_469 = arith.addi %scan3A_456, %add3A_468 : i32
      %get3A_470 = arith.index_cast %add3A_469 : i32 to index
      %get3A_471 = arith.constant 0 : index
      %get3A_472 = tpu.vector_load %arg8[%get3A_470, %get3A_471] {strides = array<i32>} : memref<256x128xf32, #tpu.memory_space<vmem>>, vector<1x16xf32>,
      %get3A_473 = vector.shape_cast %get3A_472 : vector<1x16xf32> to vector<16xf32>
      %add3A_474 = arith.addf %add3A_467, %get3A_473 : vector<16xf32>
      %add3A_475 = arith.constant 192 : i32
      %add3A_476 = arith.addi %scan3A_456, %add3A_475 : i32
      %get3A_477 = arith.index_cast %add3A_476 : i32 to index
      %get3A_478 = arith.constant 0 : index
      %get3A_479 = tpu.vector_load %arg8[%get3A_477, %get3A_478] {strides = array<i32>} : memref<256x128xf32, #tpu.memory_space<vmem>>, vector<1x16xf32>,
      %get3A_480 = vector.shape_cast %get3A_479 : vector<1x16xf32> to vector<16xf32>
      %add3A_481 = arith.addf %add3A_474, %get3A_480 : vector<16xf32>
      %swap3A = arith.index_cast %scan3A_456 : i32 to index
      %swap3A_482 = arith.constant 0 : index
      %swap3A_483 = tpu.vector_load %arg11[%swap3A, %swap3A_482] {strides = array<i32>} : memref<64x128xf32, #tpu.memory_space<vmem>>, vector<1x16xf32>,
      %swap3A_484 = vector.shape_cast %swap3A_483 : vector<1x16xf32> to vector<16xf32>
      %swap3A_485 = vector.shape_cast %add3A_481 : vector<16xf32> to vector<1x16xf32>
      tpu.vector_store %arg11[%swap3A, %swap3A_482], %swap3A_485 {strides = array<i32>} : memref<64x128xf32, #tpu.memory_space<vmem>>, vector<1x16xf32>,
      %get3A_486 = arith.index_cast %scan3A_456 : i32 to index
      %get3A_487 = arith.constant 16 : index
      %get3A_488 = tpu.vector_load %arg8[%get3A_486, %get3A_487] {strides = array<i32>} : memref<256x128xf32, #tpu.memory_space<vmem>>, vector<1x16xf32>,
      %get3A_489 = vector.shape_cast %get3A_488 : vector<1x16xf32> to vector<16xf32>
      %add3A_490 = arith.constant 64 : i32
      %add3A_491 = arith.addi %scan3A_456, %add3A_490 : i32
      %get3A_492 = arith.index_cast %add3A_491 : i32 to index
      %get3A_493 = arith.constant 16 : index
      %get3A_494 = tpu.vector_load %arg8[%get3A_492, %get3A_493] {strides = array<i32>} : memref<256x128xf32, #tpu.memory_space<vmem>>, vector<1x16xf32>,
      %get3A_495 = vector.shape_cast %get3A_494 : vector<1x16xf32> to vector<16xf32>
      %add3A_496 = arith.addf %get3A_489, %get3A_495 : vector<16xf32>
      %add3A_497 = arith.constant 128 : i32
      %add3A_498 = arith.addi %scan3A_456, %add3A_497 : i32
      %get3A_499 = arith.index_cast %add3A_498 : i32 to index
      %get3A_500 = arith.constant 16 : index
      %get3A_501 = tpu.vector_load %arg8[%get3A_499, %get3A_500] {strides = array<i32>} : memref<256x128xf32, #tpu.memory_space<vmem>>, vector<1x16xf32>,
      %get3A_502 = vector.shape_cast %get3A_501 : vector<1x16xf32> to vector<16xf32>
      %add3A_503 = arith.addf %add3A_496, %get3A_502 : vector<16xf32>
      %add3A_504 = arith.constant 192 : i32
      %add3A_505 = arith.addi %scan3A_456, %add3A_504 : i32
      %get3A_506 = arith.index_cast %add3A_505 : i32 to index
      %get3A_507 = arith.constant 16 : index
      %get3A_508 = tpu.vector_load %arg8[%get3A_506, %get3A_507] {strides = array<i32>} : memref<256x128xf32, #tpu.memory_space<vmem>>, vector<1x16xf32>,
      %get3A_509 = vector.shape_cast %get3A_508 : vector<1x16xf32> to vector<16xf32>
      %add3A_510 = arith.addf %add3A_503, %get3A_509 : vector<16xf32>
      %swap3A_511 = arith.index_cast %scan3A_456 : i32 to index
      %swap3A_512 = arith.constant 16 : index
      %swap3A_513 = tpu.vector_load %arg11[%swap3A_511, %swap3A_512] {strides = array<i32>} : memref<64x128xf32, #tpu.memory_space<vmem>>, vector<1x16xf32>,
      %swap3A_514 = vector.shape_cast %swap3A_513 : vector<1x16xf32> to vector<16xf32>
      %swap3A_515 = vector.shape_cast %add3A_510 : vector<16xf32> to vector<1x16xf32>
      tpu.vector_store %arg11[%swap3A_511, %swap3A_512], %swap3A_515 {strides = array<i32>} : memref<64x128xf32, #tpu.memory_space<vmem>>, vector<1x16xf32>,
      %get3A_516 = arith.index_cast %scan3A_456 : i32 to index
      %get3A_517 = arith.constant 32 : index
      %get3A_518 = tpu.vector_load %arg8[%get3A_516, %get3A_517] {strides = array<i32>} : memref<256x128xf32, #tpu.memory_space<vmem>>, vector<1x16xf32>,
      %get3A_519 = vector.shape_cast %get3A_518 : vector<1x16xf32> to vector<16xf32>
      %add3A_520 = arith.constant 64 : i32
      %add3A_521 = arith.addi %scan3A_456, %add3A_520 : i32
      %get3A_522 = arith.index_cast %add3A_521 : i32 to index
      %get3A_523 = arith.constant 32 : index
      %get3A_524 = tpu.vector_load %arg8[%get3A_522, %get3A_523] {strides = array<i32>} : memref<256x128xf32, #tpu.memory_space<vmem>>, vector<1x16xf32>,
      %get3A_525 = vector.shape_cast %get3A_524 : vector<1x16xf32> to vector<16xf32>
      %add3A_526 = arith.addf %get3A_519, %get3A_525 : vector<16xf32>
      %add3A_527 = arith.constant 128 : i32
      %add3A_528 = arith.addi %scan3A_456, %add3A_527 : i32
      %get3A_529 = arith.index_cast %add3A_528 : i32 to index
      %get3A_530 = arith.constant 32 : index
      %get3A_531 = tpu.vector_load %arg8[%get3A_529, %get3A_530] {strides = array<i32>} : memref<256x128xf32, #tpu.memory_space<vmem>>, vector<1x16xf32>,
      %get3A_532 = vector.shape_cast %get3A_531 : vector<1x16xf32> to vector<16xf32>
      %add3A_533 = arith.addf %add3A_526, %get3A_532 : vector<16xf32>
      %add3A_534 = arith.constant 192 : i32
      %add3A_535 = arith.addi %scan3A_456, %add3A_534 : i32
      %get3A_536 = arith.index_cast %add3A_535 : i32 to index
      %get3A_537 = arith.constant 32 : index
      %get3A_538 = tpu.vector_load %arg8[%get3A_536, %get3A_537] {strides = array<i32>} : memref<256x128xf32, #tpu.memory_space<vmem>>, vector<1x16xf32>,
      %get3A_539 = vector.shape_cast %get3A_538 : vector<1x16xf32> to vector<16xf32>
      %add3A_540 = arith.addf %add3A_533, %get3A_539 : vector<16xf32>
      %swap3A_541 = arith.index_cast %scan3A_456 : i32 to index
      %swap3A_542 = arith.constant 32 : index
      %swap3A_543 = tpu.vector_load %arg11[%swap3A_541, %swap3A_542] {strides = array<i32>} : memref<64x128xf32, #tpu.memory_space<vmem>>, vector<1x16xf32>,
      %swap3A_544 = vector.shape_cast %swap3A_543 : vector<1x16xf32> to vector<16xf32>
      %swap3A_545 = vector.shape_cast %add3A_540 : vector<16xf32> to vector<1x16xf32>
      tpu.vector_store %arg11[%swap3A_541, %swap3A_542], %swap3A_545 {strides = array<i32>} : memref<64x128xf32, #tpu.memory_space<vmem>>, vector<1x16xf32>,
      %get3A_546 = arith.index_cast %scan3A_456 : i32 to index
      %get3A_547 = arith.constant 48 : index
      %get3A_548 = tpu.vector_load %arg8[%get3A_546, %get3A_547] {strides = array<i32>} : memref<256x128xf32, #tpu.memory_space<vmem>>, vector<1x16xf32>,
      %get3A_549 = vector.shape_cast %get3A_548 : vector<1x16xf32> to vector<16xf32>
      %add3A_550 = arith.constant 64 : i32
      %add3A_551 = arith.addi %scan3A_456, %add3A_550 : i32
      %get3A_552 = arith.index_cast %add3A_551 : i32 to index
      %get3A_553 = arith.constant 48 : index
      %get3A_554 = tpu.vector_load %arg8[%get3A_552, %get3A_553] {strides = array<i32>} : memref<256x128xf32, #tpu.memory_space<vmem>>, vector<1x16xf32>,
      %get3A_555 = vector.shape_cast %get3A_554 : vector<1x16xf32> to vector<16xf32>
      %add3A_556 = arith.addf %get3A_549, %get3A_555 : vector<16xf32>
      %add3A_557 = arith.constant 128 : i32
      %add3A_558 = arith.addi %scan3A_456, %add3A_557 : i32
      %get3A_559 = arith.index_cast %add3A_558 : i32 to index
      %get3A_560 = arith.constant 48 : index
      %get3A_561 = tpu.vector_load %arg8[%get3A_559, %get3A_560] {strides = array<i32>} : memref<256x128xf32, #tpu.memory_space<vmem>>, vector<1x16xf32>,
      %get3A_562 = vector.shape_cast %get3A_561 : vector<1x16xf32> to vector<16xf32>
      %add3A_563 = arith.addf %add3A_556, %get3A_562 : vector<16xf32>
      %add3A_564 = arith.constant 192 : i32
      %add3A_565 = arith.addi %scan3A_456, %add3A_564 : i32
      %get3A_566 = arith.index_cast %add3A_565 : i32 to index
      %get3A_567 = arith.constant 48 : index
      %get3A_568 = tpu.vector_load %arg8[%get3A_566, %get3A_567] {strides = array<i32>} : memref<256x128xf32, #tpu.memory_space<vmem>>, vector<1x16xf32>,
      %get3A_569 = vector.shape_cast %get3A_568 : vector<1x16xf32> to vector<16xf32>
      %add3A_570 = arith.addf %add3A_563, %get3A_569 : vector<16xf32>
      %swap3A_571 = arith.index_cast %scan3A_456 : i32 to index
      %swap3A_572 = arith.constant 48 : index
      %swap3A_573 = tpu.vector_load %arg11[%swap3A_571, %swap3A_572] {strides = array<i32>} : memref<64x128xf32, #tpu.memory_space<vmem>>, vector<1x16xf32>,
      %swap3A_574 = vector.shape_cast %swap3A_573 : vector<1x16xf32> to vector<16xf32>
      %swap3A_575 = vector.shape_cast %add3A_570 : vector<16xf32> to vector<1x16xf32>
      tpu.vector_store %arg11[%swap3A_571, %swap3A_572], %swap3A_575 {strides = array<i32>} : memref<64x128xf32, #tpu.memory_space<vmem>>, vector<1x16xf32>,
      %get3A_576 = arith.index_cast %scan3A_456 : i32 to index
      %get3A_577 = arith.constant 64 : index
      %get3A_578 = tpu.vector_load %arg8[%get3A_576, %get3A_577] {strides = array<i32>} : memref<256x128xf32, #tpu.memory_space<vmem>>, vector<1x16xf32>,
      %get3A_579 = vector.shape_cast %get3A_578 : vector<1x16xf32> to vector<16xf32>
      %add3A_580 = arith.constant 64 : i32
      %add3A_581 = arith.addi %scan3A_456, %add3A_580 : i32
      %get3A_582 = arith.index_cast %add3A_581 : i32 to index
      %get3A_583 = arith.constant 64 : index
      %get3A_584 = tpu.vector_load %arg8[%get3A_582, %get3A_583] {strides = array<i32>} : memref<256x128xf32, #tpu.memory_space<vmem>>, vector<1x16xf32>,
      %get3A_585 = vector.shape_cast %get3A_584 : vector<1x16xf32> to vector<16xf32>
      %add3A_586 = arith.addf %get3A_579, %get3A_585 : vector<16xf32>
      %add3A_587 = arith.constant 128 : i32
      %add3A_588 = arith.addi %scan3A_456, %add3A_587 : i32
      %get3A_589 = arith.index_cast %add3A_588 : i32 to index
      %get3A_590 = arith.constant 64 : index
      %get3A_591 = tpu.vector_load %arg8[%get3A_589, %get3A_590] {strides = array<i32>} : memref<256x128xf32, #tpu.memory_space<vmem>>, vector<1x16xf32>,
      %get3A_592 = vector.shape_cast %get3A_591 : vector<1x16xf32> to vector<16xf32>
      %add3A_593 = arith.addf %add3A_586, %get3A_592 : vector<16xf32>
      %add3A_594 = arith.constant 192 : i32
      %add3A_595 = arith.addi %scan3A_456, %add3A_594 : i32
      %get3A_596 = arith.index_cast %add3A_595 : i32 to index
      %get3A_597 = arith.constant 64 : index
      %get3A_598 = tpu.vector_load %arg8[%get3A_596, %get3A_597] {strides = array<i32>} : memref<256x128xf32, #tpu.memory_space<vmem>>, vector<1x16xf32>,
      %get3A_599 = vector.shape_cast %get3A_598 : vector<1x16xf32> to vector<16xf32>
      %add3A_600 = arith.addf %add3A_593, %get3A_599 : vector<16xf32>
      %swap3A_601 = arith.index_cast %scan3A_456 : i32 to index
      %swap3A_602 = arith.constant 64 : index
      %swap3A_603 = tpu.vector_load %arg11[%swap3A_601, %swap3A_602] {strides = array<i32>} : memref<64x128xf32, #tpu.memory_space<vmem>>, vector<1x16xf32>,
      %swap3A_604 = vector.shape_cast %swap3A_603 : vector<1x16xf32> to vector<16xf32>
      %swap3A_605 = vector.shape_cast %add3A_600 : vector<16xf32> to vector<1x16xf32>
      tpu.vector_store %arg11[%swap3A_601, %swap3A_602], %swap3A_605 {strides = array<i32>} : memref<64x128xf32, #tpu.memory_space<vmem>>, vector<1x16xf32>,
      %get3A_606 = arith.index_cast %scan3A_456 : i32 to index
      %get3A_607 = arith.constant 80 : index
      %get3A_608 = tpu.vector_load %arg8[%get3A_606, %get3A_607] {strides = array<i32>} : memref<256x128xf32, #tpu.memory_space<vmem>>, vector<1x16xf32>,
      %get3A_609 = vector.shape_cast %get3A_608 : vector<1x16xf32> to vector<16xf32>
      %add3A_610 = arith.constant 64 : i32
      %add3A_611 = arith.addi %scan3A_456, %add3A_610 : i32
      %get3A_612 = arith.index_cast %add3A_611 : i32 to index
      %get3A_613 = arith.constant 80 : index
      %get3A_614 = tpu.vector_load %arg8[%get3A_612, %get3A_613] {strides = array<i32>} : memref<256x128xf32, #tpu.memory_space<vmem>>, vector<1x16xf32>,
      %get3A_615 = vector.shape_cast %get3A_614 : vector<1x16xf32> to vector<16xf32>
      %add3A_616 = arith.addf %get3A_609, %get3A_615 : vector<16xf32>
      %add3A_617 = arith.constant 128 : i32
      %add3A_618 = arith.addi %scan3A_456, %add3A_617 : i32
      %get3A_619 = arith.index_cast %add3A_618 : i32 to index
      %get3A_620 = arith.constant 80 : index
      %get3A_621 = tpu.vector_load %arg8[%get3A_619, %get3A_620] {strides = array<i32>} : memref<256x128xf32, #tpu.memory_space<vmem>>, vector<1x16xf32>,
      %get3A_622 = vector.shape_cast %get3A_621 : vector<1x16xf32> to vector<16xf32>
      %add3A_623 = arith.addf %add3A_616, %get3A_622 : vector<16xf32>
      %add3A_624 = arith.constant 192 : i32
      %add3A_625 = arith.addi %scan3A_456, %add3A_624 : i32
      %get3A_626 = arith.index_cast %add3A_625 : i32 to index
      %get3A_627 = arith.constant 80 : index
      %get3A_628 = tpu.vector_load %arg8[%get3A_626, %get3A_627] {strides = array<i32>} : memref<256x128xf32, #tpu.memory_space<vmem>>, vector<1x16xf32>,
      %get3A_629 = vector.shape_cast %get3A_628 : vector<1x16xf32> to vector<16xf32>
      %add3A_630 = arith.addf %add3A_623, %get3A_629 : vector<16xf32>
      %swap3A_631 = arith.index_cast %scan3A_456 : i32 to index
      %swap3A_632 = arith.constant 80 : index
      %swap3A_633 = tpu.vector_load %arg11[%swap3A_631, %swap3A_632] {strides = array<i32>} : memref<64x128xf32, #tpu.memory_space<vmem>>, vector<1x16xf32>,
      %swap3A_634 = vector.shape_cast %swap3A_633 : vector<1x16xf32> to vector<16xf32>
      %swap3A_635 = vector.shape_cast %add3A_630 : vector<16xf32> to vector<1x16xf32>
      tpu.vector_store %arg11[%swap3A_631, %swap3A_632], %swap3A_635 {strides = array<i32>} : memref<64x128xf32, #tpu.memory_space<vmem>>, vector<1x16xf32>,
      %get3A_636 = arith.index_cast %scan3A_456 : i32 to index
      %get3A_637 = arith.constant 96 : index
      %get3A_638 = tpu.vector_load %arg8[%get3A_636, %get3A_637] {strides = array<i32>} : memref<256x128xf32, #tpu.memory_space<vmem>>, vector<1x16xf32>,
      %get3A_639 = vector.shape_cast %get3A_638 : vector<1x16xf32> to vector<16xf32>
      %add3A_640 = arith.constant 64 : i32
      %add3A_641 = arith.addi %scan3A_456, %add3A_640 : i32
      %get3A_642 = arith.index_cast %add3A_641 : i32 to index
      %get3A_643 = arith.constant 96 : index
      %get3A_644 = tpu.vector_load %arg8[%get3A_642, %get3A_643] {strides = array<i32>} : memref<256x128xf32, #tpu.memory_space<vmem>>, vector<1x16xf32>,
      %get3A_645 = vector.shape_cast %get3A_644 : vector<1x16xf32> to vector<16xf32>
      %add3A_646 = arith.addf %get3A_639, %get3A_645 : vector<16xf32>
      %add3A_647 = arith.constant 128 : i32
      %add3A_648 = arith.addi %scan3A_456, %add3A_647 : i32
      %get3A_649 = arith.index_cast %add3A_648 : i32 to index
      %get3A_650 = arith.constant 96 : index
      %get3A_651 = tpu.vector_load %arg8[%get3A_649, %get3A_650] {strides = array<i32>} : memref<256x128xf32, #tpu.memory_space<vmem>>, vector<1x16xf32>,
      %get3A_652 = vector.shape_cast %get3A_651 : vector<1x16xf32> to vector<16xf32>
      %add3A_653 = arith.addf %add3A_646, %get3A_652 : vector<16xf32>
      %add3A_654 = arith.constant 192 : i32
      %add3A_655 = arith.addi %scan3A_456, %add3A_654 : i32
      %get3A_656 = arith.index_cast %add3A_655 : i32 to index
      %get3A_657 = arith.constant 96 : index
      %get3A_658 = tpu.vector_load %arg8[%get3A_656, %get3A_657] {strides = array<i32>} : memref<256x128xf32, #tpu.memory_space<vmem>>, vector<1x16xf32>,
      %get3A_659 = vector.shape_cast %get3A_658 : vector<1x16xf32> to vector<16xf32>
      %add3A_660 = arith.addf %add3A_653, %get3A_659 : vector<16xf32>
      %swap3A_661 = arith.index_cast %scan3A_456 : i32 to index
      %swap3A_662 = arith.constant 96 : index
      %swap3A_663 = tpu.vector_load %arg11[%swap3A_661, %swap3A_662] {strides = array<i32>} : memref<64x128xf32, #tpu.memory_space<vmem>>, vector<1x16xf32>,
      %swap3A_664 = vector.shape_cast %swap3A_663 : vector<1x16xf32> to vector<16xf32>
      %swap3A_665 = vector.shape_cast %add3A_660 : vector<16xf32> to vector<1x16xf32>
      tpu.vector_store %arg11[%swap3A_661, %swap3A_662], %swap3A_665 {strides = array<i32>} : memref<64x128xf32, #tpu.memory_space<vmem>>, vector<1x16xf32>,
      %get3A_666 = arith.index_cast %scan3A_456 : i32 to index
      %get3A_667 = arith.constant 112 : index
      %get3A_668 = tpu.vector_load %arg8[%get3A_666, %get3A_667] {strides = array<i32>} : memref<256x128xf32, #tpu.memory_space<vmem>>, vector<1x16xf32>,
      %get3A_669 = vector.shape_cast %get3A_668 : vector<1x16xf32> to vector<16xf32>
      %add3A_670 = arith.constant 64 : i32
      %add3A_671 = arith.addi %scan3A_456, %add3A_670 : i32
      %get3A_672 = arith.index_cast %add3A_671 : i32 to index
      %get3A_673 = arith.constant 112 : index
      %get3A_674 = tpu.vector_load %arg8[%get3A_672, %get3A_673] {strides = array<i32>} : memref<256x128xf32, #tpu.memory_space<vmem>>, vector<1x16xf32>,
      %get3A_675 = vector.shape_cast %get3A_674 : vector<1x16xf32> to vector<16xf32>
      %add3A_676 = arith.addf %get3A_669, %get3A_675 : vector<16xf32>
      %add3A_677 = arith.constant 128 : i32
      %add3A_678 = arith.addi %scan3A_456, %add3A_677 : i32
      %get3A_679 = arith.index_cast %add3A_678 : i32 to index
      %get3A_680 = arith.constant 112 : index
      %get3A_681 = tpu.vector_load %arg8[%get3A_679, %get3A_680] {strides = array<i32>} : memref<256x128xf32, #tpu.memory_space<vmem>>, vector<1x16xf32>,
      %get3A_682 = vector.shape_cast %get3A_681 : vector<1x16xf32> to vector<16xf32>
      %add3A_683 = arith.addf %add3A_676, %get3A_682 : vector<16xf32>
      %add3A_684 = arith.constant 192 : i32
      %add3A_685 = arith.addi %scan3A_456, %add3A_684 : i32
      %get3A_686 = arith.index_cast %add3A_685 : i32 to index
      %get3A_687 = arith.constant 112 : index
      %get3A_688 = tpu.vector_load %arg8[%get3A_686, %get3A_687] {strides = array<i32>} : memref<256x128xf32, #tpu.memory_space<vmem>>, vector<1x16xf32>,
      %get3A_689 = vector.shape_cast %get3A_688 : vector<1x16xf32> to vector<16xf32>
      %add3A_690 = arith.addf %add3A_683, %get3A_689 : vector<16xf32>
      %swap3A_691 = arith.index_cast %scan3A_456 : i32 to index
      %swap3A_692 = arith.constant 112 : index
      %swap3A_693 = tpu.vector_load %arg11[%swap3A_691, %swap3A_692] {strides = array<i32>} : memref<64x128xf32, #tpu.memory_space<vmem>>, vector<1x16xf32>,
      %swap3A_694 = vector.shape_cast %swap3A_693 : vector<1x16xf32> to vector<16xf32>
      %swap3A_695 = vector.shape_cast %add3A_690 : vector<16xf32> to vector<1x16xf32>
      tpu.vector_store %arg11[%swap3A_691, %swap3A_692], %swap3A_695 {strides = array<i32>} : memref<64x128xf32, #tpu.memory_space<vmem>>, vector<1x16xf32>,
      %scan3A_696 = arith.constant 0 : i32
      scf.yield %scan3A_696 : i32
    }
    %scan3A_192 = arith.constant 64 : i32
    "tpu.trace_stop"() : () -> ()
    %add3A_193 = arith.constant 128 : i32
    %add3A_194 = arith.addi %mul3A_2, %add3A_193 : i32
    %dma_start3A_195 = arith.constant 0 : i32
    %dma_start3A_196 = tpu.memref_slice %arg4[%add3A_194, %dma_start3A_195] : memref<16384x128xf32, #tpu.memory_space<hbm>> -> memref<64x128xf32, #tpu.memory_space<hbm>>
    %dma_start3A_197 = arith.constant 0 : i32
    %dma_start3A_198 = tpu.memref_slice %arg4[%add3A_194, %dma_start3A_197] : memref<16384x128xf32, #tpu.memory_space<hbm>> -> memref<64x128xf32, #tpu.memory_space<hbm>>
    tpu.enqueue_dma source(%arg11 : memref<64x128xf32, #tpu.memory_space<vmem>>) target(%dma_start3A_198 : memref<64x128xf32, #tpu.memory_space<hbm>>) target_semaphore(%arg17 : memref<!tpu.dma_semaphore, #tpu.memory_space<semaphore_mem>>)
    %dma_start3A_199 = arith.constant 10 : i32
    %dma_start3A_200 = arith.constant 0 : i32
    %dma_start3A_201 = arith.constant 0 : i32
    %dma_start3A_202 = tpu.memref_slice %arg8[%dma_start3A_200, %dma_start3A_201] : memref<256x128xf32, #tpu.memory_space<vmem>> -> memref<128x128xf32, #tpu.memory_space<vmem>>
    %dma_start3A_203 = arith.constant 0 : i32
    %dma_start3A_204 = tpu.memref_slice %arg5[%dma_start3A_199, %dma_start3A_203] : memref<16x128xi32, #tpu.memory_space<vmem>> -> memref<1x128xi32, #tpu.memory_space<vmem>>
    %dma_start3A_205 = tpu.memref_squeeze %dma_start3A_204 : memref<1x128xi32, #tpu.memory_space<vmem>> -> memref<128xi32, #tpu.memory_space<vmem>>
    %dma_start3A_206 = arith.constant 0 : i32
    %dma_start3A_207 = arith.constant 0 : i32
    %dma_start3A_208 = tpu.memref_slice %arg3[%dma_start3A_206, %dma_start3A_207] : memref<4000x128xf32, #tpu.memory_space<hbm>> -> memref<4000x128xf32, #tpu.memory_space<hbm>>
    tpu.enqueue_indirect_dma source(%dma_start3A_208 : memref<4000x128xf32, #tpu.memory_space<hbm>>) target(%dma_start3A_202 : memref<128x128xf32, #tpu.memory_space<vmem>>) offsets(%dma_start3A_205 : memref<128xi32, #tpu.memory_space<vmem>>) semaphore(%arg14 : memref<!tpu.dma_semaphore, #tpu.memory_space<semaphore_mem>>)
    %dma_start3A_209 = arith.constant 11 : i32
    %dma_start3A_210 = arith.constant 128 : i32
    %dma_start3A_211 = arith.constant 0 : i32
    %dma_start3A_212 = tpu.memref_slice %arg8[%dma_start3A_210, %dma_start3A_211] : memref<256x128xf32, #tpu.memory_space<vmem>> -> memref<128x128xf32, #tpu.memory_space<vmem>>
    %dma_start3A_213 = arith.constant 0 : i32
    %dma_start3A_214 = tpu.memref_slice %arg5[%dma_start3A_209, %dma_start3A_213] : memref<16x128xi32, #tpu.memory_space<vmem>> -> memref<1x128xi32, #tpu.memory_space<vmem>>
    %dma_start3A_215 = tpu.memref_squeeze %dma_start3A_214 : memref<1x128xi32, #tpu.memory_space<vmem>> -> memref<128xi32, #tpu.memory_space<vmem>>
    %dma_start3A_216 = arith.constant 0 : i32
    %dma_start3A_217 = arith.constant 0 : i32
    %dma_start3A_218 = tpu.memref_slice %arg3[%dma_start3A_216, %dma_start3A_217] : memref<4000x128xf32, #tpu.memory_space<hbm>> -> memref<4000x128xf32, #tpu.memory_space<hbm>>
    tpu.enqueue_indirect_dma source(%dma_start3A_218 : memref<4000x128xf32, #tpu.memory_space<hbm>>) target(%dma_start3A_212 : memref<128x128xf32, #tpu.memory_space<vmem>>) offsets(%dma_start3A_215 : memref<128xi32, #tpu.memory_space<vmem>>) semaphore(%arg14 : memref<!tpu.dma_semaphore, #tpu.memory_space<semaphore_mem>>)
    %dma_wait3A_219 = arith.constant 6 : i32
    "tpu.trace_start"() <{level = 10 : i32, message = "gwait"}> : () -> ()
    %dma_wait3A_220 = arith.constant 0 : i32
    %dma_wait3A_221 = arith.constant 0 : i32
    %dma_wait3A_222 = tpu.memref_slice %arg6[%dma_wait3A_220, %dma_wait3A_221] : memref<256x128xf32, #tpu.memory_space<vmem>> -> memref<128x128xf32, #tpu.memory_space<vmem>>
    %dma_wait3A_223 = arith.constant 0 : i32
    %dma_wait3A_224 = tpu.memref_slice %arg5[%dma_wait3A_219, %dma_wait3A_223] : memref<16x128xi32, #tpu.memory_space<vmem>> -> memref<1x128xi32, #tpu.memory_space<vmem>>
    %dma_wait3A_225 = tpu.memref_squeeze %dma_wait3A_224 : memref<1x128xi32, #tpu.memory_space<vmem>> -> memref<128xi32, #tpu.memory_space<vmem>>
    %dma_wait3A_226 = arith.constant 0 : i32
    %dma_wait3A_227 = arith.constant 0 : i32
    %dma_wait3A_228 = tpu.memref_slice %arg3[%dma_wait3A_226, %dma_wait3A_227] : memref<4000x128xf32, #tpu.memory_space<hbm>> -> memref<4000x128xf32, #tpu.memory_space<hbm>>
    tpu.wait_indirect_dma semaphore(%arg12 : memref<!tpu.dma_semaphore, #tpu.memory_space<semaphore_mem>>) src(%dma_wait3A_228 : memref<4000x128xf32, #tpu.memory_space<hbm>>) dst(%dma_wait3A_222 : memref<128x128xf32, #tpu.memory_space<vmem>>)
    %dma_wait3A_229 = arith.constant 7 : i32
    %dma_wait3A_230 = arith.constant 128 : i32
    %dma_wait3A_231 = arith.constant 0 : i32
    %dma_wait3A_232 = tpu.memref_slice %arg6[%dma_wait3A_230, %dma_wait3A_231] : memref<256x128xf32, #tpu.memory_space<vmem>> -> memref<128x128xf32, #tpu.memory_space<vmem>>
    %dma_wait3A_233 = arith.constant 0 : i32
    %dma_wait3A_234 = tpu.memref_slice %arg5[%dma_wait3A_229, %dma_wait3A_233] : memref<16x128xi32, #tpu.memory_space<vmem>> -> memref<1x128xi32, #tpu.memory_space<vmem>>
    %dma_wait3A_235 = tpu.memref_squeeze %dma_wait3A_234 : memref<1x128xi32, #tpu.memory_space<vmem>> -> memref<128xi32, #tpu.memory_space<vmem>>
    %dma_wait3A_236 = arith.constant 0 : i32
    %dma_wait3A_237 = arith.constant 0 : i32
    %dma_wait3A_238 = tpu.memref_slice %arg3[%dma_wait3A_236, %dma_wait3A_237] : memref<4000x128xf32, #tpu.memory_space<hbm>> -> memref<4000x128xf32, #tpu.memory_space<hbm>>
    tpu.wait_indirect_dma semaphore(%arg12 : memref<!tpu.dma_semaphore, #tpu.memory_space<semaphore_mem>>) src(%dma_wait3A_238 : memref<4000x128xf32, #tpu.memory_space<hbm>>) dst(%dma_wait3A_232 : memref<128x128xf32, #tpu.memory_space<vmem>>)
    "tpu.trace_stop"() : () -> ()
    "tpu.trace_start"() <{level = 10 : i32, message = "wbwait"}> : () -> ()
    %dma_wait3A_239 = arith.constant 0 : i32
    %dma_wait3A_240 = tpu.memref_slice %arg4[%add3A_88, %dma_wait3A_239] : memref<16384x128xf32, #tpu.memory_space<hbm>> -> memref<64x128xf32, #tpu.memory_space<hbm>>
    %dma_wait3A_241 = arith.constant 0 : i32
    %dma_wait3A_242 = tpu.memref_slice %arg4[%add3A_88, %dma_wait3A_241] : memref<16384x128xf32, #tpu.memory_space<hbm>> -> memref<64x128xf32, #tpu.memory_space<hbm>>
    tpu.wait_dma2 semaphore(%arg15 : memref<!tpu.dma_semaphore, #tpu.memory_space<semaphore_mem>>) src(%arg9 : memref<64x128xf32, #tpu.memory_space<vmem>>) dst(%dma_wait3A_242 : memref<64x128xf32, #tpu.memory_space<hbm>>)
    "tpu.trace_stop"() : () -> ()
    "tpu.trace_start"() <{level = 10 : i32, message = "adds"}> : () -> ()
    %scan3A_243 = arith.constant 0 : i32
    %scan3A_244 = arith.constant 0 : i32
    %scan3A_245 = arith.constant 64 : i32
    %scan3A_246 = arith.addi %scan3A_244, %scan3A_245 : i32
    %scan3A_247 = arith.constant 1 : i32
    %scan3A_248 = scf.for %scan3A_456 = %scan3A_244 to %scan3A_246 step %scan3A_247 iter_args(%scan3A_457 = %scan3A_243) -> (i32)  : i32 {
      %get3A = arith.index_cast %scan3A_456 : i32 to index
      %get3A_458 = arith.constant 0 : index
      %get3A_459 = tpu.vector_load %arg6[%get3A, %get3A_458] {strides = array<i32>} : memref<256x128xf32, #tpu.memory_space<vmem>>, vector<1x16xf32>,
      %get3A_460 = vector.shape_cast %get3A_459 : vector<1x16xf32> to vector<16xf32>
      %add3A_461 = arith.constant 64 : i32
      %add3A_462 = arith.addi %scan3A_456, %add3A_461 : i32
      %get3A_463 = arith.index_cast %add3A_462 : i32 to index
      %get3A_464 = arith.constant 0 : index
      %get3A_465 = tpu.vector_load %arg6[%get3A_463, %get3A_464] {strides = array<i32>} : memref<256x128xf32, #tpu.memory_space<vmem>>, vector<1x16xf32>,
      %get3A_466 = vector.shape_cast %get3A_465 : vector<1x16xf32> to vector<16xf32>
      %add3A_467 = arith.addf %get3A_460, %get3A_466 : vector<16xf32>
      %add3A_468 = arith.constant 128 : i32
      %add3A_469 = arith.addi %scan3A_456, %add3A_468 : i32
      %get3A_470 = arith.index_cast %add3A_469 : i32 to index
      %get3A_471 = arith.constant 0 : index
      %get3A_472 = tpu.vector_load %arg6[%get3A_470, %get3A_471] {strides = array<i32>} : memref<256x128xf32, #tpu.memory_space<vmem>>, vector<1x16xf32>,
      %get3A_473 = vector.shape_cast %get3A_472 : vector<1x16xf32> to vector<16xf32>
      %add3A_474 = arith.addf %add3A_467, %get3A_473 : vector<16xf32>
      %add3A_475 = arith.constant 192 : i32
      %add3A_476 = arith.addi %scan3A_456, %add3A_475 : i32
      %get3A_477 = arith.index_cast %add3A_476 : i32 to index
      %get3A_478 = arith.constant 0 : index
      %get3A_479 = tpu.vector_load %arg6[%get3A_477, %get3A_478] {strides = array<i32>} : memref<256x128xf32, #tpu.memory_space<vmem>>, vector<1x16xf32>,
      %get3A_480 = vector.shape_cast %get3A_479 : vector<1x16xf32> to vector<16xf32>
      %add3A_481 = arith.addf %add3A_474, %get3A_480 : vector<16xf32>
      %swap3A = arith.index_cast %scan3A_456 : i32 to index
      %swap3A_482 = arith.constant 0 : index
      %swap3A_483 = tpu.vector_load %arg9[%swap3A, %swap3A_482] {strides = array<i32>} : memref<64x128xf32, #tpu.memory_space<vmem>>, vector<1x16xf32>,
      %swap3A_484 = vector.shape_cast %swap3A_483 : vector<1x16xf32> to vector<16xf32>
      %swap3A_485 = vector.shape_cast %add3A_481 : vector<16xf32> to vector<1x16xf32>
      tpu.vector_store %arg9[%swap3A, %swap3A_482], %swap3A_485 {strides = array<i32>} : memref<64x128xf32, #tpu.memory_space<vmem>>, vector<1x16xf32>,
      %get3A_486 = arith.index_cast %scan3A_456 : i32 to index
      %get3A_487 = arith.constant 16 : index
      %get3A_488 = tpu.vector_load %arg6[%get3A_486, %get3A_487] {strides = array<i32>} : memref<256x128xf32, #tpu.memory_space<vmem>>, vector<1x16xf32>,
      %get3A_489 = vector.shape_cast %get3A_488 : vector<1x16xf32> to vector<16xf32>
      %add3A_490 = arith.constant 64 : i32
      %add3A_491 = arith.addi %scan3A_456, %add3A_490 : i32
      %get3A_492 = arith.index_cast %add3A_491 : i32 to index
      %get3A_493 = arith.constant 16 : index
      %get3A_494 = tpu.vector_load %arg6[%get3A_492, %get3A_493] {strides = array<i32>} : memref<256x128xf32, #tpu.memory_space<vmem>>, vector<1x16xf32>,
      %get3A_495 = vector.shape_cast %get3A_494 : vector<1x16xf32> to vector<16xf32>
      %add3A_496 = arith.addf %get3A_489, %get3A_495 : vector<16xf32>
      %add3A_497 = arith.constant 128 : i32
      %add3A_498 = arith.addi %scan3A_456, %add3A_497 : i32
      %get3A_499 = arith.index_cast %add3A_498 : i32 to index
      %get3A_500 = arith.constant 16 : index
      %get3A_501 = tpu.vector_load %arg6[%get3A_499, %get3A_500] {strides = array<i32>} : memref<256x128xf32, #tpu.memory_space<vmem>>, vector<1x16xf32>,
      %get3A_502 = vector.shape_cast %get3A_501 : vector<1x16xf32> to vector<16xf32>
      %add3A_503 = arith.addf %add3A_496, %get3A_502 : vector<16xf32>
      %add3A_504 = arith.constant 192 : i32
      %add3A_505 = arith.addi %scan3A_456, %add3A_504 : i32
      %get3A_506 = arith.index_cast %add3A_505 : i32 to index
      %get3A_507 = arith.constant 16 : index
      %get3A_508 = tpu.vector_load %arg6[%get3A_506, %get3A_507] {strides = array<i32>} : memref<256x128xf32, #tpu.memory_space<vmem>>, vector<1x16xf32>,
      %get3A_509 = vector.shape_cast %get3A_508 : vector<1x16xf32> to vector<16xf32>
      %add3A_510 = arith.addf %add3A_503, %get3A_509 : vector<16xf32>
      %swap3A_511 = arith.index_cast %scan3A_456 : i32 to index
      %swap3A_512 = arith.constant 16 : index
      %swap3A_513 = tpu.vector_load %arg9[%swap3A_511, %swap3A_512] {strides = array<i32>} : memref<64x128xf32, #tpu.memory_space<vmem>>, vector<1x16xf32>,
      %swap3A_514 = vector.shape_cast %swap3A_513 : vector<1x16xf32> to vector<16xf32>
      %swap3A_515 = vector.shape_cast %add3A_510 : vector<16xf32> to vector<1x16xf32>
      tpu.vector_store %arg9[%swap3A_511, %swap3A_512], %swap3A_515 {strides = array<i32>} : memref<64x128xf32, #tpu.memory_space<vmem>>, vector<1x16xf32>,
      %get3A_516 = arith.index_cast %scan3A_456 : i32 to index
      %get3A_517 = arith.constant 32 : index
      %get3A_518 = tpu.vector_load %arg6[%get3A_516, %get3A_517] {strides = array<i32>} : memref<256x128xf32, #tpu.memory_space<vmem>>, vector<1x16xf32>,
      %get3A_519 = vector.shape_cast %get3A_518 : vector<1x16xf32> to vector<16xf32>
      %add3A_520 = arith.constant 64 : i32
      %add3A_521 = arith.addi %scan3A_456, %add3A_520 : i32
      %get3A_522 = arith.index_cast %add3A_521 : i32 to index
      %get3A_523 = arith.constant 32 : index
      %get3A_524 = tpu.vector_load %arg6[%get3A_522, %get3A_523] {strides = array<i32>} : memref<256x128xf32, #tpu.memory_space<vmem>>, vector<1x16xf32>,
      %get3A_525 = vector.shape_cast %get3A_524 : vector<1x16xf32> to vector<16xf32>
      %add3A_526 = arith.addf %get3A_519, %get3A_525 : vector<16xf32>
      %add3A_527 = arith.constant 128 : i32
      %add3A_528 = arith.addi %scan3A_456, %add3A_527 : i32
      %get3A_529 = arith.index_cast %add3A_528 : i32 to index
      %get3A_530 = arith.constant 32 : index
      %get3A_531 = tpu.vector_load %arg6[%get3A_529, %get3A_530] {strides = array<i32>} : memref<256x128xf32, #tpu.memory_space<vmem>>, vector<1x16xf32>,
      %get3A_532 = vector.shape_cast %get3A_531 : vector<1x16xf32> to vector<16xf32>
      %add3A_533 = arith.addf %add3A_526, %get3A_532 : vector<16xf32>
      %add3A_534 = arith.constant 192 : i32
      %add3A_535 = arith.addi %scan3A_456, %add3A_534 : i32
      %get3A_536 = arith.index_cast %add3A_535 : i32 to index
      %get3A_537 = arith.constant 32 : index
      %get3A_538 = tpu.vector_load %arg6[%get3A_536, %get3A_537] {strides = array<i32>} : memref<256x128xf32, #tpu.memory_space<vmem>>, vector<1x16xf32>,
      %get3A_539 = vector.shape_cast %get3A_538 : vector<1x16xf32> to vector<16xf32>
      %add3A_540 = arith.addf %add3A_533, %get3A_539 : vector<16xf32>
      %swap3A_541 = arith.index_cast %scan3A_456 : i32 to index
      %swap3A_542 = arith.constant 32 : index
      %swap3A_543 = tpu.vector_load %arg9[%swap3A_541, %swap3A_542] {strides = array<i32>} : memref<64x128xf32, #tpu.memory_space<vmem>>, vector<1x16xf32>,
      %swap3A_544 = vector.shape_cast %swap3A_543 : vector<1x16xf32> to vector<16xf32>
      %swap3A_545 = vector.shape_cast %add3A_540 : vector<16xf32> to vector<1x16xf32>
      tpu.vector_store %arg9[%swap3A_541, %swap3A_542], %swap3A_545 {strides = array<i32>} : memref<64x128xf32, #tpu.memory_space<vmem>>, vector<1x16xf32>,
      %get3A_546 = arith.index_cast %scan3A_456 : i32 to index
      %get3A_547 = arith.constant 48 : index
      %get3A_548 = tpu.vector_load %arg6[%get3A_546, %get3A_547] {strides = array<i32>} : memref<256x128xf32, #tpu.memory_space<vmem>>, vector<1x16xf32>,
      %get3A_549 = vector.shape_cast %get3A_548 : vector<1x16xf32> to vector<16xf32>
      %add3A_550 = arith.constant 64 : i32
      %add3A_551 = arith.addi %scan3A_456, %add3A_550 : i32
      %get3A_552 = arith.index_cast %add3A_551 : i32 to index
      %get3A_553 = arith.constant 48 : index
      %get3A_554 = tpu.vector_load %arg6[%get3A_552, %get3A_553] {strides = array<i32>} : memref<256x128xf32, #tpu.memory_space<vmem>>, vector<1x16xf32>,
      %get3A_555 = vector.shape_cast %get3A_554 : vector<1x16xf32> to vector<16xf32>
      %add3A_556 = arith.addf %get3A_549, %get3A_555 : vector<16xf32>
      %add3A_557 = arith.constant 128 : i32
      %add3A_558 = arith.addi %scan3A_456, %add3A_557 : i32
      %get3A_559 = arith.index_cast %add3A_558 : i32 to index
      %get3A_560 = arith.constant 48 : index
      %get3A_561 = tpu.vector_load %arg6[%get3A_559, %get3A_560] {strides = array<i32>} : memref<256x128xf32, #tpu.memory_space<vmem>>, vector<1x16xf32>,
      %get3A_562 = vector.shape_cast %get3A_561 : vector<1x16xf32> to vector<16xf32>
      %add3A_563 = arith.addf %add3A_556, %get3A_562 : vector<16xf32>
      %add3A_564 = arith.constant 192 : i32
      %add3A_565 = arith.addi %scan3A_456, %add3A_564 : i32
      %get3A_566 = arith.index_cast %add3A_565 : i32 to index
      %get3A_567 = arith.constant 48 : index
      %get3A_568 = tpu.vector_load %arg6[%get3A_566, %get3A_567] {strides = array<i32>} : memref<256x128xf32, #tpu.memory_space<vmem>>, vector<1x16xf32>,
      %get3A_569 = vector.shape_cast %get3A_568 : vector<1x16xf32> to vector<16xf32>
      %add3A_570 = arith.addf %add3A_563, %get3A_569 : vector<16xf32>
      %swap3A_571 = arith.index_cast %scan3A_456 : i32 to index
      %swap3A_572 = arith.constant 48 : index
      %swap3A_573 = tpu.vector_load %arg9[%swap3A_571, %swap3A_572] {strides = array<i32>} : memref<64x128xf32, #tpu.memory_space<vmem>>, vector<1x16xf32>,
      %swap3A_574 = vector.shape_cast %swap3A_573 : vector<1x16xf32> to vector<16xf32>
      %swap3A_575 = vector.shape_cast %add3A_570 : vector<16xf32> to vector<1x16xf32>
      tpu.vector_store %arg9[%swap3A_571, %swap3A_572], %swap3A_575 {strides = array<i32>} : memref<64x128xf32, #tpu.memory_space<vmem>>, vector<1x16xf32>,
      %get3A_576 = arith.index_cast %scan3A_456 : i32 to index
      %get3A_577 = arith.constant 64 : index
      %get3A_578 = tpu.vector_load %arg6[%get3A_576, %get3A_577] {strides = array<i32>} : memref<256x128xf32, #tpu.memory_space<vmem>>, vector<1x16xf32>,
      %get3A_579 = vector.shape_cast %get3A_578 : vector<1x16xf32> to vector<16xf32>
      %add3A_580 = arith.constant 64 : i32
      %add3A_581 = arith.addi %scan3A_456, %add3A_580 : i32
      %get3A_582 = arith.index_cast %add3A_581 : i32 to index
      %get3A_583 = arith.constant 64 : index
      %get3A_584 = tpu.vector_load %arg6[%get3A_582, %get3A_583] {strides = array<i32>} : memref<256x128xf32, #tpu.memory_space<vmem>>, vector<1x16xf32>,
      %get3A_585 = vector.shape_cast %get3A_584 : vector<1x16xf32> to vector<16xf32>
      %add3A_586 = arith.addf %get3A_579, %get3A_585 : vector<16xf32>
      %add3A_587 = arith.constant 128 : i32
      %add3A_588 = arith.addi %scan3A_456, %add3A_587 : i32
      %get3A_589 = arith.index_cast %add3A_588 : i32 to index
      %get3A_590 = arith.constant 64 : index
      %get3A_591 = tpu.vector_load %arg6[%get3A_589, %get3A_590] {strides = array<i32>} : memref<256x128xf32, #tpu.memory_space<vmem>>, vector<1x16xf32>,
      %get3A_592 = vector.shape_cast %get3A_591 : vector<1x16xf32> to vector<16xf32>
      %add3A_593 = arith.addf %add3A_586, %get3A_592 : vector<16xf32>
      %add3A_594 = arith.constant 192 : i32
      %add3A_595 = arith.addi %scan3A_456, %add3A_594 : i32
      %get3A_596 = arith.index_cast %add3A_595 : i32 to index
      %get3A_597 = arith.constant 64 : index
      %get3A_598 = tpu.vector_load %arg6[%get3A_596, %get3A_597] {strides = array<i32>} : memref<256x128xf32, #tpu.memory_space<vmem>>, vector<1x16xf32>,
      %get3A_599 = vector.shape_cast %get3A_598 : vector<1x16xf32> to vector<16xf32>
      %add3A_600 = arith.addf %add3A_593, %get3A_599 : vector<16xf32>
      %swap3A_601 = arith.index_cast %scan3A_456 : i32 to index
      %swap3A_602 = arith.constant 64 : index
      %swap3A_603 = tpu.vector_load %arg9[%swap3A_601, %swap3A_602] {strides = array<i32>} : memref<64x128xf32, #tpu.memory_space<vmem>>, vector<1x16xf32>,
      %swap3A_604 = vector.shape_cast %swap3A_603 : vector<1x16xf32> to vector<16xf32>
      %swap3A_605 = vector.shape_cast %add3A_600 : vector<16xf32> to vector<1x16xf32>
      tpu.vector_store %arg9[%swap3A_601, %swap3A_602], %swap3A_605 {strides = array<i32>} : memref<64x128xf32, #tpu.memory_space<vmem>>, vector<1x16xf32>,
      %get3A_606 = arith.index_cast %scan3A_456 : i32 to index
      %get3A_607 = arith.constant 80 : index
      %get3A_608 = tpu.vector_load %arg6[%get3A_606, %get3A_607] {strides = array<i32>} : memref<256x128xf32, #tpu.memory_space<vmem>>, vector<1x16xf32>,
      %get3A_609 = vector.shape_cast %get3A_608 : vector<1x16xf32> to vector<16xf32>
      %add3A_610 = arith.constant 64 : i32
      %add3A_611 = arith.addi %scan3A_456, %add3A_610 : i32
      %get3A_612 = arith.index_cast %add3A_611 : i32 to index
      %get3A_613 = arith.constant 80 : index
      %get3A_614 = tpu.vector_load %arg6[%get3A_612, %get3A_613] {strides = array<i32>} : memref<256x128xf32, #tpu.memory_space<vmem>>, vector<1x16xf32>,
      %get3A_615 = vector.shape_cast %get3A_614 : vector<1x16xf32> to vector<16xf32>
      %add3A_616 = arith.addf %get3A_609, %get3A_615 : vector<16xf32>
      %add3A_617 = arith.constant 128 : i32
      %add3A_618 = arith.addi %scan3A_456, %add3A_617 : i32
      %get3A_619 = arith.index_cast %add3A_618 : i32 to index
      %get3A_620 = arith.constant 80 : index
      %get3A_621 = tpu.vector_load %arg6[%get3A_619, %get3A_620] {strides = array<i32>} : memref<256x128xf32, #tpu.memory_space<vmem>>, vector<1x16xf32>,
      %get3A_622 = vector.shape_cast %get3A_621 : vector<1x16xf32> to vector<16xf32>
      %add3A_623 = arith.addf %add3A_616, %get3A_622 : vector<16xf32>
      %add3A_624 = arith.constant 192 : i32
      %add3A_625 = arith.addi %scan3A_456, %add3A_624 : i32
      %get3A_626 = arith.index_cast %add3A_625 : i32 to index
      %get3A_627 = arith.constant 80 : index
      %get3A_628 = tpu.vector_load %arg6[%get3A_626, %get3A_627] {strides = array<i32>} : memref<256x128xf32, #tpu.memory_space<vmem>>, vector<1x16xf32>,
      %get3A_629 = vector.shape_cast %get3A_628 : vector<1x16xf32> to vector<16xf32>
      %add3A_630 = arith.addf %add3A_623, %get3A_629 : vector<16xf32>
      %swap3A_631 = arith.index_cast %scan3A_456 : i32 to index
      %swap3A_632 = arith.constant 80 : index
      %swap3A_633 = tpu.vector_load %arg9[%swap3A_631, %swap3A_632] {strides = array<i32>} : memref<64x128xf32, #tpu.memory_space<vmem>>, vector<1x16xf32>,
      %swap3A_634 = vector.shape_cast %swap3A_633 : vector<1x16xf32> to vector<16xf32>
      %swap3A_635 = vector.shape_cast %add3A_630 : vector<16xf32> to vector<1x16xf32>
      tpu.vector_store %arg9[%swap3A_631, %swap3A_632], %swap3A_635 {strides = array<i32>} : memref<64x128xf32, #tpu.memory_space<vmem>>, vector<1x16xf32>,
      %get3A_636 = arith.index_cast %scan3A_456 : i32 to index
      %get3A_637 = arith.constant 96 : index
      %get3A_638 = tpu.vector_load %arg6[%get3A_636, %get3A_637] {strides = array<i32>} : memref<256x128xf32, #tpu.memory_space<vmem>>, vector<1x16xf32>,
      %get3A_639 = vector.shape_cast %get3A_638 : vector<1x16xf32> to vector<16xf32>
      %add3A_640 = arith.constant 64 : i32
      %add3A_641 = arith.addi %scan3A_456, %add3A_640 : i32
      %get3A_642 = arith.index_cast %add3A_641 : i32 to index
      %get3A_643 = arith.constant 96 : index
      %get3A_644 = tpu.vector_load %arg6[%get3A_642, %get3A_643] {strides = array<i32>} : memref<256x128xf32, #tpu.memory_space<vmem>>, vector<1x16xf32>,
      %get3A_645 = vector.shape_cast %get3A_644 : vector<1x16xf32> to vector<16xf32>
      %add3A_646 = arith.addf %get3A_639, %get3A_645 : vector<16xf32>
      %add3A_647 = arith.constant 128 : i32
      %add3A_648 = arith.addi %scan3A_456, %add3A_647 : i32
      %get3A_649 = arith.index_cast %add3A_648 : i32 to index
      %get3A_650 = arith.constant 96 : index
      %get3A_651 = tpu.vector_load %arg6[%get3A_649, %get3A_650] {strides = array<i32>} : memref<256x128xf32, #tpu.memory_space<vmem>>, vector<1x16xf32>,
      %get3A_652 = vector.shape_cast %get3A_651 : vector<1x16xf32> to vector<16xf32>
      %add3A_653 = arith.addf %add3A_646, %get3A_652 : vector<16xf32>
      %add3A_654 = arith.constant 192 : i32
      %add3A_655 = arith.addi %scan3A_456, %add3A_654 : i32
      %get3A_656 = arith.index_cast %add3A_655 : i32 to index
      %get3A_657 = arith.constant 96 : index
      %get3A_658 = tpu.vector_load %arg6[%get3A_656, %get3A_657] {strides = array<i32>} : memref<256x128xf32, #tpu.memory_space<vmem>>, vector<1x16xf32>,
      %get3A_659 = vector.shape_cast %get3A_658 : vector<1x16xf32> to vector<16xf32>
      %add3A_660 = arith.addf %add3A_653, %get3A_659 : vector<16xf32>
      %swap3A_661 = arith.index_cast %scan3A_456 : i32 to index
      %swap3A_662 = arith.constant 96 : index
      %swap3A_663 = tpu.vector_load %arg9[%swap3A_661, %swap3A_662] {strides = array<i32>} : memref<64x128xf32, #tpu.memory_space<vmem>>, vector<1x16xf32>,
      %swap3A_664 = vector.shape_cast %swap3A_663 : vector<1x16xf32> to vector<16xf32>
      %swap3A_665 = vector.shape_cast %add3A_660 : vector<16xf32> to vector<1x16xf32>
      tpu.vector_store %arg9[%swap3A_661, %swap3A_662], %swap3A_665 {strides = array<i32>} : memref<64x128xf32, #tpu.memory_space<vmem>>, vector<1x16xf32>,
      %get3A_666 = arith.index_cast %scan3A_456 : i32 to index
      %get3A_667 = arith.constant 112 : index
      %get3A_668 = tpu.vector_load %arg6[%get3A_666, %get3A_667] {strides = array<i32>} : memref<256x128xf32, #tpu.memory_space<vmem>>, vector<1x16xf32>,
      %get3A_669 = vector.shape_cast %get3A_668 : vector<1x16xf32> to vector<16xf32>
      %add3A_670 = arith.constant 64 : i32
      %add3A_671 = arith.addi %scan3A_456, %add3A_670 : i32
      %get3A_672 = arith.index_cast %add3A_671 : i32 to index
      %get3A_673 = arith.constant 112 : index
      %get3A_674 = tpu.vector_load %arg6[%get3A_672, %get3A_673] {strides = array<i32>} : memref<256x128xf32, #tpu.memory_space<vmem>>, vector<1x16xf32>,
      %get3A_675 = vector.shape_cast %get3A_674 : vector<1x16xf32> to vector<16xf32>
      %add3A_676 = arith.addf %get3A_669, %get3A_675 : vector<16xf32>
      %add3A_677 = arith.constant 128 : i32
      %add3A_678 = arith.addi %scan3A_456, %add3A_677 : i32
      %get3A_679 = arith.index_cast %add3A_678 : i32 to index
      %get3A_680 = arith.constant 112 : index
      %get3A_681 = tpu.vector_load %arg6[%get3A_679, %get3A_680] {strides = array<i32>} : memref<256x128xf32, #tpu.memory_space<vmem>>, vector<1x16xf32>,
      %get3A_682 = vector.shape_cast %get3A_681 : vector<1x16xf32> to vector<16xf32>
      %add3A_683 = arith.addf %add3A_676, %get3A_682 : vector<16xf32>
      %add3A_684 = arith.constant 192 : i32
      %add3A_685 = arith.addi %scan3A_456, %add3A_684 : i32
      %get3A_686 = arith.index_cast %add3A_685 : i32 to index
      %get3A_687 = arith.constant 112 : index
      %get3A_688 = tpu.vector_load %arg6[%get3A_686, %get3A_687] {strides = array<i32>} : memref<256x128xf32, #tpu.memory_space<vmem>>, vector<1x16xf32>,
      %get3A_689 = vector.shape_cast %get3A_688 : vector<1x16xf32> to vector<16xf32>
      %add3A_690 = arith.addf %add3A_683, %get3A_689 : vector<16xf32>
      %swap3A_691 = arith.index_cast %scan3A_456 : i32 to index
      %swap3A_692 = arith.constant 112 : index
      %swap3A_693 = tpu.vector_load %arg9[%swap3A_691, %swap3A_692] {strides = array<i32>} : memref<64x128xf32, #tpu.memory_space<vmem>>, vector<1x16xf32>,
      %swap3A_694 = vector.shape_cast %swap3A_693 : vector<1x16xf32> to vector<16xf32>
      %swap3A_695 = vector.shape_cast %add3A_690 : vector<16xf32> to vector<1x16xf32>
      tpu.vector_store %arg9[%swap3A_691, %swap3A_692], %swap3A_695 {strides = array<i32>} : memref<64x128xf32, #tpu.memory_space<vmem>>, vector<1x16xf32>,
      %scan3A_696 = arith.constant 0 : i32
      scf.yield %scan3A_696 : i32
    }
    %scan3A_249 = arith.constant 64 : i32
    "tpu.trace_stop"() : () -> ()
    %add3A_250 = arith.constant 192 : i32
    %add3A_251 = arith.addi %mul3A_2, %add3A_250 : i32
    %dma_start3A_252 = arith.constant 0 : i32
    %dma_start3A_253 = tpu.memref_slice %arg4[%add3A_251, %dma_start3A_252] : memref<16384x128xf32, #tpu.memory_space<hbm>> -> memref<64x128xf32, #tpu.memory_space<hbm>>
    %dma_start3A_254 = arith.constant 0 : i32
    %dma_start3A_255 = tpu.memref_slice %arg4[%add3A_251, %dma_start3A_254] : memref<16384x128xf32, #tpu.memory_space<hbm>> -> memref<64x128xf32, #tpu.memory_space<hbm>>
    tpu.enqueue_dma source(%arg9 : memref<64x128xf32, #tpu.memory_space<vmem>>) target(%dma_start3A_255 : memref<64x128xf32, #tpu.memory_space<hbm>>) target_semaphore(%arg15 : memref<!tpu.dma_semaphore, #tpu.memory_space<semaphore_mem>>)
    %dma_start3A_256 = arith.constant 12 : i32
    %dma_start3A_257 = arith.constant 0 : i32
    %dma_start3A_258 = arith.constant 0 : i32
    %dma_start3A_259 = tpu.memref_slice %arg6[%dma_start3A_257, %dma_start3A_258] : memref<256x128xf32, #tpu.memory_space<vmem>> -> memref<128x128xf32, #tpu.memory_space<vmem>>
    %dma_start3A_260 = arith.constant 0 : i32
    %dma_start3A_261 = tpu.memref_slice %arg5[%dma_start3A_256, %dma_start3A_260] : memref<16x128xi32, #tpu.memory_space<vmem>> -> memref<1x128xi32, #tpu.memory_space<vmem>>
    %dma_start3A_262 = tpu.memref_squeeze %dma_start3A_261 : memref<1x128xi32, #tpu.memory_space<vmem>> -> memref<128xi32, #tpu.memory_space<vmem>>
    %dma_start3A_263 = arith.constant 0 : i32
    %dma_start3A_264 = arith.constant 0 : i32
    %dma_start3A_265 = tpu.memref_slice %arg3[%dma_start3A_263, %dma_start3A_264] : memref<4000x128xf32, #tpu.memory_space<hbm>> -> memref<4000x128xf32, #tpu.memory_space<hbm>>
    tpu.enqueue_indirect_dma source(%dma_start3A_265 : memref<4000x128xf32, #tpu.memory_space<hbm>>) target(%dma_start3A_259 : memref<128x128xf32, #tpu.memory_space<vmem>>) offsets(%dma_start3A_262 : memref<128xi32, #tpu.memory_space<vmem>>) semaphore(%arg12 : memref<!tpu.dma_semaphore, #tpu.memory_space<semaphore_mem>>)
    %dma_start3A_266 = arith.constant 13 : i32
    %dma_start3A_267 = arith.constant 128 : i32
    %dma_start3A_268 = arith.constant 0 : i32
    %dma_start3A_269 = tpu.memref_slice %arg6[%dma_start3A_267, %dma_start3A_268] : memref<256x128xf32, #tpu.memory_space<vmem>> -> memref<128x128xf32, #tpu.memory_space<vmem>>
    %dma_start3A_270 = arith.constant 0 : i32
    %dma_start3A_271 = tpu.memref_slice %arg5[%dma_start3A_266, %dma_start3A_270] : memref<16x128xi32, #tpu.memory_space<vmem>> -> memref<1x128xi32, #tpu.memory_space<vmem>>
    %dma_start3A_272 = tpu.memref_squeeze %dma_start3A_271 : memref<1x128xi32, #tpu.memory_space<vmem>> -> memref<128xi32, #tpu.memory_space<vmem>>
    %dma_start3A_273 = arith.constant 0 : i32
    %dma_start3A_274 = arith.constant 0 : i32
    %dma_start3A_275 = tpu.memref_slice %arg3[%dma_start3A_273, %dma_start3A_274] : memref<4000x128xf32, #tpu.memory_space<hbm>> -> memref<4000x128xf32, #tpu.memory_space<hbm>>
    tpu.enqueue_indirect_dma source(%dma_start3A_275 : memref<4000x128xf32, #tpu.memory_space<hbm>>) target(%dma_start3A_269 : memref<128x128xf32, #tpu.memory_space<vmem>>) offsets(%dma_start3A_272 : memref<128xi32, #tpu.memory_space<vmem>>) semaphore(%arg12 : memref<!tpu.dma_semaphore, #tpu.memory_space<semaphore_mem>>)
    %dma_wait3A_276 = arith.constant 8 : i32
    "tpu.trace_start"() <{level = 10 : i32, message = "gwait"}> : () -> ()
    %dma_wait3A_277 = arith.constant 0 : i32
    %dma_wait3A_278 = arith.constant 0 : i32
    %dma_wait3A_279 = tpu.memref_slice %arg7[%dma_wait3A_277, %dma_wait3A_278] : memref<256x128xf32, #tpu.memory_space<vmem>> -> memref<128x128xf32, #tpu.memory_space<vmem>>
    %dma_wait3A_280 = arith.constant 0 : i32
    %dma_wait3A_281 = tpu.memref_slice %arg5[%dma_wait3A_276, %dma_wait3A_280] : memref<16x128xi32, #tpu.memory_space<vmem>> -> memref<1x128xi32, #tpu.memory_space<vmem>>
    %dma_wait3A_282 = tpu.memref_squeeze %dma_wait3A_281 : memref<1x128xi32, #tpu.memory_space<vmem>> -> memref<128xi32, #tpu.memory_space<vmem>>
    %dma_wait3A_283 = arith.constant 0 : i32
    %dma_wait3A_284 = arith.constant 0 : i32
    %dma_wait3A_285 = tpu.memref_slice %arg3[%dma_wait3A_283, %dma_wait3A_284] : memref<4000x128xf32, #tpu.memory_space<hbm>> -> memref<4000x128xf32, #tpu.memory_space<hbm>>
    tpu.wait_indirect_dma semaphore(%arg13 : memref<!tpu.dma_semaphore, #tpu.memory_space<semaphore_mem>>) src(%dma_wait3A_285 : memref<4000x128xf32, #tpu.memory_space<hbm>>) dst(%dma_wait3A_279 : memref<128x128xf32, #tpu.memory_space<vmem>>)
    %dma_wait3A_286 = arith.constant 9 : i32
    %dma_wait3A_287 = arith.constant 128 : i32
    %dma_wait3A_288 = arith.constant 0 : i32
    %dma_wait3A_289 = tpu.memref_slice %arg7[%dma_wait3A_287, %dma_wait3A_288] : memref<256x128xf32, #tpu.memory_space<vmem>> -> memref<128x128xf32, #tpu.memory_space<vmem>>
    %dma_wait3A_290 = arith.constant 0 : i32
    %dma_wait3A_291 = tpu.memref_slice %arg5[%dma_wait3A_286, %dma_wait3A_290] : memref<16x128xi32, #tpu.memory_space<vmem>> -> memref<1x128xi32, #tpu.memory_space<vmem>>
    %dma_wait3A_292 = tpu.memref_squeeze %dma_wait3A_291 : memref<1x128xi32, #tpu.memory_space<vmem>> -> memref<128xi32, #tpu.memory_space<vmem>>
    %dma_wait3A_293 = arith.constant 0 : i32
    %dma_wait3A_294 = arith.constant 0 : i32
    %dma_wait3A_295 = tpu.memref_slice %arg3[%dma_wait3A_293, %dma_wait3A_294] : memref<4000x128xf32, #tpu.memory_space<hbm>> -> memref<4000x128xf32, #tpu.memory_space<hbm>>
    tpu.wait_indirect_dma semaphore(%arg13 : memref<!tpu.dma_semaphore, #tpu.memory_space<semaphore_mem>>) src(%dma_wait3A_295 : memref<4000x128xf32, #tpu.memory_space<hbm>>) dst(%dma_wait3A_289 : memref<128x128xf32, #tpu.memory_space<vmem>>)
    "tpu.trace_stop"() : () -> ()
    "tpu.trace_start"() <{level = 10 : i32, message = "wbwait"}> : () -> ()
    %dma_wait3A_296 = arith.constant 0 : i32
    %dma_wait3A_297 = tpu.memref_slice %arg4[%add3A_141, %dma_wait3A_296] : memref<16384x128xf32, #tpu.memory_space<hbm>> -> memref<64x128xf32, #tpu.memory_space<hbm>>
    %dma_wait3A_298 = arith.constant 0 : i32
    %dma_wait3A_299 = tpu.memref_slice %arg4[%add3A_141, %dma_wait3A_298] : memref<16384x128xf32, #tpu.memory_space<hbm>> -> memref<64x128xf32, #tpu.memory_space<hbm>>
    tpu.wait_dma2 semaphore(%arg16 : memref<!tpu.dma_semaphore, #tpu.memory_space<semaphore_mem>>) src(%arg10 : memref<64x128xf32, #tpu.memory_space<vmem>>) dst(%dma_wait3A_299 : memref<64x128xf32, #tpu.memory_space<hbm>>)
    "tpu.trace_stop"() : () -> ()
    "tpu.trace_start"() <{level = 10 : i32, message = "adds"}> : () -> ()
    %scan3A_300 = arith.constant 0 : i32
    %scan3A_301 = arith.constant 0 : i32
    %scan3A_302 = arith.constant 64 : i32
    %scan3A_303 = arith.addi %scan3A_301, %scan3A_302 : i32
    %scan3A_304 = arith.constant 1 : i32
    %scan3A_305 = scf.for %scan3A_456 = %scan3A_301 to %scan3A_303 step %scan3A_304 iter_args(%scan3A_457 = %scan3A_300) -> (i32)  : i32 {
      %get3A = arith.index_cast %scan3A_456 : i32 to index
      %get3A_458 = arith.constant 0 : index
      %get3A_459 = tpu.vector_load %arg7[%get3A, %get3A_458] {strides = array<i32>} : memref<256x128xf32, #tpu.memory_space<vmem>>, vector<1x16xf32>,
      %get3A_460 = vector.shape_cast %get3A_459 : vector<1x16xf32> to vector<16xf32>
      %add3A_461 = arith.constant 64 : i32
      %add3A_462 = arith.addi %scan3A_456, %add3A_461 : i32
      %get3A_463 = arith.index_cast %add3A_462 : i32 to index
      %get3A_464 = arith.constant 0 : index
      %get3A_465 = tpu.vector_load %arg7[%get3A_463, %get3A_464] {strides = array<i32>} : memref<256x128xf32, #tpu.memory_space<vmem>>, vector<1x16xf32>,
      %get3A_466 = vector.shape_cast %get3A_465 : vector<1x16xf32> to vector<16xf32>
      %add3A_467 = arith.addf %get3A_460, %get3A_466 : vector<16xf32>
      %add3A_468 = arith.constant 128 : i32
      %add3A_469 = arith.addi %scan3A_456, %add3A_468 : i32
      %get3A_470 = arith.index_cast %add3A_469 : i32 to index
      %get3A_471 = arith.constant 0 : index
      %get3A_472 = tpu.vector_load %arg7[%get3A_470, %get3A_471] {strides = array<i32>} : memref<256x128xf32, #tpu.memory_space<vmem>>, vector<1x16xf32>,
      %get3A_473 = vector.shape_cast %get3A_472 : vector<1x16xf32> to vector<16xf32>
      %add3A_474 = arith.addf %add3A_467, %get3A_473 : vector<16xf32>
      %add3A_475 = arith.constant 192 : i32
      %add3A_476 = arith.addi %scan3A_456, %add3A_475 : i32
      %get3A_477 = arith.index_cast %add3A_476 : i32 to index
      %get3A_478 = arith.constant 0 : index
      %get3A_479 = tpu.vector_load %arg7[%get3A_477, %get3A_478] {strides = array<i32>} : memref<256x128xf32, #tpu.memory_space<vmem>>, vector<1x16xf32>,
      %get3A_480 = vector.shape_cast %get3A_479 : vector<1x16xf32> to vector<16xf32>
      %add3A_481 = arith.addf %add3A_474, %get3A_480 : vector<16xf32>
      %swap3A = arith.index_cast %scan3A_456 : i32 to index
      %swap3A_482 = arith.constant 0 : index
      %swap3A_483 = tpu.vector_load %arg10[%swap3A, %swap3A_482] {strides = array<i32>} : memref<64x128xf32, #tpu.memory_space<vmem>>, vector<1x16xf32>,
      %swap3A_484 = vector.shape_cast %swap3A_483 : vector<1x16xf32> to vector<16xf32>
      %swap3A_485 = vector.shape_cast %add3A_481 : vector<16xf32> to vector<1x16xf32>
      tpu.vector_store %arg10[%swap3A, %swap3A_482], %swap3A_485 {strides = array<i32>} : memref<64x128xf32, #tpu.memory_space<vmem>>, vector<1x16xf32>,
      %get3A_486 = arith.index_cast %scan3A_456 : i32 to index
      %get3A_487 = arith.constant 16 : index
      %get3A_488 = tpu.vector_load %arg7[%get3A_486, %get3A_487] {strides = array<i32>} : memref<256x128xf32, #tpu.memory_space<vmem>>, vector<1x16xf32>,
      %get3A_489 = vector.shape_cast %get3A_488 : vector<1x16xf32> to vector<16xf32>
      %add3A_490 = arith.constant 64 : i32
      %add3A_491 = arith.addi %scan3A_456, %add3A_490 : i32
      %get3A_492 = arith.index_cast %add3A_491 : i32 to index
      %get3A_493 = arith.constant 16 : index
      %get3A_494 = tpu.vector_load %arg7[%get3A_492, %get3A_493] {strides = array<i32>} : memref<256x128xf32, #tpu.memory_space<vmem>>, vector<1x16xf32>,
      %get3A_495 = vector.shape_cast %get3A_494 : vector<1x16xf32> to vector<16xf32>
      %add3A_496 = arith.addf %get3A_489, %get3A_495 : vector<16xf32>
      %add3A_497 = arith.constant 128 : i32
      %add3A_498 = arith.addi %scan3A_456, %add3A_497 : i32
      %get3A_499 = arith.index_cast %add3A_498 : i32 to index
      %get3A_500 = arith.constant 16 : index
      %get3A_501 = tpu.vector_load %arg7[%get3A_499, %get3A_500] {strides = array<i32>} : memref<256x128xf32, #tpu.memory_space<vmem>>, vector<1x16xf32>,
      %get3A_502 = vector.shape_cast %get3A_501 : vector<1x16xf32> to vector<16xf32>
      %add3A_503 = arith.addf %add3A_496, %get3A_502 : vector<16xf32>
      %add3A_504 = arith.constant 192 : i32
      %add3A_505 = arith.addi %scan3A_456, %add3A_504 : i32
      %get3A_506 = arith.index_cast %add3A_505 : i32 to index
      %get3A_507 = arith.constant 16 : index
      %get3A_508 = tpu.vector_load %arg7[%get3A_506, %get3A_507] {strides = array<i32>} : memref<256x128xf32, #tpu.memory_space<vmem>>, vector<1x16xf32>,
      %get3A_509 = vector.shape_cast %get3A_508 : vector<1x16xf32> to vector<16xf32>
      %add3A_510 = arith.addf %add3A_503, %get3A_509 : vector<16xf32>
      %swap3A_511 = arith.index_cast %scan3A_456 : i32 to index
      %swap3A_512 = arith.constant 16 : index
      %swap3A_513 = tpu.vector_load %arg10[%swap3A_511, %swap3A_512] {strides = array<i32>} : memref<64x128xf32, #tpu.memory_space<vmem>>, vector<1x16xf32>,
      %swap3A_514 = vector.shape_cast %swap3A_513 : vector<1x16xf32> to vector<16xf32>
      %swap3A_515 = vector.shape_cast %add3A_510 : vector<16xf32> to vector<1x16xf32>
      tpu.vector_store %arg10[%swap3A_511, %swap3A_512], %swap3A_515 {strides = array<i32>} : memref<64x128xf32, #tpu.memory_space<vmem>>, vector<1x16xf32>,
      %get3A_516 = arith.index_cast %scan3A_456 : i32 to index
      %get3A_517 = arith.constant 32 : index
      %get3A_518 = tpu.vector_load %arg7[%get3A_516, %get3A_517] {strides = array<i32>} : memref<256x128xf32, #tpu.memory_space<vmem>>, vector<1x16xf32>,
      %get3A_519 = vector.shape_cast %get3A_518 : vector<1x16xf32> to vector<16xf32>
      %add3A_520 = arith.constant 64 : i32
      %add3A_521 = arith.addi %scan3A_456, %add3A_520 : i32
      %get3A_522 = arith.index_cast %add3A_521 : i32 to index
      %get3A_523 = arith.constant 32 : index
      %get3A_524 = tpu.vector_load %arg7[%get3A_522, %get3A_523] {strides = array<i32>} : memref<256x128xf32, #tpu.memory_space<vmem>>, vector<1x16xf32>,
      %get3A_525 = vector.shape_cast %get3A_524 : vector<1x16xf32> to vector<16xf32>
      %add3A_526 = arith.addf %get3A_519, %get3A_525 : vector<16xf32>
      %add3A_527 = arith.constant 128 : i32
      %add3A_528 = arith.addi %scan3A_456, %add3A_527 : i32
      %get3A_529 = arith.index_cast %add3A_528 : i32 to index
      %get3A_530 = arith.constant 32 : index
      %get3A_531 = tpu.vector_load %arg7[%get3A_529, %get3A_530] {strides = array<i32>} : memref<256x128xf32, #tpu.memory_space<vmem>>, vector<1x16xf32>,
      %get3A_532 = vector.shape_cast %get3A_531 : vector<1x16xf32> to vector<16xf32>
      %add3A_533 = arith.addf %add3A_526, %get3A_532 : vector<16xf32>
      %add3A_534 = arith.constant 192 : i32
      %add3A_535 = arith.addi %scan3A_456, %add3A_534 : i32
      %get3A_536 = arith.index_cast %add3A_535 : i32 to index
      %get3A_537 = arith.constant 32 : index
      %get3A_538 = tpu.vector_load %arg7[%get3A_536, %get3A_537] {strides = array<i32>} : memref<256x128xf32, #tpu.memory_space<vmem>>, vector<1x16xf32>,
      %get3A_539 = vector.shape_cast %get3A_538 : vector<1x16xf32> to vector<16xf32>
      %add3A_540 = arith.addf %add3A_533, %get3A_539 : vector<16xf32>
      %swap3A_541 = arith.index_cast %scan3A_456 : i32 to index
      %swap3A_542 = arith.constant 32 : index
      %swap3A_543 = tpu.vector_load %arg10[%swap3A_541, %swap3A_542] {strides = array<i32>} : memref<64x128xf32, #tpu.memory_space<vmem>>, vector<1x16xf32>,
      %swap3A_544 = vector.shape_cast %swap3A_543 : vector<1x16xf32> to vector<16xf32>
      %swap3A_545 = vector.shape_cast %add3A_540 : vector<16xf32> to vector<1x16xf32>
      tpu.vector_store %arg10[%swap3A_541, %swap3A_542], %swap3A_545 {strides = array<i32>} : memref<64x128xf32, #tpu.memory_space<vmem>>, vector<1x16xf32>,
      %get3A_546 = arith.index_cast %scan3A_456 : i32 to index
      %get3A_547 = arith.constant 48 : index
      %get3A_548 = tpu.vector_load %arg7[%get3A_546, %get3A_547] {strides = array<i32>} : memref<256x128xf32, #tpu.memory_space<vmem>>, vector<1x16xf32>,
      %get3A_549 = vector.shape_cast %get3A_548 : vector<1x16xf32> to vector<16xf32>
      %add3A_550 = arith.constant 64 : i32
      %add3A_551 = arith.addi %scan3A_456, %add3A_550 : i32
      %get3A_552 = arith.index_cast %add3A_551 : i32 to index
      %get3A_553 = arith.constant 48 : index
      %get3A_554 = tpu.vector_load %arg7[%get3A_552, %get3A_553] {strides = array<i32>} : memref<256x128xf32, #tpu.memory_space<vmem>>, vector<1x16xf32>,
      %get3A_555 = vector.shape_cast %get3A_554 : vector<1x16xf32> to vector<16xf32>
      %add3A_556 = arith.addf %get3A_549, %get3A_555 : vector<16xf32>
      %add3A_557 = arith.constant 128 : i32
      %add3A_558 = arith.addi %scan3A_456, %add3A_557 : i32
      %get3A_559 = arith.index_cast %add3A_558 : i32 to index
      %get3A_560 = arith.constant 48 : index
      %get3A_561 = tpu.vector_load %arg7[%get3A_559, %get3A_560] {strides = array<i32>} : memref<256x128xf32, #tpu.memory_space<vmem>>, vector<1x16xf32>,
      %get3A_562 = vector.shape_cast %get3A_561 : vector<1x16xf32> to vector<16xf32>
      %add3A_563 = arith.addf %add3A_556, %get3A_562 : vector<16xf32>
      %add3A_564 = arith.constant 192 : i32
      %add3A_565 = arith.addi %scan3A_456, %add3A_564 : i32
      %get3A_566 = arith.index_cast %add3A_565 : i32 to index
      %get3A_567 = arith.constant 48 : index
      %get3A_568 = tpu.vector_load %arg7[%get3A_566, %get3A_567] {strides = array<i32>} : memref<256x128xf32, #tpu.memory_space<vmem>>, vector<1x16xf32>,
      %get3A_569 = vector.shape_cast %get3A_568 : vector<1x16xf32> to vector<16xf32>
      %add3A_570 = arith.addf %add3A_563, %get3A_569 : vector<16xf32>
      %swap3A_571 = arith.index_cast %scan3A_456 : i32 to index
      %swap3A_572 = arith.constant 48 : index
      %swap3A_573 = tpu.vector_load %arg10[%swap3A_571, %swap3A_572] {strides = array<i32>} : memref<64x128xf32, #tpu.memory_space<vmem>>, vector<1x16xf32>,
      %swap3A_574 = vector.shape_cast %swap3A_573 : vector<1x16xf32> to vector<16xf32>
      %swap3A_575 = vector.shape_cast %add3A_570 : vector<16xf32> to vector<1x16xf32>
      tpu.vector_store %arg10[%swap3A_571, %swap3A_572], %swap3A_575 {strides = array<i32>} : memref<64x128xf32, #tpu.memory_space<vmem>>, vector<1x16xf32>,
      %get3A_576 = arith.index_cast %scan3A_456 : i32 to index
      %get3A_577 = arith.constant 64 : index
      %get3A_578 = tpu.vector_load %arg7[%get3A_576, %get3A_577] {strides = array<i32>} : memref<256x128xf32, #tpu.memory_space<vmem>>, vector<1x16xf32>,
      %get3A_579 = vector.shape_cast %get3A_578 : vector<1x16xf32> to vector<16xf32>
      %add3A_580 = arith.constant 64 : i32
      %add3A_581 = arith.addi %scan3A_456, %add3A_580 : i32
      %get3A_582 = arith.index_cast %add3A_581 : i32 to index
      %get3A_583 = arith.constant 64 : index
      %get3A_584 = tpu.vector_load %arg7[%get3A_582, %get3A_583] {strides = array<i32>} : memref<256x128xf32, #tpu.memory_space<vmem>>, vector<1x16xf32>,
      %get3A_585 = vector.shape_cast %get3A_584 : vector<1x16xf32> to vector<16xf32>
      %add3A_586 = arith.addf %get3A_579, %get3A_585 : vector<16xf32>
      %add3A_587 = arith.constant 128 : i32
      %add3A_588 = arith.addi %scan3A_456, %add3A_587 : i32
      %get3A_589 = arith.index_cast %add3A_588 : i32 to index
      %get3A_590 = arith.constant 64 : index
      %get3A_591 = tpu.vector_load %arg7[%get3A_589, %get3A_590] {strides = array<i32>} : memref<256x128xf32, #tpu.memory_space<vmem>>, vector<1x16xf32>,
      %get3A_592 = vector.shape_cast %get3A_591 : vector<1x16xf32> to vector<16xf32>
      %add3A_593 = arith.addf %add3A_586, %get3A_592 : vector<16xf32>
      %add3A_594 = arith.constant 192 : i32
      %add3A_595 = arith.addi %scan3A_456, %add3A_594 : i32
      %get3A_596 = arith.index_cast %add3A_595 : i32 to index
      %get3A_597 = arith.constant 64 : index
      %get3A_598 = tpu.vector_load %arg7[%get3A_596, %get3A_597] {strides = array<i32>} : memref<256x128xf32, #tpu.memory_space<vmem>>, vector<1x16xf32>,
      %get3A_599 = vector.shape_cast %get3A_598 : vector<1x16xf32> to vector<16xf32>
      %add3A_600 = arith.addf %add3A_593, %get3A_599 : vector<16xf32>
      %swap3A_601 = arith.index_cast %scan3A_456 : i32 to index
      %swap3A_602 = arith.constant 64 : index
      %swap3A_603 = tpu.vector_load %arg10[%swap3A_601, %swap3A_602] {strides = array<i32>} : memref<64x128xf32, #tpu.memory_space<vmem>>, vector<1x16xf32>,
      %swap3A_604 = vector.shape_cast %swap3A_603 : vector<1x16xf32> to vector<16xf32>
      %swap3A_605 = vector.shape_cast %add3A_600 : vector<16xf32> to vector<1x16xf32>
      tpu.vector_store %arg10[%swap3A_601, %swap3A_602], %swap3A_605 {strides = array<i32>} : memref<64x128xf32, #tpu.memory_space<vmem>>, vector<1x16xf32>,
      %get3A_606 = arith.index_cast %scan3A_456 : i32 to index
      %get3A_607 = arith.constant 80 : index
      %get3A_608 = tpu.vector_load %arg7[%get3A_606, %get3A_607] {strides = array<i32>} : memref<256x128xf32, #tpu.memory_space<vmem>>, vector<1x16xf32>,
      %get3A_609 = vector.shape_cast %get3A_608 : vector<1x16xf32> to vector<16xf32>
      %add3A_610 = arith.constant 64 : i32
      %add3A_611 = arith.addi %scan3A_456, %add3A_610 : i32
      %get3A_612 = arith.index_cast %add3A_611 : i32 to index
      %get3A_613 = arith.constant 80 : index
      %get3A_614 = tpu.vector_load %arg7[%get3A_612, %get3A_613] {strides = array<i32>} : memref<256x128xf32, #tpu.memory_space<vmem>>, vector<1x16xf32>,
      %get3A_615 = vector.shape_cast %get3A_614 : vector<1x16xf32> to vector<16xf32>
      %add3A_616 = arith.addf %get3A_609, %get3A_615 : vector<16xf32>
      %add3A_617 = arith.constant 128 : i32
      %add3A_618 = arith.addi %scan3A_456, %add3A_617 : i32
      %get3A_619 = arith.index_cast %add3A_618 : i32 to index
      %get3A_620 = arith.constant 80 : index
      %get3A_621 = tpu.vector_load %arg7[%get3A_619, %get3A_620] {strides = array<i32>} : memref<256x128xf32, #tpu.memory_space<vmem>>, vector<1x16xf32>,
      %get3A_622 = vector.shape_cast %get3A_621 : vector<1x16xf32> to vector<16xf32>
      %add3A_623 = arith.addf %add3A_616, %get3A_622 : vector<16xf32>
      %add3A_624 = arith.constant 192 : i32
      %add3A_625 = arith.addi %scan3A_456, %add3A_624 : i32
      %get3A_626 = arith.index_cast %add3A_625 : i32 to index
      %get3A_627 = arith.constant 80 : index
      %get3A_628 = tpu.vector_load %arg7[%get3A_626, %get3A_627] {strides = array<i32>} : memref<256x128xf32, #tpu.memory_space<vmem>>, vector<1x16xf32>,
      %get3A_629 = vector.shape_cast %get3A_628 : vector<1x16xf32> to vector<16xf32>
      %add3A_630 = arith.addf %add3A_623, %get3A_629 : vector<16xf32>
      %swap3A_631 = arith.index_cast %scan3A_456 : i32 to index
      %swap3A_632 = arith.constant 80 : index
      %swap3A_633 = tpu.vector_load %arg10[%swap3A_631, %swap3A_632] {strides = array<i32>} : memref<64x128xf32, #tpu.memory_space<vmem>>, vector<1x16xf32>,
      %swap3A_634 = vector.shape_cast %swap3A_633 : vector<1x16xf32> to vector<16xf32>
      %swap3A_635 = vector.shape_cast %add3A_630 : vector<16xf32> to vector<1x16xf32>
      tpu.vector_store %arg10[%swap3A_631, %swap3A_632], %swap3A_635 {strides = array<i32>} : memref<64x128xf32, #tpu.memory_space<vmem>>, vector<1x16xf32>,
      %get3A_636 = arith.index_cast %scan3A_456 : i32 to index
      %get3A_637 = arith.constant 96 : index
      %get3A_638 = tpu.vector_load %arg7[%get3A_636, %get3A_637] {strides = array<i32>} : memref<256x128xf32, #tpu.memory_space<vmem>>, vector<1x16xf32>,
      %get3A_639 = vector.shape_cast %get3A_638 : vector<1x16xf32> to vector<16xf32>
      %add3A_640 = arith.constant 64 : i32
      %add3A_641 = arith.addi %scan3A_456, %add3A_640 : i32
      %get3A_642 = arith.index_cast %add3A_641 : i32 to index
      %get3A_643 = arith.constant 96 : index
      %get3A_644 = tpu.vector_load %arg7[%get3A_642, %get3A_643] {strides = array<i32>} : memref<256x128xf32, #tpu.memory_space<vmem>>, vector<1x16xf32>,
      %get3A_645 = vector.shape_cast %get3A_644 : vector<1x16xf32> to vector<16xf32>
      %add3A_646 = arith.addf %get3A_639, %get3A_645 : vector<16xf32>
      %add3A_647 = arith.constant 128 : i32
      %add3A_648 = arith.addi %scan3A_456, %add3A_647 : i32
      %get3A_649 = arith.index_cast %add3A_648 : i32 to index
      %get3A_650 = arith.constant 96 : index
      %get3A_651 = tpu.vector_load %arg7[%get3A_649, %get3A_650] {strides = array<i32>} : memref<256x128xf32, #tpu.memory_space<vmem>>, vector<1x16xf32>,
      %get3A_652 = vector.shape_cast %get3A_651 : vector<1x16xf32> to vector<16xf32>
      %add3A_653 = arith.addf %add3A_646, %get3A_652 : vector<16xf32>
      %add3A_654 = arith.constant 192 : i32
      %add3A_655 = arith.addi %scan3A_456, %add3A_654 : i32
      %get3A_656 = arith.index_cast %add3A_655 : i32 to index
      %get3A_657 = arith.constant 96 : index
      %get3A_658 = tpu.vector_load %arg7[%get3A_656, %get3A_657] {strides = array<i32>} : memref<256x128xf32, #tpu.memory_space<vmem>>, vector<1x16xf32>,
      %get3A_659 = vector.shape_cast %get3A_658 : vector<1x16xf32> to vector<16xf32>
      %add3A_660 = arith.addf %add3A_653, %get3A_659 : vector<16xf32>
      %swap3A_661 = arith.index_cast %scan3A_456 : i32 to index
      %swap3A_662 = arith.constant 96 : index
      %swap3A_663 = tpu.vector_load %arg10[%swap3A_661, %swap3A_662] {strides = array<i32>} : memref<64x128xf32, #tpu.memory_space<vmem>>, vector<1x16xf32>,
      %swap3A_664 = vector.shape_cast %swap3A_663 : vector<1x16xf32> to vector<16xf32>
      %swap3A_665 = vector.shape_cast %add3A_660 : vector<16xf32> to vector<1x16xf32>
      tpu.vector_store %arg10[%swap3A_661, %swap3A_662], %swap3A_665 {strides = array<i32>} : memref<64x128xf32, #tpu.memory_space<vmem>>, vector<1x16xf32>,
      %get3A_666 = arith.index_cast %scan3A_456 : i32 to index
      %get3A_667 = arith.constant 112 : index
      %get3A_668 = tpu.vector_load %arg7[%get3A_666, %get3A_667] {strides = array<i32>} : memref<256x128xf32, #tpu.memory_space<vmem>>, vector<1x16xf32>,
      %get3A_669 = vector.shape_cast %get3A_668 : vector<1x16xf32> to vector<16xf32>
      %add3A_670 = arith.constant 64 : i32
      %add3A_671 = arith.addi %scan3A_456, %add3A_670 : i32
      %get3A_672 = arith.index_cast %add3A_671 : i32 to index
      %get3A_673 = arith.constant 112 : index
      %get3A_674 = tpu.vector_load %arg7[%get3A_672, %get3A_673] {strides = array<i32>} : memref<256x128xf32, #tpu.memory_space<vmem>>, vector<1x16xf32>,
      %get3A_675 = vector.shape_cast %get3A_674 : vector<1x16xf32> to vector<16xf32>
      %add3A_676 = arith.addf %get3A_669, %get3A_675 : vector<16xf32>
      %add3A_677 = arith.constant 128 : i32
      %add3A_678 = arith.addi %scan3A_456, %add3A_677 : i32
      %get3A_679 = arith.index_cast %add3A_678 : i32 to index
      %get3A_680 = arith.constant 112 : index
      %get3A_681 = tpu.vector_load %arg7[%get3A_679, %get3A_680] {strides = array<i32>} : memref<256x128xf32, #tpu.memory_space<vmem>>, vector<1x16xf32>,
      %get3A_682 = vector.shape_cast %get3A_681 : vector<1x16xf32> to vector<16xf32>
      %add3A_683 = arith.addf %add3A_676, %get3A_682 : vector<16xf32>
      %add3A_684 = arith.constant 192 : i32
      %add3A_685 = arith.addi %scan3A_456, %add3A_684 : i32
      %get3A_686 = arith.index_cast %add3A_685 : i32 to index
      %get3A_687 = arith.constant 112 : index
      %get3A_688 = tpu.vector_load %arg7[%get3A_686, %get3A_687] {strides = array<i32>} : memref<256x128xf32, #tpu.memory_space<vmem>>, vector<1x16xf32>,
      %get3A_689 = vector.shape_cast %get3A_688 : vector<1x16xf32> to vector<16xf32>
      %add3A_690 = arith.addf %add3A_683, %get3A_689 : vector<16xf32>
      %swap3A_691 = arith.index_cast %scan3A_456 : i32 to index
      %swap3A_692 = arith.constant 112 : index
      %swap3A_693 = tpu.vector_load %arg10[%swap3A_691, %swap3A_692] {strides = array<i32>} : memref<64x128xf32, #tpu.memory_space<vmem>>, vector<1x16xf32>,
      %swap3A_694 = vector.shape_cast %swap3A_693 : vector<1x16xf32> to vector<16xf32>
      %swap3A_695 = vector.shape_cast %add3A_690 : vector<16xf32> to vector<1x16xf32>
      tpu.vector_store %arg10[%swap3A_691, %swap3A_692], %swap3A_695 {strides = array<i32>} : memref<64x128xf32, #tpu.memory_space<vmem>>, vector<1x16xf32>,
      %scan3A_696 = arith.constant 0 : i32
      scf.yield %scan3A_696 : i32
    }
    %scan3A_306 = arith.constant 64 : i32
    "tpu.trace_stop"() : () -> ()
    %add3A_307 = arith.constant 256 : i32
    %add3A_308 = arith.addi %mul3A_2, %add3A_307 : i32
    %dma_start3A_309 = arith.constant 0 : i32
    %dma_start3A_310 = tpu.memref_slice %arg4[%add3A_308, %dma_start3A_309] : memref<16384x128xf32, #tpu.memory_space<hbm>> -> memref<64x128xf32, #tpu.memory_space<hbm>>
    %dma_start3A_311 = arith.constant 0 : i32
    %dma_start3A_312 = tpu.memref_slice %arg4[%add3A_308, %dma_start3A_311] : memref<16384x128xf32, #tpu.memory_space<hbm>> -> memref<64x128xf32, #tpu.memory_space<hbm>>
    tpu.enqueue_dma source(%arg10 : memref<64x128xf32, #tpu.memory_space<vmem>>) target(%dma_start3A_312 : memref<64x128xf32, #tpu.memory_space<hbm>>) target_semaphore(%arg16 : memref<!tpu.dma_semaphore, #tpu.memory_space<semaphore_mem>>)
    %dma_start3A_313 = arith.constant 14 : i32
    %dma_start3A_314 = arith.constant 0 : i32
    %dma_start3A_315 = arith.constant 0 : i32
    %dma_start3A_316 = tpu.memref_slice %arg7[%dma_start3A_314, %dma_start3A_315] : memref<256x128xf32, #tpu.memory_space<vmem>> -> memref<128x128xf32, #tpu.memory_space<vmem>>
    %dma_start3A_317 = arith.constant 0 : i32
    %dma_start3A_318 = tpu.memref_slice %arg5[%dma_start3A_313, %dma_start3A_317] : memref<16x128xi32, #tpu.memory_space<vmem>> -> memref<1x128xi32, #tpu.memory_space<vmem>>
    %dma_start3A_319 = tpu.memref_squeeze %dma_start3A_318 : memref<1x128xi32, #tpu.memory_space<vmem>> -> memref<128xi32, #tpu.memory_space<vmem>>
    %dma_start3A_320 = arith.constant 0 : i32
    %dma_start3A_321 = arith.constant 0 : i32
    %dma_start3A_322 = tpu.memref_slice %arg3[%dma_start3A_320, %dma_start3A_321] : memref<4000x128xf32, #tpu.memory_space<hbm>> -> memref<4000x128xf32, #tpu.memory_space<hbm>>
    tpu.enqueue_indirect_dma source(%dma_start3A_322 : memref<4000x128xf32, #tpu.memory_space<hbm>>) target(%dma_start3A_316 : memref<128x128xf32, #tpu.memory_space<vmem>>) offsets(%dma_start3A_319 : memref<128xi32, #tpu.memory_space<vmem>>) semaphore(%arg13 : memref<!tpu.dma_semaphore, #tpu.memory_space<semaphore_mem>>)
    %dma_start3A_323 = arith.constant 15 : i32
    %dma_start3A_324 = arith.constant 128 : i32
    %dma_start3A_325 = arith.constant 0 : i32
    %dma_start3A_326 = tpu.memref_slice %arg7[%dma_start3A_324, %dma_start3A_325] : memref<256x128xf32, #tpu.memory_space<vmem>> -> memref<128x128xf32, #tpu.memory_space<vmem>>
    %dma_start3A_327 = arith.constant 0 : i32
    %dma_start3A_328 = tpu.memref_slice %arg5[%dma_start3A_323, %dma_start3A_327] : memref<16x128xi32, #tpu.memory_space<vmem>> -> memref<1x128xi32, #tpu.memory_space<vmem>>
    %dma_start3A_329 = tpu.memref_squeeze %dma_start3A_328 : memref<1x128xi32, #tpu.memory_space<vmem>> -> memref<128xi32, #tpu.memory_space<vmem>>
    %dma_start3A_330 = arith.constant 0 : i32
    %dma_start3A_331 = arith.constant 0 : i32
    %dma_start3A_332 = tpu.memref_slice %arg3[%dma_start3A_330, %dma_start3A_331] : memref<4000x128xf32, #tpu.memory_space<hbm>> -> memref<4000x128xf32, #tpu.memory_space<hbm>>
    tpu.enqueue_indirect_dma source(%dma_start3A_332 : memref<4000x128xf32, #tpu.memory_space<hbm>>) target(%dma_start3A_326 : memref<128x128xf32, #tpu.memory_space<vmem>>) offsets(%dma_start3A_329 : memref<128xi32, #tpu.memory_space<vmem>>) semaphore(%arg13 : memref<!tpu.dma_semaphore, #tpu.memory_space<semaphore_mem>>)
    %dma_wait3A_333 = arith.constant 10 : i32
    "tpu.trace_start"() <{level = 10 : i32, message = "gwait"}> : () -> ()
    %dma_wait3A_334 = arith.constant 0 : i32
    %dma_wait3A_335 = arith.constant 0 : i32
    %dma_wait3A_336 = tpu.memref_slice %arg8[%dma_wait3A_334, %dma_wait3A_335] : memref<256x128xf32, #tpu.memory_space<vmem>> -> memref<128x128xf32, #tpu.memory_space<vmem>>
    %dma_wait3A_337 = arith.constant 0 : i32
    %dma_wait3A_338 = tpu.memref_slice %arg5[%dma_wait3A_333, %dma_wait3A_337] : memref<16x128xi32, #tpu.memory_space<vmem>> -> memref<1x128xi32, #tpu.memory_space<vmem>>
    %dma_wait3A_339 = tpu.memref_squeeze %dma_wait3A_338 : memref<1x128xi32, #tpu.memory_space<vmem>> -> memref<128xi32, #tpu.memory_space<vmem>>
    %dma_wait3A_340 = arith.constant 0 : i32
    %dma_wait3A_341 = arith.constant 0 : i32
    %dma_wait3A_342 = tpu.memref_slice %arg3[%dma_wait3A_340, %dma_wait3A_341] : memref<4000x128xf32, #tpu.memory_space<hbm>> -> memref<4000x128xf32, #tpu.memory_space<hbm>>
    tpu.wait_indirect_dma semaphore(%arg14 : memref<!tpu.dma_semaphore, #tpu.memory_space<semaphore_mem>>) src(%dma_wait3A_342 : memref<4000x128xf32, #tpu.memory_space<hbm>>) dst(%dma_wait3A_336 : memref<128x128xf32, #tpu.memory_space<vmem>>)
    %dma_wait3A_343 = arith.constant 11 : i32
    %dma_wait3A_344 = arith.constant 128 : i32
    %dma_wait3A_345 = arith.constant 0 : i32
    %dma_wait3A_346 = tpu.memref_slice %arg8[%dma_wait3A_344, %dma_wait3A_345] : memref<256x128xf32, #tpu.memory_space<vmem>> -> memref<128x128xf32, #tpu.memory_space<vmem>>
    %dma_wait3A_347 = arith.constant 0 : i32
    %dma_wait3A_348 = tpu.memref_slice %arg5[%dma_wait3A_343, %dma_wait3A_347] : memref<16x128xi32, #tpu.memory_space<vmem>> -> memref<1x128xi32, #tpu.memory_space<vmem>>
    %dma_wait3A_349 = tpu.memref_squeeze %dma_wait3A_348 : memref<1x128xi32, #tpu.memory_space<vmem>> -> memref<128xi32, #tpu.memory_space<vmem>>
    %dma_wait3A_350 = arith.constant 0 : i32
    %dma_wait3A_351 = arith.constant 0 : i32
    %dma_wait3A_352 = tpu.memref_slice %arg3[%dma_wait3A_350, %dma_wait3A_351] : memref<4000x128xf32, #tpu.memory_space<hbm>> -> memref<4000x128xf32, #tpu.memory_space<hbm>>
    tpu.wait_indirect_dma semaphore(%arg14 : memref<!tpu.dma_semaphore, #tpu.memory_space<semaphore_mem>>) src(%dma_wait3A_352 : memref<4000x128xf32, #tpu.memory_space<hbm>>) dst(%dma_wait3A_346 : memref<128x128xf32, #tpu.memory_space<vmem>>)
    "tpu.trace_stop"() : () -> ()
    "tpu.trace_start"() <{level = 10 : i32, message = "wbwait"}> : () -> ()
    %dma_wait3A_353 = arith.constant 0 : i32
    %dma_wait3A_354 = tpu.memref_slice %arg4[%add3A_194, %dma_wait3A_353] : memref<16384x128xf32, #tpu.memory_space<hbm>> -> memref<64x128xf32, #tpu.memory_space<hbm>>
    %dma_wait3A_355 = arith.constant 0 : i32
    %dma_wait3A_356 = tpu.memref_slice %arg4[%add3A_194, %dma_wait3A_355] : memref<16384x128xf32, #tpu.memory_space<hbm>> -> memref<64x128xf32, #tpu.memory_space<hbm>>
    tpu.wait_dma2 semaphore(%arg17 : memref<!tpu.dma_semaphore, #tpu.memory_space<semaphore_mem>>) src(%arg11 : memref<64x128xf32, #tpu.memory_space<vmem>>) dst(%dma_wait3A_356 : memref<64x128xf32, #tpu.memory_space<hbm>>)
    "tpu.trace_stop"() : () -> ()
    "tpu.trace_start"() <{level = 10 : i32, message = "adds"}> : () -> ()
    %scan3A_357 = arith.constant 0 : i32
    %scan3A_358 = arith.constant 0 : i32
    %scan3A_359 = arith.constant 64 : i32
    %scan3A_360 = arith.addi %scan3A_358, %scan3A_359 : i32
    %scan3A_361 = arith.constant 1 : i32
    %scan3A_362 = scf.for %scan3A_456 = %scan3A_358 to %scan3A_360 step %scan3A_361 iter_args(%scan3A_457 = %scan3A_357) -> (i32)  : i32 {
      %get3A = arith.index_cast %scan3A_456 : i32 to index
      %get3A_458 = arith.constant 0 : index
      %get3A_459 = tpu.vector_load %arg8[%get3A, %get3A_458] {strides = array<i32>} : memref<256x128xf32, #tpu.memory_space<vmem>>, vector<1x16xf32>,
      %get3A_460 = vector.shape_cast %get3A_459 : vector<1x16xf32> to vector<16xf32>
      %add3A_461 = arith.constant 64 : i32
      %add3A_462 = arith.addi %scan3A_456, %add3A_461 : i32
      %get3A_463 = arith.index_cast %add3A_462 : i32 to index
      %get3A_464 = arith.constant 0 : index
      %get3A_465 = tpu.vector_load %arg8[%get3A_463, %get3A_464] {strides = array<i32>} : memref<256x128xf32, #tpu.memory_space<vmem>>, vector<1x16xf32>,
      %get3A_466 = vector.shape_cast %get3A_465 : vector<1x16xf32> to vector<16xf32>
      %add3A_467 = arith.addf %get3A_460, %get3A_466 : vector<16xf32>
      %add3A_468 = arith.constant 128 : i32
      %add3A_469 = arith.addi %scan3A_456, %add3A_468 : i32
      %get3A_470 = arith.index_cast %add3A_469 : i32 to index
      %get3A_471 = arith.constant 0 : index
      %get3A_472 = tpu.vector_load %arg8[%get3A_470, %get3A_471] {strides = array<i32>} : memref<256x128xf32, #tpu.memory_space<vmem>>, vector<1x16xf32>,
      %get3A_473 = vector.shape_cast %get3A_472 : vector<1x16xf32> to vector<16xf32>
      %add3A_474 = arith.addf %add3A_467, %get3A_473 : vector<16xf32>
      %add3A_475 = arith.constant 192 : i32
      %add3A_476 = arith.addi %scan3A_456, %add3A_475 : i32
      %get3A_477 = arith.index_cast %add3A_476 : i32 to index
      %get3A_478 = arith.constant 0 : index
      %get3A_479 = tpu.vector_load %arg8[%get3A_477, %get3A_478] {strides = array<i32>} : memref<256x128xf32, #tpu.memory_space<vmem>>, vector<1x16xf32>,
      %get3A_480 = vector.shape_cast %get3A_479 : vector<1x16xf32> to vector<16xf32>
      %add3A_481 = arith.addf %add3A_474, %get3A_480 : vector<16xf32>
      %swap3A = arith.index_cast %scan3A_456 : i32 to index
      %swap3A_482 = arith.constant 0 : index
      %swap3A_483 = tpu.vector_load %arg11[%swap3A, %swap3A_482] {strides = array<i32>} : memref<64x128xf32, #tpu.memory_space<vmem>>, vector<1x16xf32>,
      %swap3A_484 = vector.shape_cast %swap3A_483 : vector<1x16xf32> to vector<16xf32>
      %swap3A_485 = vector.shape_cast %add3A_481 : vector<16xf32> to vector<1x16xf32>
      tpu.vector_store %arg11[%swap3A, %swap3A_482], %swap3A_485 {strides = array<i32>} : memref<64x128xf32, #tpu.memory_space<vmem>>, vector<1x16xf32>,
      %get3A_486 = arith.index_cast %scan3A_456 : i32 to index
      %get3A_487 = arith.constant 16 : index
      %get3A_488 = tpu.vector_load %arg8[%get3A_486, %get3A_487] {strides = array<i32>} : memref<256x128xf32, #tpu.memory_space<vmem>>, vector<1x16xf32>,
      %get3A_489 = vector.shape_cast %get3A_488 : vector<1x16xf32> to vector<16xf32>
      %add3A_490 = arith.constant 64 : i32
      %add3A_491 = arith.addi %scan3A_456, %add3A_490 : i32
      %get3A_492 = arith.index_cast %add3A_491 : i32 to index
      %get3A_493 = arith.constant 16 : index
      %get3A_494 = tpu.vector_load %arg8[%get3A_492, %get3A_493] {strides = array<i32>} : memref<256x128xf32, #tpu.memory_space<vmem>>, vector<1x16xf32>,
      %get3A_495 = vector.shape_cast %get3A_494 : vector<1x16xf32> to vector<16xf32>
      %add3A_496 = arith.addf %get3A_489, %get3A_495 : vector<16xf32>
      %add3A_497 = arith.constant 128 : i32
      %add3A_498 = arith.addi %scan3A_456, %add3A_497 : i32
      %get3A_499 = arith.index_cast %add3A_498 : i32 to index
      %get3A_500 = arith.constant 16 : index
      %get3A_501 = tpu.vector_load %arg8[%get3A_499, %get3A_500] {strides = array<i32>} : memref<256x128xf32, #tpu.memory_space<vmem>>, vector<1x16xf32>,
      %get3A_502 = vector.shape_cast %get3A_501 : vector<1x16xf32> to vector<16xf32>
      %add3A_503 = arith.addf %add3A_496, %get3A_502 : vector<16xf32>
      %add3A_504 = arith.constant 192 : i32
      %add3A_505 = arith.addi %scan3A_456, %add3A_504 : i32
      %get3A_506 = arith.index_cast %add3A_505 : i32 to index
      %get3A_507 = arith.constant 16 : index
      %get3A_508 = tpu.vector_load %arg8[%get3A_506, %get3A_507] {strides = array<i32>} : memref<256x128xf32, #tpu.memory_space<vmem>>, vector<1x16xf32>,
      %get3A_509 = vector.shape_cast %get3A_508 : vector<1x16xf32> to vector<16xf32>
      %add3A_510 = arith.addf %add3A_503, %get3A_509 : vector<16xf32>
      %swap3A_511 = arith.index_cast %scan3A_456 : i32 to index
      %swap3A_512 = arith.constant 16 : index
      %swap3A_513 = tpu.vector_load %arg11[%swap3A_511, %swap3A_512] {strides = array<i32>} : memref<64x128xf32, #tpu.memory_space<vmem>>, vector<1x16xf32>,
      %swap3A_514 = vector.shape_cast %swap3A_513 : vector<1x16xf32> to vector<16xf32>
      %swap3A_515 = vector.shape_cast %add3A_510 : vector<16xf32> to vector<1x16xf32>
      tpu.vector_store %arg11[%swap3A_511, %swap3A_512], %swap3A_515 {strides = array<i32>} : memref<64x128xf32, #tpu.memory_space<vmem>>, vector<1x16xf32>,
      %get3A_516 = arith.index_cast %scan3A_456 : i32 to index
      %get3A_517 = arith.constant 32 : index
      %get3A_518 = tpu.vector_load %arg8[%get3A_516, %get3A_517] {strides = array<i32>} : memref<256x128xf32, #tpu.memory_space<vmem>>, vector<1x16xf32>,
      %get3A_519 = vector.shape_cast %get3A_518 : vector<1x16xf32> to vector<16xf32>
      %add3A_520 = arith.constant 64 : i32
      %add3A_521 = arith.addi %scan3A_456, %add3A_520 : i32
      %get3A_522 = arith.index_cast %add3A_521 : i32 to index
      %get3A_523 = arith.constant 32 : index
      %get3A_524 = tpu.vector_load %arg8[%get3A_522, %get3A_523] {strides = array<i32>} : memref<256x128xf32, #tpu.memory_space<vmem>>, vector<1x16xf32>,
      %get3A_525 = vector.shape_cast %get3A_524 : vector<1x16xf32> to vector<16xf32>
      %add3A_526 = arith.addf %get3A_519, %get3A_525 : vector<16xf32>
      %add3A_527 = arith.constant 128 : i32
      %add3A_528 = arith.addi %scan3A_456, %add3A_527 : i32
      %get3A_529 = arith.index_cast %add3A_528 : i32 to index
      %get3A_530 = arith.constant 32 : index
      %get3A_531 = tpu.vector_load %arg8[%get3A_529, %get3A_530] {strides = array<i32>} : memref<256x128xf32, #tpu.memory_space<vmem>>, vector<1x16xf32>,
      %get3A_532 = vector.shape_cast %get3A_531 : vector<1x16xf32> to vector<16xf32>
      %add3A_533 = arith.addf %add3A_526, %get3A_532 : vector<16xf32>
      %add3A_534 = arith.constant 192 : i32
      %add3A_535 = arith.addi %scan3A_456, %add3A_534 : i32
      %get3A_536 = arith.index_cast %add3A_535 : i32 to index
      %get3A_537 = arith.constant 32 : index
      %get3A_538 = tpu.vector_load %arg8[%get3A_536, %get3A_537] {strides = array<i32>} : memref<256x128xf32, #tpu.memory_space<vmem>>, vector<1x16xf32>,
      %get3A_539 = vector.shape_cast %get3A_538 : vector<1x16xf32> to vector<16xf32>
      %add3A_540 = arith.addf %add3A_533, %get3A_539 : vector<16xf32>
      %swap3A_541 = arith.index_cast %scan3A_456 : i32 to index
      %swap3A_542 = arith.constant 32 : index
      %swap3A_543 = tpu.vector_load %arg11[%swap3A_541, %swap3A_542] {strides = array<i32>} : memref<64x128xf32, #tpu.memory_space<vmem>>, vector<1x16xf32>,
      %swap3A_544 = vector.shape_cast %swap3A_543 : vector<1x16xf32> to vector<16xf32>
      %swap3A_545 = vector.shape_cast %add3A_540 : vector<16xf32> to vector<1x16xf32>
      tpu.vector_store %arg11[%swap3A_541, %swap3A_542], %swap3A_545 {strides = array<i32>} : memref<64x128xf32, #tpu.memory_space<vmem>>, vector<1x16xf32>,
      %get3A_546 = arith.index_cast %scan3A_456 : i32 to index
      %get3A_547 = arith.constant 48 : index
      %get3A_548 = tpu.vector_load %arg8[%get3A_546, %get3A_547] {strides = array<i32>} : memref<256x128xf32, #tpu.memory_space<vmem>>, vector<1x16xf32>,
      %get3A_549 = vector.shape_cast %get3A_548 : vector<1x16xf32> to vector<16xf32>
      %add3A_550 = arith.constant 64 : i32
      %add3A_551 = arith.addi %scan3A_456, %add3A_550 : i32
      %get3A_552 = arith.index_cast %add3A_551 : i32 to index
      %get3A_553 = arith.constant 48 : index
      %get3A_554 = tpu.vector_load %arg8[%get3A_552, %get3A_553] {strides = array<i32>} : memref<256x128xf32, #tpu.memory_space<vmem>>, vector<1x16xf32>,
      %get3A_555 = vector.shape_cast %get3A_554 : vector<1x16xf32> to vector<16xf32>
      %add3A_556 = arith.addf %get3A_549, %get3A_555 : vector<16xf32>
      %add3A_557 = arith.constant 128 : i32
      %add3A_558 = arith.addi %scan3A_456, %add3A_557 : i32
      %get3A_559 = arith.index_cast %add3A_558 : i32 to index
      %get3A_560 = arith.constant 48 : index
      %get3A_561 = tpu.vector_load %arg8[%get3A_559, %get3A_560] {strides = array<i32>} : memref<256x128xf32, #tpu.memory_space<vmem>>, vector<1x16xf32>,
      %get3A_562 = vector.shape_cast %get3A_561 : vector<1x16xf32> to vector<16xf32>
      %add3A_563 = arith.addf %add3A_556, %get3A_562 : vector<16xf32>
      %add3A_564 = arith.constant 192 : i32
      %add3A_565 = arith.addi %scan3A_456, %add3A_564 : i32
      %get3A_566 = arith.index_cast %add3A_565 : i32 to index
      %get3A_567 = arith.constant 48 : index
      %get3A_568 = tpu.vector_load %arg8[%get3A_566, %get3A_567] {strides = array<i32>} : memref<256x128xf32, #tpu.memory_space<vmem>>, vector<1x16xf32>,
      %get3A_569 = vector.shape_cast %get3A_568 : vector<1x16xf32> to vector<16xf32>
      %add3A_570 = arith.addf %add3A_563, %get3A_569 : vector<16xf32>
      %swap3A_571 = arith.index_cast %scan3A_456 : i32 to index
      %swap3A_572 = arith.constant 48 : index
      %swap3A_573 = tpu.vector_load %arg11[%swap3A_571, %swap3A_572] {strides = array<i32>} : memref<64x128xf32, #tpu.memory_space<vmem>>, vector<1x16xf32>,
      %swap3A_574 = vector.shape_cast %swap3A_573 : vector<1x16xf32> to vector<16xf32>
      %swap3A_575 = vector.shape_cast %add3A_570 : vector<16xf32> to vector<1x16xf32>
      tpu.vector_store %arg11[%swap3A_571, %swap3A_572], %swap3A_575 {strides = array<i32>} : memref<64x128xf32, #tpu.memory_space<vmem>>, vector<1x16xf32>,
      %get3A_576 = arith.index_cast %scan3A_456 : i32 to index
      %get3A_577 = arith.constant 64 : index
      %get3A_578 = tpu.vector_load %arg8[%get3A_576, %get3A_577] {strides = array<i32>} : memref<256x128xf32, #tpu.memory_space<vmem>>, vector<1x16xf32>,
      %get3A_579 = vector.shape_cast %get3A_578 : vector<1x16xf32> to vector<16xf32>
      %add3A_580 = arith.constant 64 : i32
      %add3A_581 = arith.addi %scan3A_456, %add3A_580 : i32
      %get3A_582 = arith.index_cast %add3A_581 : i32 to index
      %get3A_583 = arith.constant 64 : index
      %get3A_584 = tpu.vector_load %arg8[%get3A_582, %get3A_583] {strides = array<i32>} : memref<256x128xf32, #tpu.memory_space<vmem>>, vector<1x16xf32>,
      %get3A_585 = vector.shape_cast %get3A_584 : vector<1x16xf32> to vector<16xf32>
      %add3A_586 = arith.addf %get3A_579, %get3A_585 : vector<16xf32>
      %add3A_587 = arith.constant 128 : i32
      %add3A_588 = arith.addi %scan3A_456, %add3A_587 : i32
      %get3A_589 = arith.index_cast %add3A_588 : i32 to index
      %get3A_590 = arith.constant 64 : index
      %get3A_591 = tpu.vector_load %arg8[%get3A_589, %get3A_590] {strides = array<i32>} : memref<256x128xf32, #tpu.memory_space<vmem>>, vector<1x16xf32>,
      %get3A_592 = vector.shape_cast %get3A_591 : vector<1x16xf32> to vector<16xf32>
      %add3A_593 = arith.addf %add3A_586, %get3A_592 : vector<16xf32>
      %add3A_594 = arith.constant 192 : i32
      %add3A_595 = arith.addi %scan3A_456, %add3A_594 : i32
      %get3A_596 = arith.index_cast %add3A_595 : i32 to index
      %get3A_597 = arith.constant 64 : index
      %get3A_598 = tpu.vector_load %arg8[%get3A_596, %get3A_597] {strides = array<i32>} : memref<256x128xf32, #tpu.memory_space<vmem>>, vector<1x16xf32>,
      %get3A_599 = vector.shape_cast %get3A_598 : vector<1x16xf32> to vector<16xf32>
      %add3A_600 = arith.addf %add3A_593, %get3A_599 : vector<16xf32>
      %swap3A_601 = arith.index_cast %scan3A_456 : i32 to index
      %swap3A_602 = arith.constant 64 : index
      %swap3A_603 = tpu.vector_load %arg11[%swap3A_601, %swap3A_602] {strides = array<i32>} : memref<64x128xf32, #tpu.memory_space<vmem>>, vector<1x16xf32>,
      %swap3A_604 = vector.shape_cast %swap3A_603 : vector<1x16xf32> to vector<16xf32>
      %swap3A_605 = vector.shape_cast %add3A_600 : vector<16xf32> to vector<1x16xf32>
      tpu.vector_store %arg11[%swap3A_601, %swap3A_602], %swap3A_605 {strides = array<i32>} : memref<64x128xf32, #tpu.memory_space<vmem>>, vector<1x16xf32>,
      %get3A_606 = arith.index_cast %scan3A_456 : i32 to index
      %get3A_607 = arith.constant 80 : index
      %get3A_608 = tpu.vector_load %arg8[%get3A_606, %get3A_607] {strides = array<i32>} : memref<256x128xf32, #tpu.memory_space<vmem>>, vector<1x16xf32>,
      %get3A_609 = vector.shape_cast %get3A_608 : vector<1x16xf32> to vector<16xf32>
      %add3A_610 = arith.constant 64 : i32
      %add3A_611 = arith.addi %scan3A_456, %add3A_610 : i32
      %get3A_612 = arith.index_cast %add3A_611 : i32 to index
      %get3A_613 = arith.constant 80 : index
      %get3A_614 = tpu.vector_load %arg8[%get3A_612, %get3A_613] {strides = array<i32>} : memref<256x128xf32, #tpu.memory_space<vmem>>, vector<1x16xf32>,
      %get3A_615 = vector.shape_cast %get3A_614 : vector<1x16xf32> to vector<16xf32>
      %add3A_616 = arith.addf %get3A_609, %get3A_615 : vector<16xf32>
      %add3A_617 = arith.constant 128 : i32
      %add3A_618 = arith.addi %scan3A_456, %add3A_617 : i32
      %get3A_619 = arith.index_cast %add3A_618 : i32 to index
      %get3A_620 = arith.constant 80 : index
      %get3A_621 = tpu.vector_load %arg8[%get3A_619, %get3A_620] {strides = array<i32>} : memref<256x128xf32, #tpu.memory_space<vmem>>, vector<1x16xf32>,
      %get3A_622 = vector.shape_cast %get3A_621 : vector<1x16xf32> to vector<16xf32>
      %add3A_623 = arith.addf %add3A_616, %get3A_622 : vector<16xf32>
      %add3A_624 = arith.constant 192 : i32
      %add3A_625 = arith.addi %scan3A_456, %add3A_624 : i32
      %get3A_626 = arith.index_cast %add3A_625 : i32 to index
      %get3A_627 = arith.constant 80 : index
      %get3A_628 = tpu.vector_load %arg8[%get3A_626, %get3A_627] {strides = array<i32>} : memref<256x128xf32, #tpu.memory_space<vmem>>, vector<1x16xf32>,
      %get3A_629 = vector.shape_cast %get3A_628 : vector<1x16xf32> to vector<16xf32>
      %add3A_630 = arith.addf %add3A_623, %get3A_629 : vector<16xf32>
      %swap3A_631 = arith.index_cast %scan3A_456 : i32 to index
      %swap3A_632 = arith.constant 80 : index
      %swap3A_633 = tpu.vector_load %arg11[%swap3A_631, %swap3A_632] {strides = array<i32>} : memref<64x128xf32, #tpu.memory_space<vmem>>, vector<1x16xf32>,
      %swap3A_634 = vector.shape_cast %swap3A_633 : vector<1x16xf32> to vector<16xf32>
      %swap3A_635 = vector.shape_cast %add3A_630 : vector<16xf32> to vector<1x16xf32>
      tpu.vector_store %arg11[%swap3A_631, %swap3A_632], %swap3A_635 {strides = array<i32>} : memref<64x128xf32, #tpu.memory_space<vmem>>, vector<1x16xf32>,
      %get3A_636 = arith.index_cast %scan3A_456 : i32 to index
      %get3A_637 = arith.constant 96 : index
      %get3A_638 = tpu.vector_load %arg8[%get3A_636, %get3A_637] {strides = array<i32>} : memref<256x128xf32, #tpu.memory_space<vmem>>, vector<1x16xf32>,
      %get3A_639 = vector.shape_cast %get3A_638 : vector<1x16xf32> to vector<16xf32>
      %add3A_640 = arith.constant 64 : i32
      %add3A_641 = arith.addi %scan3A_456, %add3A_640 : i32
      %get3A_642 = arith.index_cast %add3A_641 : i32 to index
      %get3A_643 = arith.constant 96 : index
      %get3A_644 = tpu.vector_load %arg8[%get3A_642, %get3A_643] {strides = array<i32>} : memref<256x128xf32, #tpu.memory_space<vmem>>, vector<1x16xf32>,
      %get3A_645 = vector.shape_cast %get3A_644 : vector<1x16xf32> to vector<16xf32>
      %add3A_646 = arith.addf %get3A_639, %get3A_645 : vector<16xf32>
      %add3A_647 = arith.constant 128 : i32
      %add3A_648 = arith.addi %scan3A_456, %add3A_647 : i32
      %get3A_649 = arith.index_cast %add3A_648 : i32 to index
      %get3A_650 = arith.constant 96 : index
      %get3A_651 = tpu.vector_load %arg8[%get3A_649, %get3A_650] {strides = array<i32>} : memref<256x128xf32, #tpu.memory_space<vmem>>, vector<1x16xf32>,
      %get3A_652 = vector.shape_cast %get3A_651 : vector<1x16xf32> to vector<16xf32>
      %add3A_653 = arith.addf %add3A_646, %get3A_652 : vector<16xf32>
      %add3A_654 = arith.constant 192 : i32
      %add3A_655 = arith.addi %scan3A_456, %add3A_654 : i32
      %get3A_656 = arith.index_cast %add3A_655 : i32 to index
      %get3A_657 = arith.constant 96 : index
      %get3A_658 = tpu.vector_load %arg8[%get3A_656, %get3A_657] {strides = array<i32>} : memref<256x128xf32, #tpu.memory_space<vmem>>, vector<1x16xf32>,
      %get3A_659 = vector.shape_cast %get3A_658 : vector<1x16xf32> to vector<16xf32>
      %add3A_660 = arith.addf %add3A_653, %get3A_659 : vector<16xf32>
      %swap3A_661 = arith.index_cast %scan3A_456 : i32 to index
      %swap3A_662 = arith.constant 96 : index
      %swap3A_663 = tpu.vector_load %arg11[%swap3A_661, %swap3A_662] {strides = array<i32>} : memref<64x128xf32, #tpu.memory_space<vmem>>, vector<1x16xf32>,
      %swap3A_664 = vector.shape_cast %swap3A_663 : vector<1x16xf32> to vector<16xf32>
      %swap3A_665 = vector.shape_cast %add3A_660 : vector<16xf32> to vector<1x16xf32>
      tpu.vector_store %arg11[%swap3A_661, %swap3A_662], %swap3A_665 {strides = array<i32>} : memref<64x128xf32, #tpu.memory_space<vmem>>, vector<1x16xf32>,
      %get3A_666 = arith.index_cast %scan3A_456 : i32 to index
      %get3A_667 = arith.constant 112 : index
      %get3A_668 = tpu.vector_load %arg8[%get3A_666, %get3A_667] {strides = array<i32>} : memref<256x128xf32, #tpu.memory_space<vmem>>, vector<1x16xf32>,
      %get3A_669 = vector.shape_cast %get3A_668 : vector<1x16xf32> to vector<16xf32>
      %add3A_670 = arith.constant 64 : i32
      %add3A_671 = arith.addi %scan3A_456, %add3A_670 : i32
      %get3A_672 = arith.index_cast %add3A_671 : i32 to index
      %get3A_673 = arith.constant 112 : index
      %get3A_674 = tpu.vector_load %arg8[%get3A_672, %get3A_673] {strides = array<i32>} : memref<256x128xf32, #tpu.memory_space<vmem>>, vector<1x16xf32>,
      %get3A_675 = vector.shape_cast %get3A_674 : vector<1x16xf32> to vector<16xf32>
      %add3A_676 = arith.addf %get3A_669, %get3A_675 : vector<16xf32>
      %add3A_677 = arith.constant 128 : i32
      %add3A_678 = arith.addi %scan3A_456, %add3A_677 : i32
      %get3A_679 = arith.index_cast %add3A_678 : i32 to index
      %get3A_680 = arith.constant 112 : index
      %get3A_681 = tpu.vector_load %arg8[%get3A_679, %get3A_680] {strides = array<i32>} : memref<256x128xf32, #tpu.memory_space<vmem>>, vector<1x16xf32>,
      %get3A_682 = vector.shape_cast %get3A_681 : vector<1x16xf32> to vector<16xf32>
      %add3A_683 = arith.addf %add3A_676, %get3A_682 : vector<16xf32>
      %add3A_684 = arith.constant 192 : i32
      %add3A_685 = arith.addi %scan3A_456, %add3A_684 : i32
      %get3A_686 = arith.index_cast %add3A_685 : i32 to index
      %get3A_687 = arith.constant 112 : index
      %get3A_688 = tpu.vector_load %arg8[%get3A_686, %get3A_687] {strides = array<i32>} : memref<256x128xf32, #tpu.memory_space<vmem>>, vector<1x16xf32>,
      %get3A_689 = vector.shape_cast %get3A_688 : vector<1x16xf32> to vector<16xf32>
      %add3A_690 = arith.addf %add3A_683, %get3A_689 : vector<16xf32>
      %swap3A_691 = arith.index_cast %scan3A_456 : i32 to index
      %swap3A_692 = arith.constant 112 : index
      %swap3A_693 = tpu.vector_load %arg11[%swap3A_691, %swap3A_692] {strides = array<i32>} : memref<64x128xf32, #tpu.memory_space<vmem>>, vector<1x16xf32>,
      %swap3A_694 = vector.shape_cast %swap3A_693 : vector<1x16xf32> to vector<16xf32>
      %swap3A_695 = vector.shape_cast %add3A_690 : vector<16xf32> to vector<1x16xf32>
      tpu.vector_store %arg11[%swap3A_691, %swap3A_692], %swap3A_695 {strides = array<i32>} : memref<64x128xf32, #tpu.memory_space<vmem>>, vector<1x16xf32>,
      %scan3A_696 = arith.constant 0 : i32
      scf.yield %scan3A_696 : i32
    }
    %scan3A_363 = arith.constant 64 : i32
    "tpu.trace_stop"() : () -> ()
    %add3A_364 = arith.constant 320 : i32
    %add3A_365 = arith.addi %mul3A_2, %add3A_364 : i32
    %dma_start3A_366 = arith.constant 0 : i32
    %dma_start3A_367 = tpu.memref_slice %arg4[%add3A_365, %dma_start3A_366] : memref<16384x128xf32, #tpu.memory_space<hbm>> -> memref<64x128xf32, #tpu.memory_space<hbm>>
    %dma_start3A_368 = arith.constant 0 : i32
    %dma_start3A_369 = tpu.memref_slice %arg4[%add3A_365, %dma_start3A_368] : memref<16384x128xf32, #tpu.memory_space<hbm>> -> memref<64x128xf32, #tpu.memory_space<hbm>>
    tpu.enqueue_dma source(%arg11 : memref<64x128xf32, #tpu.memory_space<vmem>>) target(%dma_start3A_369 : memref<64x128xf32, #tpu.memory_space<hbm>>) target_semaphore(%arg17 : memref<!tpu.dma_semaphore, #tpu.memory_space<semaphore_mem>>)
    %dma_wait3A_370 = arith.constant 12 : i32
    "tpu.trace_start"() <{level = 10 : i32, message = "gwait"}> : () -> ()
    %dma_wait3A_371 = arith.constant 0 : i32
    %dma_wait3A_372 = arith.constant 0 : i32
    %dma_wait3A_373 = tpu.memref_slice %arg6[%dma_wait3A_371, %dma_wait3A_372] : memref<256x128xf32, #tpu.memory_space<vmem>> -> memref<128x128xf32, #tpu.memory_space<vmem>>
    %dma_wait3A_374 = arith.constant 0 : i32
    %dma_wait3A_375 = tpu.memref_slice %arg5[%dma_wait3A_370, %dma_wait3A_374] : memref<16x128xi32, #tpu.memory_space<vmem>> -> memref<1x128xi32, #tpu.memory_space<vmem>>
    %dma_wait3A_376 = tpu.memref_squeeze %dma_wait3A_375 : memref<1x128xi32, #tpu.memory_space<vmem>> -> memref<128xi32, #tpu.memory_space<vmem>>
    %dma_wait3A_377 = arith.constant 0 : i32
    %dma_wait3A_378 = arith.constant 0 : i32
    %dma_wait3A_379 = tpu.memref_slice %arg3[%dma_wait3A_377, %dma_wait3A_378] : memref<4000x128xf32, #tpu.memory_space<hbm>> -> memref<4000x128xf32, #tpu.memory_space<hbm>>
    tpu.wait_indirect_dma semaphore(%arg12 : memref<!tpu.dma_semaphore, #tpu.memory_space<semaphore_mem>>) src(%dma_wait3A_379 : memref<4000x128xf32, #tpu.memory_space<hbm>>) dst(%dma_wait3A_373 : memref<128x128xf32, #tpu.memory_space<vmem>>)
    %dma_wait3A_380 = arith.constant 13 : i32
    %dma_wait3A_381 = arith.constant 128 : i32
    %dma_wait3A_382 = arith.constant 0 : i32
    %dma_wait3A_383 = tpu.memref_slice %arg6[%dma_wait3A_381, %dma_wait3A_382] : memref<256x128xf32, #tpu.memory_space<vmem>> -> memref<128x128xf32, #tpu.memory_space<vmem>>
    %dma_wait3A_384 = arith.constant 0 : i32
    %dma_wait3A_385 = tpu.memref_slice %arg5[%dma_wait3A_380, %dma_wait3A_384] : memref<16x128xi32, #tpu.memory_space<vmem>> -> memref<1x128xi32, #tpu.memory_space<vmem>>
    %dma_wait3A_386 = tpu.memref_squeeze %dma_wait3A_385 : memref<1x128xi32, #tpu.memory_space<vmem>> -> memref<128xi32, #tpu.memory_space<vmem>>
    %dma_wait3A_387 = arith.constant 0 : i32
    %dma_wait3A_388 = arith.constant 0 : i32
    %dma_wait3A_389 = tpu.memref_slice %arg3[%dma_wait3A_387, %dma_wait3A_388] : memref<4000x128xf32, #tpu.memory_space<hbm>> -> memref<4000x128xf32, #tpu.memory_space<hbm>>
    tpu.wait_indirect_dma semaphore(%arg12 : memref<!tpu.dma_semaphore, #tpu.memory_space<semaphore_mem>>) src(%dma_wait3A_389 : memref<4000x128xf32, #tpu.memory_space<hbm>>) dst(%dma_wait3A_383 : memref<128x128xf32, #tpu.memory_space<vmem>>)
    "tpu.trace_stop"() : () -> ()
    "tpu.trace_start"() <{level = 10 : i32, message = "wbwait"}> : () -> ()
    %dma_wait3A_390 = arith.constant 0 : i32
    %dma_wait3A_391 = tpu.memref_slice %arg4[%add3A_251, %dma_wait3A_390] : memref<16384x128xf32, #tpu.memory_space<hbm>> -> memref<64x128xf32, #tpu.memory_space<hbm>>
    %dma_wait3A_392 = arith.constant 0 : i32
    %dma_wait3A_393 = tpu.memref_slice %arg4[%add3A_251, %dma_wait3A_392] : memref<16384x128xf32, #tpu.memory_space<hbm>> -> memref<64x128xf32, #tpu.memory_space<hbm>>
    tpu.wait_dma2 semaphore(%arg15 : memref<!tpu.dma_semaphore, #tpu.memory_space<semaphore_mem>>) src(%arg9 : memref<64x128xf32, #tpu.memory_space<vmem>>) dst(%dma_wait3A_393 : memref<64x128xf32, #tpu.memory_space<hbm>>)
    "tpu.trace_stop"() : () -> ()
    "tpu.trace_start"() <{level = 10 : i32, message = "adds"}> : () -> ()
    %scan3A_394 = arith.constant 0 : i32
    %scan3A_395 = arith.constant 0 : i32
    %scan3A_396 = arith.constant 64 : i32
    %scan3A_397 = arith.addi %scan3A_395, %scan3A_396 : i32
    %scan3A_398 = arith.constant 1 : i32
    %scan3A_399 = scf.for %scan3A_456 = %scan3A_395 to %scan3A_397 step %scan3A_398 iter_args(%scan3A_457 = %scan3A_394) -> (i32)  : i32 {
      %get3A = arith.index_cast %scan3A_456 : i32 to index
      %get3A_458 = arith.constant 0 : index
      %get3A_459 = tpu.vector_load %arg6[%get3A, %get3A_458] {strides = array<i32>} : memref<256x128xf32, #tpu.memory_space<vmem>>, vector<1x16xf32>,
      %get3A_460 = vector.shape_cast %get3A_459 : vector<1x16xf32> to vector<16xf32>
      %add3A_461 = arith.constant 64 : i32
      %add3A_462 = arith.addi %scan3A_456, %add3A_461 : i32
      %get3A_463 = arith.index_cast %add3A_462 : i32 to index
      %get3A_464 = arith.constant 0 : index
      %get3A_465 = tpu.vector_load %arg6[%get3A_463, %get3A_464] {strides = array<i32>} : memref<256x128xf32, #tpu.memory_space<vmem>>, vector<1x16xf32>,
      %get3A_466 = vector.shape_cast %get3A_465 : vector<1x16xf32> to vector<16xf32>
      %add3A_467 = arith.addf %get3A_460, %get3A_466 : vector<16xf32>
      %add3A_468 = arith.constant 128 : i32
      %add3A_469 = arith.addi %scan3A_456, %add3A_468 : i32
      %get3A_470 = arith.index_cast %add3A_469 : i32 to index
      %get3A_471 = arith.constant 0 : index
      %get3A_472 = tpu.vector_load %arg6[%get3A_470, %get3A_471] {strides = array<i32>} : memref<256x128xf32, #tpu.memory_space<vmem>>, vector<1x16xf32>,
      %get3A_473 = vector.shape_cast %get3A_472 : vector<1x16xf32> to vector<16xf32>
      %add3A_474 = arith.addf %add3A_467, %get3A_473 : vector<16xf32>
      %add3A_475 = arith.constant 192 : i32
      %add3A_476 = arith.addi %scan3A_456, %add3A_475 : i32
      %get3A_477 = arith.index_cast %add3A_476 : i32 to index
      %get3A_478 = arith.constant 0 : index
      %get3A_479 = tpu.vector_load %arg6[%get3A_477, %get3A_478] {strides = array<i32>} : memref<256x128xf32, #tpu.memory_space<vmem>>, vector<1x16xf32>,
      %get3A_480 = vector.shape_cast %get3A_479 : vector<1x16xf32> to vector<16xf32>
      %add3A_481 = arith.addf %add3A_474, %get3A_480 : vector<16xf32>
      %swap3A = arith.index_cast %scan3A_456 : i32 to index
      %swap3A_482 = arith.constant 0 : index
      %swap3A_483 = tpu.vector_load %arg9[%swap3A, %swap3A_482] {strides = array<i32>} : memref<64x128xf32, #tpu.memory_space<vmem>>, vector<1x16xf32>,
      %swap3A_484 = vector.shape_cast %swap3A_483 : vector<1x16xf32> to vector<16xf32>
      %swap3A_485 = vector.shape_cast %add3A_481 : vector<16xf32> to vector<1x16xf32>
      tpu.vector_store %arg9[%swap3A, %swap3A_482], %swap3A_485 {strides = array<i32>} : memref<64x128xf32, #tpu.memory_space<vmem>>, vector<1x16xf32>,
      %get3A_486 = arith.index_cast %scan3A_456 : i32 to index
      %get3A_487 = arith.constant 16 : index
      %get3A_488 = tpu.vector_load %arg6[%get3A_486, %get3A_487] {strides = array<i32>} : memref<256x128xf32, #tpu.memory_space<vmem>>, vector<1x16xf32>,
      %get3A_489 = vector.shape_cast %get3A_488 : vector<1x16xf32> to vector<16xf32>
      %add3A_490 = arith.constant 64 : i32
      %add3A_491 = arith.addi %scan3A_456, %add3A_490 : i32
      %get3A_492 = arith.index_cast %add3A_491 : i32 to index
      %get3A_493 = arith.constant 16 : index
      %get3A_494 = tpu.vector_load %arg6[%get3A_492, %get3A_493] {strides = array<i32>} : memref<256x128xf32, #tpu.memory_space<vmem>>, vector<1x16xf32>,
      %get3A_495 = vector.shape_cast %get3A_494 : vector<1x16xf32> to vector<16xf32>
      %add3A_496 = arith.addf %get3A_489, %get3A_495 : vector<16xf32>
      %add3A_497 = arith.constant 128 : i32
      %add3A_498 = arith.addi %scan3A_456, %add3A_497 : i32
      %get3A_499 = arith.index_cast %add3A_498 : i32 to index
      %get3A_500 = arith.constant 16 : index
      %get3A_501 = tpu.vector_load %arg6[%get3A_499, %get3A_500] {strides = array<i32>} : memref<256x128xf32, #tpu.memory_space<vmem>>, vector<1x16xf32>,
      %get3A_502 = vector.shape_cast %get3A_501 : vector<1x16xf32> to vector<16xf32>
      %add3A_503 = arith.addf %add3A_496, %get3A_502 : vector<16xf32>
      %add3A_504 = arith.constant 192 : i32
      %add3A_505 = arith.addi %scan3A_456, %add3A_504 : i32
      %get3A_506 = arith.index_cast %add3A_505 : i32 to index
      %get3A_507 = arith.constant 16 : index
      %get3A_508 = tpu.vector_load %arg6[%get3A_506, %get3A_507] {strides = array<i32>} : memref<256x128xf32, #tpu.memory_space<vmem>>, vector<1x16xf32>,
      %get3A_509 = vector.shape_cast %get3A_508 : vector<1x16xf32> to vector<16xf32>
      %add3A_510 = arith.addf %add3A_503, %get3A_509 : vector<16xf32>
      %swap3A_511 = arith.index_cast %scan3A_456 : i32 to index
      %swap3A_512 = arith.constant 16 : index
      %swap3A_513 = tpu.vector_load %arg9[%swap3A_511, %swap3A_512] {strides = array<i32>} : memref<64x128xf32, #tpu.memory_space<vmem>>, vector<1x16xf32>,
      %swap3A_514 = vector.shape_cast %swap3A_513 : vector<1x16xf32> to vector<16xf32>
      %swap3A_515 = vector.shape_cast %add3A_510 : vector<16xf32> to vector<1x16xf32>
      tpu.vector_store %arg9[%swap3A_511, %swap3A_512], %swap3A_515 {strides = array<i32>} : memref<64x128xf32, #tpu.memory_space<vmem>>, vector<1x16xf32>,
      %get3A_516 = arith.index_cast %scan3A_456 : i32 to index
      %get3A_517 = arith.constant 32 : index
      %get3A_518 = tpu.vector_load %arg6[%get3A_516, %get3A_517] {strides = array<i32>} : memref<256x128xf32, #tpu.memory_space<vmem>>, vector<1x16xf32>,
      %get3A_519 = vector.shape_cast %get3A_518 : vector<1x16xf32> to vector<16xf32>
      %add3A_520 = arith.constant 64 : i32
      %add3A_521 = arith.addi %scan3A_456, %add3A_520 : i32
      %get3A_522 = arith.index_cast %add3A_521 : i32 to index
      %get3A_523 = arith.constant 32 : index
      %get3A_524 = tpu.vector_load %arg6[%get3A_522, %get3A_523] {strides = array<i32>} : memref<256x128xf32, #tpu.memory_space<vmem>>, vector<1x16xf32>,
      %get3A_525 = vector.shape_cast %get3A_524 : vector<1x16xf32> to vector<16xf32>
      %add3A_526 = arith.addf %get3A_519, %get3A_525 : vector<16xf32>
      %add3A_527 = arith.constant 128 : i32
      %add3A_528 = arith.addi %scan3A_456, %add3A_527 : i32
      %get3A_529 = arith.index_cast %add3A_528 : i32 to index
      %get3A_530 = arith.constant 32 : index
      %get3A_531 = tpu.vector_load %arg6[%get3A_529, %get3A_530] {strides = array<i32>} : memref<256x128xf32, #tpu.memory_space<vmem>>, vector<1x16xf32>,
      %get3A_532 = vector.shape_cast %get3A_531 : vector<1x16xf32> to vector<16xf32>
      %add3A_533 = arith.addf %add3A_526, %get3A_532 : vector<16xf32>
      %add3A_534 = arith.constant 192 : i32
      %add3A_535 = arith.addi %scan3A_456, %add3A_534 : i32
      %get3A_536 = arith.index_cast %add3A_535 : i32 to index
      %get3A_537 = arith.constant 32 : index
      %get3A_538 = tpu.vector_load %arg6[%get3A_536, %get3A_537] {strides = array<i32>} : memref<256x128xf32, #tpu.memory_space<vmem>>, vector<1x16xf32>,
      %get3A_539 = vector.shape_cast %get3A_538 : vector<1x16xf32> to vector<16xf32>
      %add3A_540 = arith.addf %add3A_533, %get3A_539 : vector<16xf32>
      %swap3A_541 = arith.index_cast %scan3A_456 : i32 to index
      %swap3A_542 = arith.constant 32 : index
      %swap3A_543 = tpu.vector_load %arg9[%swap3A_541, %swap3A_542] {strides = array<i32>} : memref<64x128xf32, #tpu.memory_space<vmem>>, vector<1x16xf32>,
      %swap3A_544 = vector.shape_cast %swap3A_543 : vector<1x16xf32> to vector<16xf32>
      %swap3A_545 = vector.shape_cast %add3A_540 : vector<16xf32> to vector<1x16xf32>
      tpu.vector_store %arg9[%swap3A_541, %swap3A_542], %swap3A_545 {strides = array<i32>} : memref<64x128xf32, #tpu.memory_space<vmem>>, vector<1x16xf32>,
      %get3A_546 = arith.index_cast %scan3A_456 : i32 to index
      %get3A_547 = arith.constant 48 : index
      %get3A_548 = tpu.vector_load %arg6[%get3A_546, %get3A_547] {strides = array<i32>} : memref<256x128xf32, #tpu.memory_space<vmem>>, vector<1x16xf32>,
      %get3A_549 = vector.shape_cast %get3A_548 : vector<1x16xf32> to vector<16xf32>
      %add3A_550 = arith.constant 64 : i32
      %add3A_551 = arith.addi %scan3A_456, %add3A_550 : i32
      %get3A_552 = arith.index_cast %add3A_551 : i32 to index
      %get3A_553 = arith.constant 48 : index
      %get3A_554 = tpu.vector_load %arg6[%get3A_552, %get3A_553] {strides = array<i32>} : memref<256x128xf32, #tpu.memory_space<vmem>>, vector<1x16xf32>,
      %get3A_555 = vector.shape_cast %get3A_554 : vector<1x16xf32> to vector<16xf32>
      %add3A_556 = arith.addf %get3A_549, %get3A_555 : vector<16xf32>
      %add3A_557 = arith.constant 128 : i32
      %add3A_558 = arith.addi %scan3A_456, %add3A_557 : i32
      %get3A_559 = arith.index_cast %add3A_558 : i32 to index
      %get3A_560 = arith.constant 48 : index
      %get3A_561 = tpu.vector_load %arg6[%get3A_559, %get3A_560] {strides = array<i32>} : memref<256x128xf32, #tpu.memory_space<vmem>>, vector<1x16xf32>,
      %get3A_562 = vector.shape_cast %get3A_561 : vector<1x16xf32> to vector<16xf32>
      %add3A_563 = arith.addf %add3A_556, %get3A_562 : vector<16xf32>
      %add3A_564 = arith.constant 192 : i32
      %add3A_565 = arith.addi %scan3A_456, %add3A_564 : i32
      %get3A_566 = arith.index_cast %add3A_565 : i32 to index
      %get3A_567 = arith.constant 48 : index
      %get3A_568 = tpu.vector_load %arg6[%get3A_566, %get3A_567] {strides = array<i32>} : memref<256x128xf32, #tpu.memory_space<vmem>>, vector<1x16xf32>,
      %get3A_569 = vector.shape_cast %get3A_568 : vector<1x16xf32> to vector<16xf32>
      %add3A_570 = arith.addf %add3A_563, %get3A_569 : vector<16xf32>
      %swap3A_571 = arith.index_cast %scan3A_456 : i32 to index
      %swap3A_572 = arith.constant 48 : index
      %swap3A_573 = tpu.vector_load %arg9[%swap3A_571, %swap3A_572] {strides = array<i32>} : memref<64x128xf32, #tpu.memory_space<vmem>>, vector<1x16xf32>,
      %swap3A_574 = vector.shape_cast %swap3A_573 : vector<1x16xf32> to vector<16xf32>
      %swap3A_575 = vector.shape_cast %add3A_570 : vector<16xf32> to vector<1x16xf32>
      tpu.vector_store %arg9[%swap3A_571, %swap3A_572], %swap3A_575 {strides = array<i32>} : memref<64x128xf32, #tpu.memory_space<vmem>>, vector<1x16xf32>,
      %get3A_576 = arith.index_cast %scan3A_456 : i32 to index
      %get3A_577 = arith.constant 64 : index
      %get3A_578 = tpu.vector_load %arg6[%get3A_576, %get3A_577] {strides = array<i32>} : memref<256x128xf32, #tpu.memory_space<vmem>>, vector<1x16xf32>,
      %get3A_579 = vector.shape_cast %get3A_578 : vector<1x16xf32> to vector<16xf32>
      %add3A_580 = arith.constant 64 : i32
      %add3A_581 = arith.addi %scan3A_456, %add3A_580 : i32
      %get3A_582 = arith.index_cast %add3A_581 : i32 to index
      %get3A_583 = arith.constant 64 : index
      %get3A_584 = tpu.vector_load %arg6[%get3A_582, %get3A_583] {strides = array<i32>} : memref<256x128xf32, #tpu.memory_space<vmem>>, vector<1x16xf32>,
      %get3A_585 = vector.shape_cast %get3A_584 : vector<1x16xf32> to vector<16xf32>
      %add3A_586 = arith.addf %get3A_579, %get3A_585 : vector<16xf32>
      %add3A_587 = arith.constant 128 : i32
      %add3A_588 = arith.addi %scan3A_456, %add3A_587 : i32
      %get3A_589 = arith.index_cast %add3A_588 : i32 to index
      %get3A_590 = arith.constant 64 : index
      %get3A_591 = tpu.vector_load %arg6[%get3A_589, %get3A_590] {strides = array<i32>} : memref<256x128xf32, #tpu.memory_space<vmem>>, vector<1x16xf32>,
      %get3A_592 = vector.shape_cast %get3A_591 : vector<1x16xf32> to vector<16xf32>
      %add3A_593 = arith.addf %add3A_586, %get3A_592 : vector<16xf32>
      %add3A_594 = arith.constant 192 : i32
      %add3A_595 = arith.addi %scan3A_456, %add3A_594 : i32
      %get3A_596 = arith.index_cast %add3A_595 : i32 to index
      %get3A_597 = arith.constant 64 : index
      %get3A_598 = tpu.vector_load %arg6[%get3A_596, %get3A_597] {strides = array<i32>} : memref<256x128xf32, #tpu.memory_space<vmem>>, vector<1x16xf32>,
      %get3A_599 = vector.shape_cast %get3A_598 : vector<1x16xf32> to vector<16xf32>
      %add3A_600 = arith.addf %add3A_593, %get3A_599 : vector<16xf32>
      %swap3A_601 = arith.index_cast %scan3A_456 : i32 to index
      %swap3A_602 = arith.constant 64 : index
      %swap3A_603 = tpu.vector_load %arg9[%swap3A_601, %swap3A_602] {strides = array<i32>} : memref<64x128xf32, #tpu.memory_space<vmem>>, vector<1x16xf32>,
      %swap3A_604 = vector.shape_cast %swap3A_603 : vector<1x16xf32> to vector<16xf32>
      %swap3A_605 = vector.shape_cast %add3A_600 : vector<16xf32> to vector<1x16xf32>
      tpu.vector_store %arg9[%swap3A_601, %swap3A_602], %swap3A_605 {strides = array<i32>} : memref<64x128xf32, #tpu.memory_space<vmem>>, vector<1x16xf32>,
      %get3A_606 = arith.index_cast %scan3A_456 : i32 to index
      %get3A_607 = arith.constant 80 : index
      %get3A_608 = tpu.vector_load %arg6[%get3A_606, %get3A_607] {strides = array<i32>} : memref<256x128xf32, #tpu.memory_space<vmem>>, vector<1x16xf32>,
      %get3A_609 = vector.shape_cast %get3A_608 : vector<1x16xf32> to vector<16xf32>
      %add3A_610 = arith.constant 64 : i32
      %add3A_611 = arith.addi %scan3A_456, %add3A_610 : i32
      %get3A_612 = arith.index_cast %add3A_611 : i32 to index
      %get3A_613 = arith.constant 80 : index
      %get3A_614 = tpu.vector_load %arg6[%get3A_612, %get3A_613] {strides = array<i32>} : memref<256x128xf32, #tpu.memory_space<vmem>>, vector<1x16xf32>,
      %get3A_615 = vector.shape_cast %get3A_614 : vector<1x16xf32> to vector<16xf32>
      %add3A_616 = arith.addf %get3A_609, %get3A_615 : vector<16xf32>
      %add3A_617 = arith.constant 128 : i32
      %add3A_618 = arith.addi %scan3A_456, %add3A_617 : i32
      %get3A_619 = arith.index_cast %add3A_618 : i32 to index
      %get3A_620 = arith.constant 80 : index
      %get3A_621 = tpu.vector_load %arg6[%get3A_619, %get3A_620] {strides = array<i32>} : memref<256x128xf32, #tpu.memory_space<vmem>>, vector<1x16xf32>,
      %get3A_622 = vector.shape_cast %get3A_621 : vector<1x16xf32> to vector<16xf32>
      %add3A_623 = arith.addf %add3A_616, %get3A_622 : vector<16xf32>
      %add3A_624 = arith.constant 192 : i32
      %add3A_625 = arith.addi %scan3A_456, %add3A_624 : i32
      %get3A_626 = arith.index_cast %add3A_625 : i32 to index
      %get3A_627 = arith.constant 80 : index
      %get3A_628 = tpu.vector_load %arg6[%get3A_626, %get3A_627] {strides = array<i32>} : memref<256x128xf32, #tpu.memory_space<vmem>>, vector<1x16xf32>,
      %get3A_629 = vector.shape_cast %get3A_628 : vector<1x16xf32> to vector<16xf32>
      %add3A_630 = arith.addf %add3A_623, %get3A_629 : vector<16xf32>
      %swap3A_631 = arith.index_cast %scan3A_456 : i32 to index
      %swap3A_632 = arith.constant 80 : index
      %swap3A_633 = tpu.vector_load %arg9[%swap3A_631, %swap3A_632] {strides = array<i32>} : memref<64x128xf32, #tpu.memory_space<vmem>>, vector<1x16xf32>,
      %swap3A_634 = vector.shape_cast %swap3A_633 : vector<1x16xf32> to vector<16xf32>
      %swap3A_635 = vector.shape_cast %add3A_630 : vector<16xf32> to vector<1x16xf32>
      tpu.vector_store %arg9[%swap3A_631, %swap3A_632], %swap3A_635 {strides = array<i32>} : memref<64x128xf32, #tpu.memory_space<vmem>>, vector<1x16xf32>,
      %get3A_636 = arith.index_cast %scan3A_456 : i32 to index
      %get3A_637 = arith.constant 96 : index
      %get3A_638 = tpu.vector_load %arg6[%get3A_636, %get3A_637] {strides = array<i32>} : memref<256x128xf32, #tpu.memory_space<vmem>>, vector<1x16xf32>,
      %get3A_639 = vector.shape_cast %get3A_638 : vector<1x16xf32> to vector<16xf32>
      %add3A_640 = arith.constant 64 : i32
      %add3A_641 = arith.addi %scan3A_456, %add3A_640 : i32
      %get3A_642 = arith.index_cast %add3A_641 : i32 to index
      %get3A_643 = arith.constant 96 : index
      %get3A_644 = tpu.vector_load %arg6[%get3A_642, %get3A_643] {strides = array<i32>} : memref<256x128xf32, #tpu.memory_space<vmem>>, vector<1x16xf32>,
      %get3A_645 = vector.shape_cast %get3A_644 : vector<1x16xf32> to vector<16xf32>
      %add3A_646 = arith.addf %get3A_639, %get3A_645 : vector<16xf32>
      %add3A_647 = arith.constant 128 : i32
      %add3A_648 = arith.addi %scan3A_456, %add3A_647 : i32
      %get3A_649 = arith.index_cast %add3A_648 : i32 to index
      %get3A_650 = arith.constant 96 : index
      %get3A_651 = tpu.vector_load %arg6[%get3A_649, %get3A_650] {strides = array<i32>} : memref<256x128xf32, #tpu.memory_space<vmem>>, vector<1x16xf32>,
      %get3A_652 = vector.shape_cast %get3A_651 : vector<1x16xf32> to vector<16xf32>
      %add3A_653 = arith.addf %add3A_646, %get3A_652 : vector<16xf32>
      %add3A_654 = arith.constant 192 : i32
      %add3A_655 = arith.addi %scan3A_456, %add3A_654 : i32
      %get3A_656 = arith.index_cast %add3A_655 : i32 to index
      %get3A_657 = arith.constant 96 : index
      %get3A_658 = tpu.vector_load %arg6[%get3A_656, %get3A_657] {strides = array<i32>} : memref<256x128xf32, #tpu.memory_space<vmem>>, vector<1x16xf32>,
      %get3A_659 = vector.shape_cast %get3A_658 : vector<1x16xf32> to vector<16xf32>
      %add3A_660 = arith.addf %add3A_653, %get3A_659 : vector<16xf32>
      %swap3A_661 = arith.index_cast %scan3A_456 : i32 to index
      %swap3A_662 = arith.constant 96 : index
      %swap3A_663 = tpu.vector_load %arg9[%swap3A_661, %swap3A_662] {strides = array<i32>} : memref<64x128xf32, #tpu.memory_space<vmem>>, vector<1x16xf32>,
      %swap3A_664 = vector.shape_cast %swap3A_663 : vector<1x16xf32> to vector<16xf32>
      %swap3A_665 = vector.shape_cast %add3A_660 : vector<16xf32> to vector<1x16xf32>
      tpu.vector_store %arg9[%swap3A_661, %swap3A_662], %swap3A_665 {strides = array<i32>} : memref<64x128xf32, #tpu.memory_space<vmem>>, vector<1x16xf32>,
      %get3A_666 = arith.index_cast %scan3A_456 : i32 to index
      %get3A_667 = arith.constant 112 : index
      %get3A_668 = tpu.vector_load %arg6[%get3A_666, %get3A_667] {strides = array<i32>} : memref<256x128xf32, #tpu.memory_space<vmem>>, vector<1x16xf32>,
      %get3A_669 = vector.shape_cast %get3A_668 : vector<1x16xf32> to vector<16xf32>
      %add3A_670 = arith.constant 64 : i32
      %add3A_671 = arith.addi %scan3A_456, %add3A_670 : i32
      %get3A_672 = arith.index_cast %add3A_671 : i32 to index
      %get3A_673 = arith.constant 112 : index
      %get3A_674 = tpu.vector_load %arg6[%get3A_672, %get3A_673] {strides = array<i32>} : memref<256x128xf32, #tpu.memory_space<vmem>>, vector<1x16xf32>,
      %get3A_675 = vector.shape_cast %get3A_674 : vector<1x16xf32> to vector<16xf32>
      %add3A_676 = arith.addf %get3A_669, %get3A_675 : vector<16xf32>
      %add3A_677 = arith.constant 128 : i32
      %add3A_678 = arith.addi %scan3A_456, %add3A_677 : i32
      %get3A_679 = arith.index_cast %add3A_678 : i32 to index
      %get3A_680 = arith.constant 112 : index
      %get3A_681 = tpu.vector_load %arg6[%get3A_679, %get3A_680] {strides = array<i32>} : memref<256x128xf32, #tpu.memory_space<vmem>>, vector<1x16xf32>,
      %get3A_682 = vector.shape_cast %get3A_681 : vector<1x16xf32> to vector<16xf32>
      %add3A_683 = arith.addf %add3A_676, %get3A_682 : vector<16xf32>
      %add3A_684 = arith.constant 192 : i32
      %add3A_685 = arith.addi %scan3A_456, %add3A_684 : i32
      %get3A_686 = arith.index_cast %add3A_685 : i32 to index
      %get3A_687 = arith.constant 112 : index
      %get3A_688 = tpu.vector_load %arg6[%get3A_686, %get3A_687] {strides = array<i32>} : memref<256x128xf32, #tpu.memory_space<vmem>>, vector<1x16xf32>,
      %get3A_689 = vector.shape_cast %get3A_688 : vector<1x16xf32> to vector<16xf32>
      %add3A_690 = arith.addf %add3A_683, %get3A_689 : vector<16xf32>
      %swap3A_691 = arith.index_cast %scan3A_456 : i32 to index
      %swap3A_692 = arith.constant 112 : index
      %swap3A_693 = tpu.vector_load %arg9[%swap3A_691, %swap3A_692] {strides = array<i32>} : memref<64x128xf32, #tpu.memory_space<vmem>>, vector<1x16xf32>,
      %swap3A_694 = vector.shape_cast %swap3A_693 : vector<1x16xf32> to vector<16xf32>
      %swap3A_695 = vector.shape_cast %add3A_690 : vector<16xf32> to vector<1x16xf32>
      tpu.vector_store %arg9[%swap3A_691, %swap3A_692], %swap3A_695 {strides = array<i32>} : memref<64x128xf32, #tpu.memory_space<vmem>>, vector<1x16xf32>,
      %scan3A_696 = arith.constant 0 : i32
      scf.yield %scan3A_696 : i32
    }
    %scan3A_400 = arith.constant 64 : i32
    "tpu.trace_stop"() : () -> ()
    %add3A_401 = arith.constant 384 : i32
    %add3A_402 = arith.addi %mul3A_2, %add3A_401 : i32
    %dma_start3A_403 = arith.constant 0 : i32
    %dma_start3A_404 = tpu.memref_slice %arg4[%add3A_402, %dma_start3A_403] : memref<16384x128xf32, #tpu.memory_space<hbm>> -> memref<64x128xf32, #tpu.memory_space<hbm>>
    %dma_start3A_405 = arith.constant 0 : i32
    %dma_start3A_406 = tpu.memref_slice %arg4[%add3A_402, %dma_start3A_405] : memref<16384x128xf32, #tpu.memory_space<hbm>> -> memref<64x128xf32, #tpu.memory_space<hbm>>
    tpu.enqueue_dma source(%arg9 : memref<64x128xf32, #tpu.memory_space<vmem>>) target(%dma_start3A_406 : memref<64x128xf32, #tpu.memory_space<hbm>>) target_semaphore(%arg15 : memref<!tpu.dma_semaphore, #tpu.memory_space<semaphore_mem>>)
    %dma_wait3A_407 = arith.constant 14 : i32
    "tpu.trace_start"() <{level = 10 : i32, message = "gwait"}> : () -> ()
    %dma_wait3A_408 = arith.constant 0 : i32
    %dma_wait3A_409 = arith.constant 0 : i32
    %dma_wait3A_410 = tpu.memref_slice %arg7[%dma_wait3A_408, %dma_wait3A_409] : memref<256x128xf32, #tpu.memory_space<vmem>> -> memref<128x128xf32, #tpu.memory_space<vmem>>
    %dma_wait3A_411 = arith.constant 0 : i32
    %dma_wait3A_412 = tpu.memref_slice %arg5[%dma_wait3A_407, %dma_wait3A_411] : memref<16x128xi32, #tpu.memory_space<vmem>> -> memref<1x128xi32, #tpu.memory_space<vmem>>
    %dma_wait3A_413 = tpu.memref_squeeze %dma_wait3A_412 : memref<1x128xi32, #tpu.memory_space<vmem>> -> memref<128xi32, #tpu.memory_space<vmem>>
    %dma_wait3A_414 = arith.constant 0 : i32
    %dma_wait3A_415 = arith.constant 0 : i32
    %dma_wait3A_416 = tpu.memref_slice %arg3[%dma_wait3A_414, %dma_wait3A_415] : memref<4000x128xf32, #tpu.memory_space<hbm>> -> memref<4000x128xf32, #tpu.memory_space<hbm>>
    tpu.wait_indirect_dma semaphore(%arg13 : memref<!tpu.dma_semaphore, #tpu.memory_space<semaphore_mem>>) src(%dma_wait3A_416 : memref<4000x128xf32, #tpu.memory_space<hbm>>) dst(%dma_wait3A_410 : memref<128x128xf32, #tpu.memory_space<vmem>>)
    %dma_wait3A_417 = arith.constant 15 : i32
    %dma_wait3A_418 = arith.constant 128 : i32
    %dma_wait3A_419 = arith.constant 0 : i32
    %dma_wait3A_420 = tpu.memref_slice %arg7[%dma_wait3A_418, %dma_wait3A_419] : memref<256x128xf32, #tpu.memory_space<vmem>> -> memref<128x128xf32, #tpu.memory_space<vmem>>
    %dma_wait3A_421 = arith.constant 0 : i32
    %dma_wait3A_422 = tpu.memref_slice %arg5[%dma_wait3A_417, %dma_wait3A_421] : memref<16x128xi32, #tpu.memory_space<vmem>> -> memref<1x128xi32, #tpu.memory_space<vmem>>
    %dma_wait3A_423 = tpu.memref_squeeze %dma_wait3A_422 : memref<1x128xi32, #tpu.memory_space<vmem>> -> memref<128xi32, #tpu.memory_space<vmem>>
    %dma_wait3A_424 = arith.constant 0 : i32
    %dma_wait3A_425 = arith.constant 0 : i32
    %dma_wait3A_426 = tpu.memref_slice %arg3[%dma_wait3A_424, %dma_wait3A_425] : memref<4000x128xf32, #tpu.memory_space<hbm>> -> memref<4000x128xf32, #tpu.memory_space<hbm>>
    tpu.wait_indirect_dma semaphore(%arg13 : memref<!tpu.dma_semaphore, #tpu.memory_space<semaphore_mem>>) src(%dma_wait3A_426 : memref<4000x128xf32, #tpu.memory_space<hbm>>) dst(%dma_wait3A_420 : memref<128x128xf32, #tpu.memory_space<vmem>>)
    "tpu.trace_stop"() : () -> ()
    "tpu.trace_start"() <{level = 10 : i32, message = "wbwait"}> : () -> ()
    %dma_wait3A_427 = arith.constant 0 : i32
    %dma_wait3A_428 = tpu.memref_slice %arg4[%add3A_308, %dma_wait3A_427] : memref<16384x128xf32, #tpu.memory_space<hbm>> -> memref<64x128xf32, #tpu.memory_space<hbm>>
    %dma_wait3A_429 = arith.constant 0 : i32
    %dma_wait3A_430 = tpu.memref_slice %arg4[%add3A_308, %dma_wait3A_429] : memref<16384x128xf32, #tpu.memory_space<hbm>> -> memref<64x128xf32, #tpu.memory_space<hbm>>
    tpu.wait_dma2 semaphore(%arg16 : memref<!tpu.dma_semaphore, #tpu.memory_space<semaphore_mem>>) src(%arg10 : memref<64x128xf32, #tpu.memory_space<vmem>>) dst(%dma_wait3A_430 : memref<64x128xf32, #tpu.memory_space<hbm>>)
    "tpu.trace_stop"() : () -> ()
    "tpu.trace_start"() <{level = 10 : i32, message = "adds"}> : () -> ()
    %scan3A_431 = arith.constant 0 : i32
    %scan3A_432 = arith.constant 0 : i32
    %scan3A_433 = arith.constant 64 : i32
    %scan3A_434 = arith.addi %scan3A_432, %scan3A_433 : i32
    %scan3A_435 = arith.constant 1 : i32
    %scan3A_436 = scf.for %scan3A_456 = %scan3A_432 to %scan3A_434 step %scan3A_435 iter_args(%scan3A_457 = %scan3A_431) -> (i32)  : i32 {
      %get3A = arith.index_cast %scan3A_456 : i32 to index
      %get3A_458 = arith.constant 0 : index
      %get3A_459 = tpu.vector_load %arg7[%get3A, %get3A_458] {strides = array<i32>} : memref<256x128xf32, #tpu.memory_space<vmem>>, vector<1x16xf32>,
      %get3A_460 = vector.shape_cast %get3A_459 : vector<1x16xf32> to vector<16xf32>
      %add3A_461 = arith.constant 64 : i32
      %add3A_462 = arith.addi %scan3A_456, %add3A_461 : i32
      %get3A_463 = arith.index_cast %add3A_462 : i32 to index
      %get3A_464 = arith.constant 0 : index
      %get3A_465 = tpu.vector_load %arg7[%get3A_463, %get3A_464] {strides = array<i32>} : memref<256x128xf32, #tpu.memory_space<vmem>>, vector<1x16xf32>,
      %get3A_466 = vector.shape_cast %get3A_465 : vector<1x16xf32> to vector<16xf32>
      %add3A_467 = arith.addf %get3A_460, %get3A_466 : vector<16xf32>
      %add3A_468 = arith.constant 128 : i32
      %add3A_469 = arith.addi %scan3A_456, %add3A_468 : i32
      %get3A_470 = arith.index_cast %add3A_469 : i32 to index
      %get3A_471 = arith.constant 0 : index
      %get3A_472 = tpu.vector_load %arg7[%get3A_470, %get3A_471] {strides = array<i32>} : memref<256x128xf32, #tpu.memory_space<vmem>>, vector<1x16xf32>,
      %get3A_473 = vector.shape_cast %get3A_472 : vector<1x16xf32> to vector<16xf32>
      %add3A_474 = arith.addf %add3A_467, %get3A_473 : vector<16xf32>
      %add3A_475 = arith.constant 192 : i32
      %add3A_476 = arith.addi %scan3A_456, %add3A_475 : i32
      %get3A_477 = arith.index_cast %add3A_476 : i32 to index
      %get3A_478 = arith.constant 0 : index
      %get3A_479 = tpu.vector_load %arg7[%get3A_477, %get3A_478] {strides = array<i32>} : memref<256x128xf32, #tpu.memory_space<vmem>>, vector<1x16xf32>,
      %get3A_480 = vector.shape_cast %get3A_479 : vector<1x16xf32> to vector<16xf32>
      %add3A_481 = arith.addf %add3A_474, %get3A_480 : vector<16xf32>
      %swap3A = arith.index_cast %scan3A_456 : i32 to index
      %swap3A_482 = arith.constant 0 : index
      %swap3A_483 = tpu.vector_load %arg10[%swap3A, %swap3A_482] {strides = array<i32>} : memref<64x128xf32, #tpu.memory_space<vmem>>, vector<1x16xf32>,
      %swap3A_484 = vector.shape_cast %swap3A_483 : vector<1x16xf32> to vector<16xf32>
      %swap3A_485 = vector.shape_cast %add3A_481 : vector<16xf32> to vector<1x16xf32>
      tpu.vector_store %arg10[%swap3A, %swap3A_482], %swap3A_485 {strides = array<i32>} : memref<64x128xf32, #tpu.memory_space<vmem>>, vector<1x16xf32>,
      %get3A_486 = arith.index_cast %scan3A_456 : i32 to index
      %get3A_487 = arith.constant 16 : index
      %get3A_488 = tpu.vector_load %arg7[%get3A_486, %get3A_487] {strides = array<i32>} : memref<256x128xf32, #tpu.memory_space<vmem>>, vector<1x16xf32>,
      %get3A_489 = vector.shape_cast %get3A_488 : vector<1x16xf32> to vector<16xf32>
      %add3A_490 = arith.constant 64 : i32
      %add3A_491 = arith.addi %scan3A_456, %add3A_490 : i32
      %get3A_492 = arith.index_cast %add3A_491 : i32 to index
      %get3A_493 = arith.constant 16 : index
      %get3A_494 = tpu.vector_load %arg7[%get3A_492, %get3A_493] {strides = array<i32>} : memref<256x128xf32, #tpu.memory_space<vmem>>, vector<1x16xf32>,
      %get3A_495 = vector.shape_cast %get3A_494 : vector<1x16xf32> to vector<16xf32>
      %add3A_496 = arith.addf %get3A_489, %get3A_495 : vector<16xf32>
      %add3A_497 = arith.constant 128 : i32
      %add3A_498 = arith.addi %scan3A_456, %add3A_497 : i32
      %get3A_499 = arith.index_cast %add3A_498 : i32 to index
      %get3A_500 = arith.constant 16 : index
      %get3A_501 = tpu.vector_load %arg7[%get3A_499, %get3A_500] {strides = array<i32>} : memref<256x128xf32, #tpu.memory_space<vmem>>, vector<1x16xf32>,
      %get3A_502 = vector.shape_cast %get3A_501 : vector<1x16xf32> to vector<16xf32>
      %add3A_503 = arith.addf %add3A_496, %get3A_502 : vector<16xf32>
      %add3A_504 = arith.constant 192 : i32
      %add3A_505 = arith.addi %scan3A_456, %add3A_504 : i32
      %get3A_506 = arith.index_cast %add3A_505 : i32 to index
      %get3A_507 = arith.constant 16 : index
      %get3A_508 = tpu.vector_load %arg7[%get3A_506, %get3A_507] {strides = array<i32>} : memref<256x128xf32, #tpu.memory_space<vmem>>, vector<1x16xf32>,
      %get3A_509 = vector.shape_cast %get3A_508 : vector<1x16xf32> to vector<16xf32>
      %add3A_510 = arith.addf %add3A_503, %get3A_509 : vector<16xf32>
      %swap3A_511 = arith.index_cast %scan3A_456 : i32 to index
      %swap3A_512 = arith.constant 16 : index
      %swap3A_513 = tpu.vector_load %arg10[%swap3A_511, %swap3A_512] {strides = array<i32>} : memref<64x128xf32, #tpu.memory_space<vmem>>, vector<1x16xf32>,
      %swap3A_514 = vector.shape_cast %swap3A_513 : vector<1x16xf32> to vector<16xf32>
      %swap3A_515 = vector.shape_cast %add3A_510 : vector<16xf32> to vector<1x16xf32>
      tpu.vector_store %arg10[%swap3A_511, %swap3A_512], %swap3A_515 {strides = array<i32>} : memref<64x128xf32, #tpu.memory_space<vmem>>, vector<1x16xf32>,
      %get3A_516 = arith.index_cast %scan3A_456 : i32 to index
      %get3A_517 = arith.constant 32 : index
      %get3A_518 = tpu.vector_load %arg7[%get3A_516, %get3A_517] {strides = array<i32>} : memref<256x128xf32, #tpu.memory_space<vmem>>, vector<1x16xf32>,
      %get3A_519 = vector.shape_cast %get3A_518 : vector<1x16xf32> to vector<16xf32>
      %add3A_520 = arith.constant 64 : i32
      %add3A_521 = arith.addi %scan3A_456, %add3A_520 : i32
      %get3A_522 = arith.index_cast %add3A_521 : i32 to index
      %get3A_523 = arith.constant 32 : index
      %get3A_524 = tpu.vector_load %arg7[%get3A_522, %get3A_523] {strides = array<i32>} : memref<256x128xf32, #tpu.memory_space<vmem>>, vector<1x16xf32>,
      %get3A_525 = vector.shape_cast %get3A_524 : vector<1x16xf32> to vector<16xf32>
      %add3A_526 = arith.addf %get3A_519, %get3A_525 : vector<16xf32>
      %add3A_527 = arith.constant 128 : i32
      %add3A_528 = arith.addi %scan3A_456, %add3A_527 : i32
      %get3A_529 = arith.index_cast %add3A_528 : i32 to index
      %get3A_530 = arith.constant 32 : index
      %get3A_531 = tpu.vector_load %arg7[%get3A_529, %get3A_530] {strides = array<i32>} : memref<256x128xf32, #tpu.memory_space<vmem>>, vector<1x16xf32>,
      %get3A_532 = vector.shape_cast %get3A_531 : vector<1x16xf32> to vector<16xf32>
      %add3A_533 = arith.addf %add3A_526, %get3A_532 : vector<16xf32>
      %add3A_534 = arith.constant 192 : i32
      %add3A_535 = arith.addi %scan3A_456, %add3A_534 : i32
      %get3A_536 = arith.index_cast %add3A_535 : i32 to index
      %get3A_537 = arith.constant 32 : index
      %get3A_538 = tpu.vector_load %arg7[%get3A_536, %get3A_537] {strides = array<i32>} : memref<256x128xf32, #tpu.memory_space<vmem>>, vector<1x16xf32>,
      %get3A_539 = vector.shape_cast %get3A_538 : vector<1x16xf32> to vector<16xf32>
      %add3A_540 = arith.addf %add3A_533, %get3A_539 : vector<16xf32>
      %swap3A_541 = arith.index_cast %scan3A_456 : i32 to index
      %swap3A_542 = arith.constant 32 : index
      %swap3A_543 = tpu.vector_load %arg10[%swap3A_541, %swap3A_542] {strides = array<i32>} : memref<64x128xf32, #tpu.memory_space<vmem>>, vector<1x16xf32>,
      %swap3A_544 = vector.shape_cast %swap3A_543 : vector<1x16xf32> to vector<16xf32>
      %swap3A_545 = vector.shape_cast %add3A_540 : vector<16xf32> to vector<1x16xf32>
      tpu.vector_store %arg10[%swap3A_541, %swap3A_542], %swap3A_545 {strides = array<i32>} : memref<64x128xf32, #tpu.memory_space<vmem>>, vector<1x16xf32>,
      %get3A_546 = arith.index_cast %scan3A_456 : i32 to index
      %get3A_547 = arith.constant 48 : index
      %get3A_548 = tpu.vector_load %arg7[%get3A_546, %get3A_547] {strides = array<i32>} : memref<256x128xf32, #tpu.memory_space<vmem>>, vector<1x16xf32>,
      %get3A_549 = vector.shape_cast %get3A_548 : vector<1x16xf32> to vector<16xf32>
      %add3A_550 = arith.constant 64 : i32
      %add3A_551 = arith.addi %scan3A_456, %add3A_550 : i32
      %get3A_552 = arith.index_cast %add3A_551 : i32 to index
      %get3A_553 = arith.constant 48 : index
      %get3A_554 = tpu.vector_load %arg7[%get3A_552, %get3A_553] {strides = array<i32>} : memref<256x128xf32, #tpu.memory_space<vmem>>, vector<1x16xf32>,
      %get3A_555 = vector.shape_cast %get3A_554 : vector<1x16xf32> to vector<16xf32>
      %add3A_556 = arith.addf %get3A_549, %get3A_555 : vector<16xf32>
      %add3A_557 = arith.constant 128 : i32
      %add3A_558 = arith.addi %scan3A_456, %add3A_557 : i32
      %get3A_559 = arith.index_cast %add3A_558 : i32 to index
      %get3A_560 = arith.constant 48 : index
      %get3A_561 = tpu.vector_load %arg7[%get3A_559, %get3A_560] {strides = array<i32>} : memref<256x128xf32, #tpu.memory_space<vmem>>, vector<1x16xf32>,
      %get3A_562 = vector.shape_cast %get3A_561 : vector<1x16xf32> to vector<16xf32>
      %add3A_563 = arith.addf %add3A_556, %get3A_562 : vector<16xf32>
      %add3A_564 = arith.constant 192 : i32
      %add3A_565 = arith.addi %scan3A_456, %add3A_564 : i32
      %get3A_566 = arith.index_cast %add3A_565 : i32 to index
      %get3A_567 = arith.constant 48 : index
      %get3A_568 = tpu.vector_load %arg7[%get3A_566, %get3A_567] {strides = array<i32>} : memref<256x128xf32, #tpu.memory_space<vmem>>, vector<1x16xf32>,
      %get3A_569 = vector.shape_cast %get3A_568 : vector<1x16xf32> to vector<16xf32>
      %add3A_570 = arith.addf %add3A_563, %get3A_569 : vector<16xf32>
      %swap3A_571 = arith.index_cast %scan3A_456 : i32 to index
      %swap3A_572 = arith.constant 48 : index
      %swap3A_573 = tpu.vector_load %arg10[%swap3A_571, %swap3A_572] {strides = array<i32>} : memref<64x128xf32, #tpu.memory_space<vmem>>, vector<1x16xf32>,
      %swap3A_574 = vector.shape_cast %swap3A_573 : vector<1x16xf32> to vector<16xf32>
      %swap3A_575 = vector.shape_cast %add3A_570 : vector<16xf32> to vector<1x16xf32>
      tpu.vector_store %arg10[%swap3A_571, %swap3A_572], %swap3A_575 {strides = array<i32>} : memref<64x128xf32, #tpu.memory_space<vmem>>, vector<1x16xf32>,
      %get3A_576 = arith.index_cast %scan3A_456 : i32 to index
      %get3A_577 = arith.constant 64 : index
      %get3A_578 = tpu.vector_load %arg7[%get3A_576, %get3A_577] {strides = array<i32>} : memref<256x128xf32, #tpu.memory_space<vmem>>, vector<1x16xf32>,
      %get3A_579 = vector.shape_cast %get3A_578 : vector<1x16xf32> to vector<16xf32>
      %add3A_580 = arith.constant 64 : i32
      %add3A_581 = arith.addi %scan3A_456, %add3A_580 : i32
      %get3A_582 = arith.index_cast %add3A_581 : i32 to index
      %get3A_583 = arith.constant 64 : index
      %get3A_584 = tpu.vector_load %arg7[%get3A_582, %get3A_583] {strides = array<i32>} : memref<256x128xf32, #tpu.memory_space<vmem>>, vector<1x16xf32>,
      %get3A_585 = vector.shape_cast %get3A_584 : vector<1x16xf32> to vector<16xf32>
      %add3A_586 = arith.addf %get3A_579, %get3A_585 : vector<16xf32>
      %add3A_587 = arith.constant 128 : i32
      %add3A_588 = arith.addi %scan3A_456, %add3A_587 : i32
      %get3A_589 = arith.index_cast %add3A_588 : i32 to index
      %get3A_590 = arith.constant 64 : index
      %get3A_591 = tpu.vector_load %arg7[%get3A_589, %get3A_590] {strides = array<i32>} : memref<256x128xf32, #tpu.memory_space<vmem>>, vector<1x16xf32>,
      %get3A_592 = vector.shape_cast %get3A_591 : vector<1x16xf32> to vector<16xf32>
      %add3A_593 = arith.addf %add3A_586, %get3A_592 : vector<16xf32>
      %add3A_594 = arith.constant 192 : i32
      %add3A_595 = arith.addi %scan3A_456, %add3A_594 : i32
      %get3A_596 = arith.index_cast %add3A_595 : i32 to index
      %get3A_597 = arith.constant 64 : index
      %get3A_598 = tpu.vector_load %arg7[%get3A_596, %get3A_597] {strides = array<i32>} : memref<256x128xf32, #tpu.memory_space<vmem>>, vector<1x16xf32>,
      %get3A_599 = vector.shape_cast %get3A_598 : vector<1x16xf32> to vector<16xf32>
      %add3A_600 = arith.addf %add3A_593, %get3A_599 : vector<16xf32>
      %swap3A_601 = arith.index_cast %scan3A_456 : i32 to index
      %swap3A_602 = arith.constant 64 : index
      %swap3A_603 = tpu.vector_load %arg10[%swap3A_601, %swap3A_602] {strides = array<i32>} : memref<64x128xf32, #tpu.memory_space<vmem>>, vector<1x16xf32>,
      %swap3A_604 = vector.shape_cast %swap3A_603 : vector<1x16xf32> to vector<16xf32>
      %swap3A_605 = vector.shape_cast %add3A_600 : vector<16xf32> to vector<1x16xf32>
      tpu.vector_store %arg10[%swap3A_601, %swap3A_602], %swap3A_605 {strides = array<i32>} : memref<64x128xf32, #tpu.memory_space<vmem>>, vector<1x16xf32>,
      %get3A_606 = arith.index_cast %scan3A_456 : i32 to index
      %get3A_607 = arith.constant 80 : index
      %get3A_608 = tpu.vector_load %arg7[%get3A_606, %get3A_607] {strides = array<i32>} : memref<256x128xf32, #tpu.memory_space<vmem>>, vector<1x16xf32>,
      %get3A_609 = vector.shape_cast %get3A_608 : vector<1x16xf32> to vector<16xf32>
      %add3A_610 = arith.constant 64 : i32
      %add3A_611 = arith.addi %scan3A_456, %add3A_610 : i32
      %get3A_612 = arith.index_cast %add3A_611 : i32 to index
      %get3A_613 = arith.constant 80 : index
      %get3A_614 = tpu.vector_load %arg7[%get3A_612, %get3A_613] {strides = array<i32>} : memref<256x128xf32, #tpu.memory_space<vmem>>, vector<1x16xf32>,
      %get3A_615 = vector.shape_cast %get3A_614 : vector<1x16xf32> to vector<16xf32>
      %add3A_616 = arith.addf %get3A_609, %get3A_615 : vector<16xf32>
      %add3A_617 = arith.constant 128 : i32
      %add3A_618 = arith.addi %scan3A_456, %add3A_617 : i32
      %get3A_619 = arith.index_cast %add3A_618 : i32 to index
      %get3A_620 = arith.constant 80 : index
      %get3A_621 = tpu.vector_load %arg7[%get3A_619, %get3A_620] {strides = array<i32>} : memref<256x128xf32, #tpu.memory_space<vmem>>, vector<1x16xf32>,
      %get3A_622 = vector.shape_cast %get3A_621 : vector<1x16xf32> to vector<16xf32>
      %add3A_623 = arith.addf %add3A_616, %get3A_622 : vector<16xf32>
      %add3A_624 = arith.constant 192 : i32
      %add3A_625 = arith.addi %scan3A_456, %add3A_624 : i32
      %get3A_626 = arith.index_cast %add3A_625 : i32 to index
      %get3A_627 = arith.constant 80 : index
      %get3A_628 = tpu.vector_load %arg7[%get3A_626, %get3A_627] {strides = array<i32>} : memref<256x128xf32, #tpu.memory_space<vmem>>, vector<1x16xf32>,
      %get3A_629 = vector.shape_cast %get3A_628 : vector<1x16xf32> to vector<16xf32>
      %add3A_630 = arith.addf %add3A_623, %get3A_629 : vector<16xf32>
      %swap3A_631 = arith.index_cast %scan3A_456 : i32 to index
      %swap3A_632 = arith.constant 80 : index
      %swap3A_633 = tpu.vector_load %arg10[%swap3A_631, %swap3A_632] {strides = array<i32>} : memref<64x128xf32, #tpu.memory_space<vmem>>, vector<1x16xf32>,
      %swap3A_634 = vector.shape_cast %swap3A_633 : vector<1x16xf32> to vector<16xf32>
      %swap3A_635 = vector.shape_cast %add3A_630 : vector<16xf32> to vector<1x16xf32>
      tpu.vector_store %arg10[%swap3A_631, %swap3A_632], %swap3A_635 {strides = array<i32>} : memref<64x128xf32, #tpu.memory_space<vmem>>, vector<1x16xf32>,
      %get3A_636 = arith.index_cast %scan3A_456 : i32 to index
      %get3A_637 = arith.constant 96 : index
      %get3A_638 = tpu.vector_load %arg7[%get3A_636, %get3A_637] {strides = array<i32>} : memref<256x128xf32, #tpu.memory_space<vmem>>, vector<1x16xf32>,
      %get3A_639 = vector.shape_cast %get3A_638 : vector<1x16xf32> to vector<16xf32>
      %add3A_640 = arith.constant 64 : i32
      %add3A_641 = arith.addi %scan3A_456, %add3A_640 : i32
      %get3A_642 = arith.index_cast %add3A_641 : i32 to index
      %get3A_643 = arith.constant 96 : index
      %get3A_644 = tpu.vector_load %arg7[%get3A_642, %get3A_643] {strides = array<i32>} : memref<256x128xf32, #tpu.memory_space<vmem>>, vector<1x16xf32>,
      %get3A_645 = vector.shape_cast %get3A_644 : vector<1x16xf32> to vector<16xf32>
      %add3A_646 = arith.addf %get3A_639, %get3A_645 : vector<16xf32>
      %add3A_647 = arith.constant 128 : i32
      %add3A_648 = arith.addi %scan3A_456, %add3A_647 : i32
      %get3A_649 = arith.index_cast %add3A_648 : i32 to index
      %get3A_650 = arith.constant 96 : index
      %get3A_651 = tpu.vector_load %arg7[%get3A_649, %get3A_650] {strides = array<i32>} : memref<256x128xf32, #tpu.memory_space<vmem>>, vector<1x16xf32>,
      %get3A_652 = vector.shape_cast %get3A_651 : vector<1x16xf32> to vector<16xf32>
      %add3A_653 = arith.addf %add3A_646, %get3A_652 : vector<16xf32>
      %add3A_654 = arith.constant 192 : i32
      %add3A_655 = arith.addi %scan3A_456, %add3A_654 : i32
      %get3A_656 = arith.index_cast %add3A_655 : i32 to index
      %get3A_657 = arith.constant 96 : index
      %get3A_658 = tpu.vector_load %arg7[%get3A_656, %get3A_657] {strides = array<i32>} : memref<256x128xf32, #tpu.memory_space<vmem>>, vector<1x16xf32>,
      %get3A_659 = vector.shape_cast %get3A_658 : vector<1x16xf32> to vector<16xf32>
      %add3A_660 = arith.addf %add3A_653, %get3A_659 : vector<16xf32>
      %swap3A_661 = arith.index_cast %scan3A_456 : i32 to index
      %swap3A_662 = arith.constant 96 : index
      %swap3A_663 = tpu.vector_load %arg10[%swap3A_661, %swap3A_662] {strides = array<i32>} : memref<64x128xf32, #tpu.memory_space<vmem>>, vector<1x16xf32>,
      %swap3A_664 = vector.shape_cast %swap3A_663 : vector<1x16xf32> to vector<16xf32>
      %swap3A_665 = vector.shape_cast %add3A_660 : vector<16xf32> to vector<1x16xf32>
      tpu.vector_store %arg10[%swap3A_661, %swap3A_662], %swap3A_665 {strides = array<i32>} : memref<64x128xf32, #tpu.memory_space<vmem>>, vector<1x16xf32>,
      %get3A_666 = arith.index_cast %scan3A_456 : i32 to index
      %get3A_667 = arith.constant 112 : index
      %get3A_668 = tpu.vector_load %arg7[%get3A_666, %get3A_667] {strides = array<i32>} : memref<256x128xf32, #tpu.memory_space<vmem>>, vector<1x16xf32>,
      %get3A_669 = vector.shape_cast %get3A_668 : vector<1x16xf32> to vector<16xf32>
      %add3A_670 = arith.constant 64 : i32
      %add3A_671 = arith.addi %scan3A_456, %add3A_670 : i32
      %get3A_672 = arith.index_cast %add3A_671 : i32 to index
      %get3A_673 = arith.constant 112 : index
      %get3A_674 = tpu.vector_load %arg7[%get3A_672, %get3A_673] {strides = array<i32>} : memref<256x128xf32, #tpu.memory_space<vmem>>, vector<1x16xf32>,
      %get3A_675 = vector.shape_cast %get3A_674 : vector<1x16xf32> to vector<16xf32>
      %add3A_676 = arith.addf %get3A_669, %get3A_675 : vector<16xf32>
      %add3A_677 = arith.constant 128 : i32
      %add3A_678 = arith.addi %scan3A_456, %add3A_677 : i32
      %get3A_679 = arith.index_cast %add3A_678 : i32 to index
      %get3A_680 = arith.constant 112 : index
      %get3A_681 = tpu.vector_load %arg7[%get3A_679, %get3A_680] {strides = array<i32>} : memref<256x128xf32, #tpu.memory_space<vmem>>, vector<1x16xf32>,
      %get3A_682 = vector.shape_cast %get3A_681 : vector<1x16xf32> to vector<16xf32>
      %add3A_683 = arith.addf %add3A_676, %get3A_682 : vector<16xf32>
      %add3A_684 = arith.constant 192 : i32
      %add3A_685 = arith.addi %scan3A_456, %add3A_684 : i32
      %get3A_686 = arith.index_cast %add3A_685 : i32 to index
      %get3A_687 = arith.constant 112 : index
      %get3A_688 = tpu.vector_load %arg7[%get3A_686, %get3A_687] {strides = array<i32>} : memref<256x128xf32, #tpu.memory_space<vmem>>, vector<1x16xf32>,
      %get3A_689 = vector.shape_cast %get3A_688 : vector<1x16xf32> to vector<16xf32>
      %add3A_690 = arith.addf %add3A_683, %get3A_689 : vector<16xf32>
      %swap3A_691 = arith.index_cast %scan3A_456 : i32 to index
      %swap3A_692 = arith.constant 112 : index
      %swap3A_693 = tpu.vector_load %arg10[%swap3A_691, %swap3A_692] {strides = array<i32>} : memref<64x128xf32, #tpu.memory_space<vmem>>, vector<1x16xf32>,
      %swap3A_694 = vector.shape_cast %swap3A_693 : vector<1x16xf32> to vector<16xf32>
      %swap3A_695 = vector.shape_cast %add3A_690 : vector<16xf32> to vector<1x16xf32>
      tpu.vector_store %arg10[%swap3A_691, %swap3A_692], %swap3A_695 {strides = array<i32>} : memref<64x128xf32, #tpu.memory_space<vmem>>, vector<1x16xf32>,
      %scan3A_696 = arith.constant 0 : i32
      scf.yield %scan3A_696 : i32
    }
    %scan3A_437 = arith.constant 64 : i32
    "tpu.trace_stop"() : () -> ()
    %add3A_438 = arith.constant 448 : i32
    %add3A_439 = arith.addi %mul3A_2, %add3A_438 : i32
    %dma_start3A_440 = arith.constant 0 : i32
    %dma_start3A_441 = tpu.memref_slice %arg4[%add3A_439, %dma_start3A_440] : memref<16384x128xf32, #tpu.memory_space<hbm>> -> memref<64x128xf32, #tpu.memory_space<hbm>>
    %dma_start3A_442 = arith.constant 0 : i32
    %dma_start3A_443 = tpu.memref_slice %arg4[%add3A_439, %dma_start3A_442] : memref<16384x128xf32, #tpu.memory_space<hbm>> -> memref<64x128xf32, #tpu.memory_space<hbm>>
    tpu.enqueue_dma source(%arg10 : memref<64x128xf32, #tpu.memory_space<vmem>>) target(%dma_start3A_443 : memref<64x128xf32, #tpu.memory_space<hbm>>) target_semaphore(%arg16 : memref<!tpu.dma_semaphore, #tpu.memory_space<semaphore_mem>>)
    %dma_wait3A_444 = arith.constant 0 : i32
    %dma_wait3A_445 = tpu.memref_slice %arg4[%add3A_402, %dma_wait3A_444] : memref<16384x128xf32, #tpu.memory_space<hbm>> -> memref<64x128xf32, #tpu.memory_space<hbm>>
    %dma_wait3A_446 = arith.constant 0 : i32
    %dma_wait3A_447 = tpu.memref_slice %arg4[%add3A_402, %dma_wait3A_446] : memref<16384x128xf32, #tpu.memory_space<hbm>> -> memref<64x128xf32, #tpu.memory_space<hbm>>
    tpu.wait_dma2 semaphore(%arg15 : memref<!tpu.dma_semaphore, #tpu.memory_space<semaphore_mem>>) src(%arg9 : memref<64x128xf32, #tpu.memory_space<vmem>>) dst(%dma_wait3A_447 : memref<64x128xf32, #tpu.memory_space<hbm>>)
    %dma_wait3A_448 = arith.constant 0 : i32
    %dma_wait3A_449 = tpu.memref_slice %arg4[%add3A_439, %dma_wait3A_448] : memref<16384x128xf32, #tpu.memory_space<hbm>> -> memref<64x128xf32, #tpu.memory_space<hbm>>
    %dma_wait3A_450 = arith.constant 0 : i32
    %dma_wait3A_451 = tpu.memref_slice %arg4[%add3A_439, %dma_wait3A_450] : memref<16384x128xf32, #tpu.memory_space<hbm>> -> memref<64x128xf32, #tpu.memory_space<hbm>>
    tpu.wait_dma2 semaphore(%arg16 : memref<!tpu.dma_semaphore, #tpu.memory_space<semaphore_mem>>) src(%arg10 : memref<64x128xf32, #tpu.memory_space<vmem>>) dst(%dma_wait3A_451 : memref<64x128xf32, #tpu.memory_space<hbm>>)
    %dma_wait3A_452 = arith.constant 0 : i32
    %dma_wait3A_453 = tpu.memref_slice %arg4[%add3A_365, %dma_wait3A_452] : memref<16384x128xf32, #tpu.memory_space<hbm>> -> memref<64x128xf32, #tpu.memory_space<hbm>>
    %dma_wait3A_454 = arith.constant 0 : i32
    %dma_wait3A_455 = tpu.memref_slice %arg4[%add3A_365, %dma_wait3A_454] : memref<16384x128xf32, #tpu.memory_space<hbm>> -> memref<64x128xf32, #tpu.memory_space<hbm>>
    tpu.wait_dma2 semaphore(%arg17 : memref<!tpu.dma_semaphore, #tpu.memory_space<semaphore_mem>>) src(%arg11 : memref<64x128xf32, #tpu.memory_space<vmem>>) dst(%dma_wait3A_455 : memref<64x128xf32, #tpu.memory_space<hbm>>)
    return
  }
}

</mosaic_0001>

<sc_bundles>
// kernel: kernel.3.cloned.1.call-start
scs
__scs_entry_jumppad:
0x0: {  	(pc) =	sbr.rel $0x88, $3  }
0x1: {  	(tag) =	ssettag $0x0;
	lr =	simm.s32 $0x1  }
0x2: {  	[smem:$0x3F9C] =	sst lr;
	_ =	strace $0xD0000000  }
0x3: {  	_ = 	snop  }
0x4: {  	_ = 	snop  }
0x5: {  	_ = 	snop  }
0x6: {  	_ = 	snop  }
0x7: {  	_ = 	snop  }
__scs_overlays_trampoline_lowered:
0x8: {  	[smem:$0x3FAB] =	sst s0  }
0x9: {  	[smem:$0x3FAC] =	sst s1  }
0xa: {  	[smem:$0x3FAD] =	sst s2  }
0xb: {  	[smem:$0x3FAE] =	sst s3  }
0xc: {  	[smem:$0x3FAF] =	sst s4  }
0xd: {  	[smem:$0x3FB0] =	sst s5  }
0xe: {  	[smem:$0x3FB1] =	sst s6  }
0xf: {  	[smem:$0x3FB2] =	sst s7  }
0x10: {  	[smem:$0x3FB3] =	sst s8  }
0x11: {  	[smem:$0x3FB4] =	sst s9;
	s0 =	simm.s32 @!p0 $0x0  }
0x12: {  	s1 =	sld [smem:$0x3F9A];
	s0 =	simm.s32 @p0 $0x1  }
0x13: {  	[smem:$0x3FB5] =	sst s0;
	s0 =	simm.s32 @!p1 $0x0  }
0x14: {  	s2 =	sld [smem:$0x3F99];
	s0 =	simm.s32 @p1 $0x1  }
0x15: {  	[smem:$0x3FB6] =	sst s0;
	s0 =	simm.s32 @!p2 $0x0  }
0x16: {  	s3 =	sld [smem:$0x3FDB];
	s0 =	simm.s32 @p2 $0x1  }
0x17: {  	s4 =	simm.s32 $0x1BF5;
	[smem:$0x3FB8] =	sst s0  }
0x18: {  	s0 =	sld [smem:$0x3F9B];
	_ =	swait.ge [sflag:s4], $0x0  }
0x19: {  	s7 =	sld [smem:$0x3F9C]  }
0x1a: {  	s8 =	sadd.s32 $0xFFFFE003, lr  }
0x1b: {  	s9 =	sadd.s32 $0xFFFFFEF7, lr;
	s5 =	simm.s32 $0xFFFFFFFF;
	p2 =	slt.u32 s8, $0xFFFFF086  }
0x1c: {  	p1 =	slt.u32 s9, $0xF7A;
	s5 =	simm.s32 @!p2 $0x0  }
0x1d: {  	s5 =	simm.s32 @p1 $0x1;
	p0 =	seq.s32 s7, s2  }
0x1e: {  	s7 =	smul.u32 @!p0 $0xF7A, s2;
	p2 =	seq.s32 @!p0 s5, $0x0  }
0x1f: {  	s9 =	smul.u32 $0xF7A, s1;
	s8 =	simm.s32 @!p0 $0x1BF5;
	p2 =	por !p2, p0  }
0x20: {  	[sflag:s8] =	ssyncset.s32 @!p0 $0xFFFFF086;
	s6 =	sadd.s32 @!p0 s3, s7;
	s7 =	simm.s32 @!p0 $0x108  }
0x21: {  	s3 =	sadd.s32 s3, s9;
	s6 =	sadd.s32 @!p0 $0x88, s6;
	s7 =	simm.s32 @p2 $0x1082  }
0x22: {  	[simem:s7], [sflag:s8] =	dma.local @!p0 [hbm:s6], $0xF7A  }
0x23: {  	s9 =	sor.u32 $0xD0000000, s2;
	s6 =	simm.s32 $0x108;
	_ =	swait.ge @!p0 [sflag:s8], $0x0  }
0x24: {  	s3 =	sadd.s32 $0x88, s3;
	s6 =	simm.s32 @!p1 $0x1082;
	[sflag:s4] =	ssyncset.s32 $0xFFFFF086  }
0x25: {  	[simem:s6], [sflag:s4] =	dma.local [hbm:s3], $0xF7A  }
0x26: {  	[smem:$0x3F9C] =	sst s1;
	(tag) =	ssettag s2;
	_ =	strace s9  }
0x27: {  	s1 =	sld [smem:$0x3FAC]  }
0x28: {  	s2 =	sld [smem:$0x3FAD]  }
0x29: {  	s4 =	sld [smem:$0x3FAF]  }
0x2a: {  	p0 =	seq.s32 s5, $0x0;
	s5 =	sld [smem:$0x3FB0]  }
0x2b: {  	s6 =	sld [smem:$0x3FB1]  }
0x2c: {  	s7 =	sld [smem:$0x3FB2]  }
0x2d: {  	s3 =	simm.s32 $0x108;
	s8 =	sld [smem:$0x3FB3]  }
0x2e: {  	s3 =	simm.s32 @!p0 $0x1082;
	s9 =	sld [smem:$0x3FB4]  }
0x2f: {  	lr =	sadd.s32 s0, s3;
	s0 =	sld [smem:$0x3FAB]  }
0x30: {  	s3 =	sld [smem:$0x3FAE]  }
0x31: {  	[smem:$0x3FB7] =	sst s10  }
0x32: {  	s10 =	sld [smem:$0x3FB5];
	_ =	sdelay $0x3  }
0x33: {  	p0 =	seq.s32 s10, $0x1;
	s10 =	sld [smem:$0x3FB7];
	_ =	sdelay $0x3  }
0x34: {  	[smem:$0x3FB7] =	sst s10  }
0x35: {  	s10 =	sld [smem:$0x3FB6];
	_ =	sdelay $0x3  }
0x36: {  	p1 =	seq.s32 s10, $0x1;
	s10 =	sld [smem:$0x3FB7];
	_ =	sdelay $0x3  }
0x37: {  	[smem:$0x3FB7] =	sst s10  }
0x38: {  	s10 =	sld [smem:$0x3FB8]  }
0x39: {  	_ = 	snop;
	(pc) =	sbr.ind lr, $3  }
0x3a: {  	_ = 	snop  }
0x3b: {  	_ = 	snop  }
0x3c: {  	p2 =	seq.s32 s10, $0x1;
	s10 =	sld [smem:$0x3FB7]  }
0x3d: {  	_ =	shalt  }
0x3e: {  	_ =	shalt  }
0x3f: {  	_ =	shalt  }
0x40: {  	_ =	shalt  }
0x41: {  	_ =	shalt  }
0x42: {  	_ =	shalt  }
0x43: {  	_ =	shalt  }
0x44: {  	_ =	shalt  }
0x45: {  	_ =	shalt  }
0x46: {  	_ =	shalt  }
0x47: {  	_ =	shalt  }
0x48: {  	_ =	shalt  }
0x49: {  	_ =	shalt  }
0x4a: {  	_ =	shalt  }
0x4b: {  	_ =	shalt  }
0x4c: {  	_ =	shalt  }
0x4d: {  	_ =	shalt  }
0x4e: {  	_ =	shalt  }
0x4f: {  	_ =	shalt  }
0x50: {  	_ =	shalt  }
0x51: {  	_ =	shalt  }
0x52: {  	_ =	shalt  }
0x53: {  	_ =	shalt  }
0x54: {  	_ =	shalt  }
0x55: {  	_ =	shalt  }
0x56: {  	_ =	shalt  }
0x57: {  	_ =	shalt  }
0x58: {  	_ =	shalt  }
0x59: {  	_ =	shalt  }
0x5a: {  	_ =	shalt  }
0x5b: {  	_ =	shalt  }
0x5c: {  	_ =	shalt  }
0x5d: {  	_ =	shalt  }
0x5e: {  	_ =	shalt  }
0x5f: {  	_ =	shalt  }
0x60: {  	_ =	shalt  }
0x61: {  	_ =	shalt  }
0x62: {  	_ =	shalt  }
0x63: {  	_ =	shalt  }
0x64: {  	_ =	shalt  }
0x65: {  	_ =	shalt  }
0x66: {  	_ =	shalt  }
0x67: {  	_ =	shalt  }
0x68: {  	_ =	shalt  }
0x69: {  	_ =	shalt  }
0x6a: {  	_ =	shalt  }
0x6b: {  	_ =	shalt  }
0x6c: {  	_ =	shalt  }
0x6d: {  	_ =	shalt  }
0x6e: {  	_ =	shalt  }
0x6f: {  	_ =	shalt  }
0x70: {  	_ =	shalt  }
0x71: {  	_ =	shalt  }
0x72: {  	_ =	shalt  }
0x73: {  	_ =	shalt  }
0x74: {  	_ =	shalt  }
0x75: {  	_ =	shalt  }
0x76: {  	_ =	shalt  }
0x77: {  	_ =	shalt  }
0x78: {  	_ =	shalt  }
0x79: {  	_ =	shalt  }
0x7a: {  	_ =	shalt  }
0x7b: {  	_ =	shalt  }
0x7c: {  	_ =	shalt  }
0x7d: {  	_ =	shalt  }
0x7e: {  	_ =	shalt  }
0x7f: {  	_ =	shalt  }
0x80: {  	_ =	shalt  }
0x81: {  	_ =	shalt  }
0x82: {  	_ =	shalt  }
0x83: {  	_ =	shalt  }
0x84: {  	_ =	shalt  }
0x85: {  	_ =	shalt  }
0x86: {  	_ =	shalt  }
0x87: {  	_ =	shalt  }
.Lfunc_end0:
.L_simem_size_0:
called_computation_lowered:
.L_overlay_start_0:
0x88: {  	s2 =	sld [smem:$0x3FD9]  }
0x89: {  	s3 =	sld [smem:$0x3FFE];
	_ =	sdelay $0x1  }
0x8a: {  	s1 =	srdreg.scid  }
0x8b: {  	s0 =	sand.u32 $0x1, s1  }
0x8c: {  	s17 =	sshll.u32 s0, $0xA;
	s2 =	sadd.s32 s3, s2  }
0x8d: {  	s2 =	sadd.s32 s2, s17  }
0x8e: {  	[smem:$0x3FC3] =	sst s2  }
0x8f: {  	_ = 	snop  }
0x90: {  	s2 =	sld [smem:$0x3FD0];
	(tm) =	ssettm $0x1  }
0x91: {  	s18 =	sld [smem:$0x3FFB];
	_ =	sdelay $0x3  }
0x92: {  	_ =	strace s18  }
0x93: {  	s3 =	sld [smem:$0x3FFC];
	_ =	sdelay $0x3  }
0x94: {  	_ =	strace s3  }
0x95: {  	s3 =	sld [smem:$0x3FFD];
	_ =	sdelay $0x3  }
0x96: {  	_ =	strace s3  }
0x97: {  	_ =	strace $0x8FFFFFFF  }
0x98: {  	s19 =	sld [smem:$0x3FDB];
	_ =	sdelay $0x1  }
0x99: {  	s4 =	simm.s32 $_scs_section_size  }
0x9a: {  	s5 =	simm.s32 $_size__tile_overlayer_lowered;
	s6 =	simm.s32 $_tile_overlayer_lowered  }
0x9b: {  	s22 =	simm.s32 $0x1BFF;
	s21 =	sshll.u32 s6, $0x1;
	s3 =	sadd.s32 s4, s19  }
0x9c: {  	s7 =	simm.s32 $0x0;
	s20 =	sshll.u32 s5, $0x1;
	s5 =	sadd.s32 s21, s3  }
0x9d: {  	[timem:s7], [sflag:s22] =	dma.local [hbm:s5], s20  }
0x9e: {  	_ =	swait.ge [sflag:s22], s20  }
0x9f: {  	s4 =	ssub.s32 $0x0, s20;
	[sflag:s22] =	ssyncset.done $0x0  }
0xa0: {  	[sflag:s22] =	ssyncadd.s32 s4;
	_ =	sdelay $0x1  }
0xa1: {  	s23 =	simm.s32 $0x1B8B  }
0xa2: {  	_ =	swait.ge [sflag:s23], $0x1  }
0xa3: {  	[sflag:s23] =	ssyncset.done $0x0  }
0xa4: {  	s25 =	simm.s32 $0x1B8E;
	s24 =	sld [smem:$0x3FFE];
	[sflag:s23] =	ssyncadd.s32 $0xFFFFFFFF  }
0xa5: {  	s26 =	simm.s32 $execute0_lowered;
	[smem:$0x3FD2] =	sst s25  }
0xa6: {  	s5 =	sshll.u32 s26, $0x1;
	_ =	strace $0x80000046;
	[dreg:$0x1] =	wrdreg $0xFFFFFFFF  }
0xa7: {  	s28 =	simm.s32 $_size_execute0_lowered;
	s3 =	sadd.s32 s3, s5;
	[dreg:$0x0] =	wrdreg $0x0  }
0xa8: {  	s5 =	sshll.u32 s28, $0x1;
	[dreg:$0x2] =	wrdreg s3  }
0xa9: {  	[dreg:$0x3] =	wrdreg s5  }
0xaa: {  	[dreg:$0x4] =	wrdreg $0xC0  }
0xab: {  	_ =	task [dreg:s7], $0x5FFFF  }
0xac: {  	[dreg:$0x1] =	wrdreg $0xFFFFFFFF  }
0xad: {  	[dreg:$0x0] =	wrdreg $0x60  }
0xae: {  	[dreg:$0x2] =	wrdreg s24  }
0xaf: {  	[dreg:$0x3] =	wrdreg s2  }
0xb0: {  	[dreg:$0x4] =	wrdreg $0x9  }
0xb1: {  	_ =	task.clear_ibuf [dreg:s7], $0x5FFFF;
	_ =	strace $0x90000046  }
0xb2: {  	s29 =	simm.s32 $0x9;
	_ =	strace $0x8000005D  }
0xb3: {  	_ =	swait.ge [sflag:s29], $0x1  }
0xb4: {  	[sflag:s29] =	ssyncadd.s32 $0xFFFFFFFF  }
0xb5: {  	_ =	strace $0x9000005D  }
0xb6: {  	_ =	sfence  }
0xb7: {  	s30 =	sld [smem:$0x0];
	_ =	sdelay $0x2  }
0xb8: {  	s31 =	sshll.u32 s1, $0xD;
	s1 =	sshrl.u32 s1, $0x2  }
0xb9: {  	s3 =	sand.u32 $0x4000, s31;
	s1 =	sadd.s32 s1, s30  }
0xba: {  	s0 =	sor.u32 s3, s0;
	s1 =	sshll.u32 s1, $0x11  }
0xbb: {  	s0 =	sor.u32 s1, s0  }
0xbc: {  	s0 =	sadd.s32 $0x8F2B, s0  }
0xbd: {  	[sflag:s0] =	ssyncadd.remote.s32 $0x1  }
0xbe: {  	_ =	sfence.sel $0xFFFF  }
0xbf: {  	[dreg:$0x0] =	wrdreg $0xFFFFFFFF;
	(pc) =	sbr.abs _section_cstart, $3  }
0xc0: {  	[dreg:$0x1] =	wrdreg $0xFFFFFFFF  }
0xc1: {  	_ =	task.clear_ibuf [dreg:s7], $0x2FFFF;
	_ =	strace $0x9FFFFFFF  }
0xc2: {  	(tm) =	ssettm $0x7FFFFFFF  }
0xc3: {  	_ =	shalt  }
tec
execute0_lowered:
.L_overlay_start_1:
0x0: {  	(tag) =	ssettag $0x1  }
0x1: {  	s0 =	rddreg [dreg:$0x0]  }
0x2: {  	s1 =	rddreg [dreg:$0x1]  }
0x3: {  	s3 =	srdreg.scid;
	s4 =	stileid.u32  }
0x4: {  	s2 =	simm.s32 $0x0;
	s14 =	simm.s32 $0x7;
	s15 =	simm.s32 $0x80  }
0x5: {  	s16 =	simm.s32 $0x800;
	s17 =	simm.s32 $0x4800;
	s19 =	simm.s32 $0x8800  }
0x6: {  	s21 =	simm.s32 $0xC800;
	s28 =	simm.s32 $0x18800;
	s31 =	simm.s32 $0x2  }
0x7: {  	s20 =	simm.s32 $0x3;
	s22 =	simm.s32 $0x1C800;
	s30 =	simm.s32 $0x4  }
0x8: {  	s24 =	simm.s32 $0x5;
	s18 =	simm.s32 $0x6;
	s29 =	simm.s32 $0x0  }
0x9: {  	s3 =	sand.u32 $0x1, s3;
	s4 =	sshll.u32 s4, $0x1;
	[smem:$0x7FF] =	sst s2  }
0xa: {  	s4 =	sor.u32 s3, s4;
	_ =	strace $0x80000047;
	s6 =	ssub.s32 $0x2, s3  }
0xb: {  	s3 =	sadd.s32 $0x2C00, s0;
	s5 =	sshll.u32 s4, $0x8;
	s4 =	sshll.u32 s4, $0xD  }
0xc: {  	s26 =	sshrl.u32 s6, $0x1;
	s5 =	sadd.s32 s5, s0;
	s4 =	sadd.s32 s1, s4  }
0xd: {  	s0 =	ssub.s32 s6, s26;
	s26 =	simm.s32 $0x1;
	s5 =	sadd.s32 $0xC00, s5  }
0xe: {  	s6 =	sadd.s32 $0x400, s4;
	s7 =	sadd.s32 $0x800, s4;
	s8 =	sadd.s32 $0xC00, s4  }
0xf: {  	s9 =	sadd.s32 $0x1000, s4;
	s10 =	sadd.s32 $0x1400, s4;
	s11 =	sadd.s32 $0x1800, s4  }
0x10: {  	s12 =	sadd.s32 $0x1C00, s4;
	s13 =	smax.u32 s0, $0x1;
	s0 =	simm.s32 $0x1A800  }
.LBB2_1:
0x11: {  	[tilespmem:s2], [sflag:$0x7] =	stream.linear.gather [hbm4b:s5+s2], $0x800, $0x38;
	[tilespmem:$0x1E800] =	vst v63  }
0x12: {  	_ =	swait.ge [sflag:s14], $0x800  }
0x13: {  	[sflag:s14] =	ssyncset.done $0x0  }
0x14: {  	[sflag:s14] =	ssyncadd.s32 $0xFFFFF800  }
0x15: {  	[tilespmem:s16], [sflag:$0x1] =	stream.indirect.gather [hbm4b:s3+s15], $0x80, s2, s15, $0xb8;
	[tilespmem:$0x1E800] =	vst v63  }
0x16: {  	_ = 	snop  }
0x17: {  	[tilespmem:s17], [sflag:$0x1] =	stream.indirect.gather [hbm4b:s3+s15], $0x80, s15, s15, $0xb8;
	[tilespmem:$0x1E800] =	vst v63  }
0x18: {  	s1 =	simm.s32 $0x100  }
0x19: {  	[tilespmem:s19], [sflag:$0x2] =	stream.indirect.gather [hbm4b:s3+s15], $0x80, s1, s15, $0xb8;
	[tilespmem:$0x1E800] =	vst v63  }
0x1a: {  	s23 =	simm.s32 $0x180  }
0x1b: {  	[tilespmem:s21], [sflag:$0x2] =	stream.indirect.gather [hbm4b:s3+s15], $0x80, s23, s15, $0xb8;
	[tilespmem:$0x1E800] =	vst v63  }
0x1c: {  	s25 =	simm.s32 $0x200;
	s23 =	simm.s32 $0x10800  }
0x1d: {  	[tilespmem:s23], [sflag:$0x3] =	stream.indirect.gather [hbm4b:s3+s15], $0x80, s25, s15, $0xb8;
	[tilespmem:$0x1E800] =	vst v63  }
0x1e: {  	s23 =	simm.s32 $0x280;
	s25 =	simm.s32 $0x14800  }
0x1f: {  	[tilespmem:s25], [sflag:$0x3] =	stream.indirect.gather [hbm4b:s3+s15], $0x80, s23, s15, $0xb8;
	[tilespmem:$0x1E800] =	vst v63  }
0x20: {  	_ =	strace $0x80000048  }
0x21: {  	_ =	swait.ge [sflag:s26], $0x4000  }
0x22: {  	[sflag:s26] =	ssyncset.done $0x0  }
0x23: {  	[sflag:s26] =	ssyncadd.s32 $0xFFFFC000  }
0x24: {  	_ =	swait.ge [sflag:s26], $0x4000  }
0x25: {  	[sflag:s26] =	ssyncset.done $0x0  }
0x26: {  	[sflag:s26] =	ssyncadd.s32 $0xFFFFC000  }
0x27: {  	_ =	strace $0x90000048  }
0x28: {  	s1 =	simm.s32 $0x0;
	_ =	strace $0x80000049  }
0x29: {  	v0 =	vld [tilespmem:s1+$0x870]  }
0x2a: {  	v1 =	vld [tilespmem:s1+$0x2870]  }
0x2b: {  	v2 =	vld [tilespmem:s1+$0x800]  }
0x2c: {  	v3 =	vld [tilespmem:s1+$0x4870]  }
0x2d: {  	v4 =	vld [tilespmem:s1+$0x2800]  }
0x2e: {  	v5 =	vld [tilespmem:s1+$0x6870]  }
0x2f: {  	v6 =	vld [tilespmem:s1+$0x810]  }
0x30: {  	v7 =	vld [tilespmem:s1+$0x820]  }
0x31: {  	v8 =	vld [tilespmem:s1+$0x830]  }
0x32: {  	v9 =	vld [tilespmem:s1+$0x840]  }
0x33: {  	v10 =	vld [tilespmem:s1+$0x850]  }
0x34: {  	v11 =	vld [tilespmem:s1+$0x2850]  }
0x35: {  	v12 =	vld [tilespmem:s1+$0x860]  }
0x36: {  	v13 =	vld [tilespmem:s1+$0x2860]  }
0x37: {  	v14 =	vld [tilespmem:s1+$0x4800]  }
0x38: {  	v15 =	vld [tilespmem:s1+$0x4810]  }
0x39: {  	v16 =	vld [tilespmem:s1+$0x4820];
	v0 =	vadd.f32 v1, v0  }
0x3a: {  	v17 =	vld [tilespmem:s1+$0x4830]  }
0x3b: {  	v18 =	vld [tilespmem:s1+$0x4840];
	v0 =	vadd.f32 v3, v0  }
0x3c: {  	v1 =	vld [tilespmem:s1+$0x2810]  }
0x3d: {  	v3 =	vld [tilespmem:s1+$0x2820];
	v0 =	vadd.f32 v5, v0  }
0x3e: {  	v5 =	vld [tilespmem:s1+$0x2830]  }
0x3f: {  	[tilespmem:s1+$0x18870] =	vst v0;
	v0 =	vld [tilespmem:s1+$0x2840]  }
0x40: {  	v19 =	vld [tilespmem:s1+$0x4850]  }
0x41: {  	v20 =	vld [tilespmem:s1+$0x4860];
	v2 =	vadd.f32 v4, v2  }
0x42: {  	v21 =	vld [tilespmem:s1+$0x6800];
	v1 =	vadd.f32 v1, v6;
	v3 =	vadd.f32 v3, v7  }
0x43: {  	v22 =	vld [tilespmem:s1+$0x6810];
	v5 =	vadd.f32 v5, v8;
	v8 =	vadd.f32 v14, v2  }
0x44: {  	v23 =	vld [tilespmem:s1+$0x6820];
	v62 =	vadd.f32 v16, v3;
	v0 =	vadd.f32 v0, v9  }
0x45: {  	v7 =	vld [tilespmem:s1+$0x6830];
	v9 =	vadd.f32 v11, v10;
	v10 =	vadd.f32 v13, v12  }
0x46: {  	v4 =	vld [tilespmem:s1+$0x6840];
	v11 =	vadd.f32 v15, v1;
	v6 =	vadd.f32 v17, v5  }
0x47: {  	v5 =	vld [tilespmem:s1+$0x6850];
	v63 =	vadd.f32 v21, v8;
	v2 =	vadd.f32 v18, v0  }
0x48: {  	s23 =	simm.s32 $0x80;
	v8 =	vld [tilespmem:s1+$0x6860];
	v3 =	vadd.f32 v19, v9;
	v9 =	vadd.f32 v22, v11  }
0x49: {  	s25 =	simm.s32 $0x400;
	v1 =	vld [tilespmem:s23+$0x870];
	v0 =	vadd.f32 v20, v10;
	[tilespmem:s1+$0x18800] =	vst v63;
	v10 =	vadd.f32 v23, v62  }
.LBB2_2:
0x4a: {  	p0 =	sne.s32 s25, $0x7E00;
	v11 =	vld [tilespmem:s23+$0x2870];
	[tilespmem:s1+$0x18810] =	vst v9;
	v6 =	vadd.f32 v7, v6  }
0x4b: {  	v7 =	vld [tilespmem:s23+$0x800];
	[tilespmem:s1+$0x18820] =	vst v10;
	v2 =	vadd.f32 v4, v2  }
0x4c: {  	v4 =	vld [tilespmem:s23+$0x4870];
	[tilespmem:s1+$0x18830] =	vst v6;
	v3 =	vadd.f32 v5, v3  }
0x4d: {  	v5 =	vld [tilespmem:s23+$0x2800];
	[tilespmem:s1+$0x18840] =	vst v2;
	v0 =	vadd.f32 v8, v0  }
0x4e: {  	v2 =	vld [tilespmem:s23+$0x6870];
	[tilespmem:s1+$0x18850] =	vst v3  }
0x4f: {  	v3 =	vld [tilespmem:s23+$0x810];
	v1 =	vadd.f32 v11, v1;
	[tilespmem:s1+$0x18860] =	vst v0;
	s1 =	smov.u32 s23  }
0x50: {  	v0 =	vld [tilespmem:s1+$0x2810]  }
0x51: {  	v6 =	vld [tilespmem:s1+$0x820];
	v1 =	vadd.f32 v4, v1  }
0x52: {  	v4 =	vadd.f32 v5, v7;
	v5 =	vld [tilespmem:s1+$0x2820]  }
0x53: {  	v7 =	vld [tilespmem:s1+$0x830];
	v1 =	vadd.f32 v2, v1  }
0x54: {  	v2 =	vld [tilespmem:s1+$0x2830]  }
0x55: {  	v0 =	vadd.f32 v0, v3;
	v3 =	vld [tilespmem:s1+$0x840];
	[tilespmem:s1+$0x18870] =	vst v1  }
0x56: {  	v1 =	vld [tilespmem:s1+$0x2840]  }
0x57: {  	v5 =	vadd.f32 v5, v6;
	v6 =	vld [tilespmem:s1+$0x850]  }
0x58: {  	v8 =	vld [tilespmem:s1+$0x2850]  }
0x59: {  	v2 =	vadd.f32 v2, v7;
	v7 =	vld [tilespmem:s1+$0x860]  }
0x5a: {  	v9 =	vld [tilespmem:s1+$0x2860]  }
0x5b: {  	v10 =	vld [tilespmem:s1+$0x4800];
	v1 =	vadd.f32 v1, v3  }
0x5c: {  	v3 =	vld [tilespmem:s1+$0x4810]  }
0x5d: {  	v11 =	vld [tilespmem:s1+$0x4820];
	v8 =	vadd.f32 v8, v6  }
0x5e: {  	v6 =	vld [tilespmem:s1+$0x4830]  }
0x5f: {  	v12 =	vld [tilespmem:s1+$0x4840];
	v9 =	vadd.f32 v9, v7  }
0x60: {  	v10 =	vadd.f32 v10, v4;
	v4 =	vld [tilespmem:s1+$0x4850]  }
0x61: {  	v13 =	vadd.f32 v3, v0;
	v0 =	vld [tilespmem:s1+$0x4860]  }
0x62: {  	v14 =	vld [tilespmem:s1+$0x6800];
	v11 =	vadd.f32 v11, v5  }
0x63: {  	v15 =	vld [tilespmem:s1+$0x6810];
	v6 =	vadd.f32 v6, v2  }
0x64: {  	v16 =	vld [tilespmem:s1+$0x6820];
	v2 =	vadd.f32 v12, v1  }
.Ltmp0:
0x65: {  	v7 =	vld [tilespmem:s1+$0x6830];
	v3 =	vadd.f32 v4, v8;
	(pc) =	sbr.rel @p0 .LBB2_2-.Ltmp0, $4  }
0x66: {  	v4 =	vld [tilespmem:s1+$0x6840];
	v0 =	vadd.f32 v0, v9  }
0x67: {  	v10 =	vadd.f32 v14, v10;
	v5 =	vld [tilespmem:s1+$0x6850]  }
0x68: {  	s23 =	sshra.s32 s25, $0x2;
	v9 =	vadd.f32 v15, v13;
	v8 =	vld [tilespmem:s1+$0x6860]  }
0x69: {  	s25 =	sadd.s32 $0x200, s25;
	v1 =	vld [tilespmem:s23+$0x870];
	[tilespmem:s1+$0x18800] =	vst v10;
	v10 =	vadd.f32 v16, v11  }
0x6a: {  	v11 =	vld [tilespmem:s23+$0x2870];
	[tilespmem:s1+$0x18810] =	vst v9;
	v6 =	vadd.f32 v7, v6  }
0x6b: {  	v9 =	vld [tilespmem:s23+$0x800];
	[tilespmem:s1+$0x18820] =	vst v10;
	v2 =	vadd.f32 v4, v2  }
0x6c: {  	v7 =	vld [tilespmem:s23+$0x4870];
	[tilespmem:s1+$0x18830] =	vst v6;
	v3 =	vadd.f32 v5, v3  }
0x6d: {  	v4 =	vld [tilespmem:s23+$0x2800];
	[tilespmem:s1+$0x18840] =	vst v2;
	v0 =	vadd.f32 v8, v0  }
0x6e: {  	v2 =	vld [tilespmem:s23+$0x6870];
	[tilespmem:s1+$0x18850] =	vst v3  }
0x6f: {  	v3 =	vld [tilespmem:s23+$0x810];
	[tilespmem:s1+$0x18860] =	vst v0  }
0x70: {  	v0 =	vadd.f32 v11, v1;
	v1 =	vld [tilespmem:s23+$0x2810]  }
0x71: {  	v5 =	vld [tilespmem:s23+$0x820]  }
0x72: {  	v6 =	vld [tilespmem:s23+$0x2820]  }
0x73: {  	v8 =	vld [tilespmem:s23+$0x840]  }
0x74: {  	v10 =	vld [tilespmem:s23+$0x850]  }
0x75: {  	v11 =	vld [tilespmem:s23+$0x2850]  }
0x76: {  	v12 =	vld [tilespmem:s23+$0x860]  }
0x77: {  	v13 =	vld [tilespmem:s23+$0x2860]  }
0x78: {  	v14 =	vld [tilespmem:s23+$0x4800]  }
0x79: {  	v15 =	vld [tilespmem:s23+$0x4810]  }
0x7a: {  	v16 =	vld [tilespmem:s23+$0x4820]  }
0x7b: {  	v17 =	vld [tilespmem:s23+$0x4830]  }
0x7c: {  	v18 =	vld [tilespmem:s23+$0x4840];
	v0 =	vadd.f32 v7, v0  }
0x7d: {  	v19 =	vld [tilespmem:s23+$0x4850]  }
0x7e: {  	v20 =	vld [tilespmem:s23+$0x4860];
	v0 =	vadd.f32 v2, v0  }
0x7f: {  	v7 =	vld [tilespmem:s23+$0x830]  }
0x80: {  	[tilespmem:s23+$0x18870] =	vst v0;
	v0 =	vld [tilespmem:s23+$0x2840]  }
0x81: {  	v2 =	vld [tilespmem:s23+$0x2830]  }
0x82: {  	v4 =	vadd.f32 v4, v9;
	v9 =	vld [tilespmem:s23+$0x6800];
	v1 =	vadd.f32 v1, v3  }
0x83: {  	v3 =	vadd.f32 v6, v5;
	v5 =	vld [tilespmem:s23+$0x6810]  }
0x84: {  	v6 =	vld [tilespmem:s23+$0x6820];
	v4 =	vadd.f32 v14, v4;
	v1 =	vadd.f32 v15, v1  }
0x85: {  	v3 =	vadd.f32 v16, v3;
	v0 =	vadd.f32 v0, v8;
	v8 =	vld [tilespmem:s23+$0x6830]  }
0x86: {  	v2 =	vadd.f32 v2, v7;
	v7 =	vadd.f32 v11, v10;
	v11 =	vld [tilespmem:s23+$0x6840]  }
0x87: {  	v4 =	vadd.f32 v9, v4;
	v9 =	vld [tilespmem:s23+$0x6850];
	v10 =	vadd.f32 v13, v12  }
0x88: {  	v2 =	vadd.f32 v17, v2;
	v1 =	vadd.f32 v5, v1;
	v5 =	vld [tilespmem:s23+$0x6860]  }
0x89: {  	[tilespmem:s23+$0x18800] =	vst v4;
	v3 =	vadd.f32 v6, v3;
	v0 =	vadd.f32 v18, v0  }
0x8a: {  	v4 =	vadd.f32 v19, v7;
	[tilespmem:s23+$0x18810] =	vst v1;
	v1 =	vadd.f32 v8, v2  }
0x8b: {  	[tilespmem:s23+$0x18820] =	vst v3;
	v0 =	vadd.f32 v11, v0;
	v2 =	vadd.f32 v20, v10  }
0x8c: {  	[tilespmem:s23+$0x18830] =	vst v1;
	v1 =	vadd.f32 v9, v4  }
0x8d: {  	[tilespmem:s23+$0x18840] =	vst v0;
	v0 =	vadd.f32 v5, v2  }
0x8e: {  	[tilespmem:s23+$0x18850] =	vst v1  }
0x8f: {  	[tilespmem:s23+$0x18860] =	vst v0  }
0x90: {  	s25 =	simm.s32 $0x0;
	_ =	strace $0x90000049  }
0x91: {  	[hbm4b:s4+s25] =	stream.linear.scatter [tilespmem:s28], [sflag:$0x4], $0x2000, $0x38;
	[tilespmem:$0x1E800] =	vst v63  }
0x92: {  	s23 =	simm.s32 $0x300  }
0x93: {  	[tilespmem:s16], [sflag:$0x1] =	stream.indirect.gather [hbm4b:s3+s15], $0x80, s23, s15, $0xb8;
	[tilespmem:$0x1E800] =	vst v63  }
0x94: {  	s25 =	simm.s32 $0x380  }
0x95: {  	[tilespmem:s17], [sflag:$0x1] =	stream.indirect.gather [hbm4b:s3+s15], $0x80, s25, s15, $0xb8;
	[tilespmem:$0x1E800] =	vst v63  }
0x96: {  	_ =	strace $0x8000004A  }
0x97: {  	_ =	swait.ge [sflag:s31], $0x4000  }
0x98: {  	[sflag:s31] =	ssyncset.done $0x0  }
0x99: {  	[sflag:s31] =	ssyncadd.s32 $0xFFFFC000  }
0x9a: {  	_ =	swait.ge [sflag:s31], $0x4000  }
0x9b: {  	[sflag:s31] =	ssyncset.done $0x0  }
0x9c: {  	[sflag:s31] =	ssyncadd.s32 $0xFFFFC000  }
0x9d: {  	_ =	strace $0x9000004A  }
0x9e: {  	s1 =	simm.s32 $0x0;
	_ =	strace $0x8000004B  }
0x9f: {  	v0 =	vld [tilespmem:s1+$0x8870]  }
0xa0: {  	v1 =	vld [tilespmem:s1+$0xA870]  }
0xa1: {  	v2 =	vld [tilespmem:s1+$0x8800]  }
0xa2: {  	v3 =	vld [tilespmem:s1+$0xC870]  }
0xa3: {  	v4 =	vld [tilespmem:s1+$0xA800]  }
0xa4: {  	v5 =	vld [tilespmem:s1+$0xE870]  }
0xa5: {  	v6 =	vld [tilespmem:s1+$0x8810]  }
0xa6: {  	v7 =	vld [tilespmem:s1+$0x8820]  }
0xa7: {  	v8 =	vld [tilespmem:s1+$0x8830]  }
0xa8: {  	v9 =	vld [tilespmem:s1+$0x8840]  }
0xa9: {  	v10 =	vld [tilespmem:s1+$0x8850]  }
0xaa: {  	v11 =	vld [tilespmem:s1+$0xA850]  }
0xab: {  	v53 =	vld [tilespmem:s1+$0x8860]  }
0xac: {  	v54 =	vld [tilespmem:s1+$0xA860]  }
0xad: {  	v55 =	vld [tilespmem:s1+$0xC800]  }
0xae: {  	v56 =	vld [tilespmem:s1+$0xC810]  }
0xaf: {  	v57 =	vld [tilespmem:s1+$0xC820];
	v0 =	vadd.f32 v1, v0  }
0xb0: {  	v58 =	vld [tilespmem:s1+$0xC830]  }
0xb1: {  	v59 =	vld [tilespmem:s1+$0xC840];
	v0 =	vadd.f32 v3, v0  }
0xb2: {  	v1 =	vld [tilespmem:s1+$0xA810]  }
0xb3: {  	v3 =	vld [tilespmem:s1+$0xA820];
	v0 =	vadd.f32 v5, v0  }
0xb4: {  	v5 =	vld [tilespmem:s1+$0xA830]  }
0xb5: {  	[tilespmem:s1+$0x1A870] =	vst v0;
	v0 =	vld [tilespmem:s1+$0xA840]  }
0xb6: {  	v60 =	vld [tilespmem:s1+$0xC850]  }
0xb7: {  	v61 =	vld [tilespmem:s1+$0xC860];
	v2 =	vadd.f32 v4, v2  }
0xb8: {  	v21 =	vld [tilespmem:s1+$0xE800];
	v1 =	vadd.f32 v1, v6;
	v3 =	vadd.f32 v3, v7  }
0xb9: {  	v22 =	vld [tilespmem:s1+$0xE810];
	v5 =	vadd.f32 v5, v8;
	v8 =	vadd.f32 v55, v2  }
0xba: {  	v23 =	vld [tilespmem:s1+$0xE820];
	v62 =	vadd.f32 v57, v3;
	v0 =	vadd.f32 v0, v9  }
0xbb: {  	v7 =	vld [tilespmem:s1+$0xE830];
	v9 =	vadd.f32 v11, v10;
	v10 =	vadd.f32 v54, v53  }
0xbc: {  	v4 =	vld [tilespmem:s1+$0xE840];
	v11 =	vadd.f32 v56, v1;
	v6 =	vadd.f32 v58, v5  }
0xbd: {  	v5 =	vld [tilespmem:s1+$0xE850];
	v63 =	vadd.f32 v21, v8;
	v2 =	vadd.f32 v59, v0  }
0xbe: {  	s23 =	simm.s32 $0x80;
	v8 =	vld [tilespmem:s1+$0xE860];
	v3 =	vadd.f32 v60, v9;
	v9 =	vadd.f32 v22, v11  }
0xbf: {  	s25 =	simm.s32 $0x400;
	v1 =	vld [tilespmem:s23+$0x8870];
	v0 =	vadd.f32 v61, v10;
	[tilespmem:s1+$0x1A800] =	vst v63;
	v10 =	vadd.f32 v23, v62  }
.LBB2_4:
0xc0: {  	p0 =	sne.s32 s25, $0x7E00;
	v11 =	vld [tilespmem:s23+$0xA870];
	[tilespmem:s1+$0x1A810] =	vst v9;
	v6 =	vadd.f32 v7, v6  }
0xc1: {  	v7 =	vld [tilespmem:s23+$0x8800];
	[tilespmem:s1+$0x1A820] =	vst v10;
	v2 =	vadd.f32 v4, v2  }
0xc2: {  	v4 =	vld [tilespmem:s23+$0xC870];
	[tilespmem:s1+$0x1A830] =	vst v6;
	v3 =	vadd.f32 v5, v3  }
0xc3: {  	v5 =	vld [tilespmem:s23+$0xA800];
	[tilespmem:s1+$0x1A840] =	vst v2;
	v0 =	vadd.f32 v8, v0  }
0xc4: {  	v2 =	vld [tilespmem:s23+$0xE870];
	[tilespmem:s1+$0x1A850] =	vst v3  }
0xc5: {  	v3 =	vld [tilespmem:s23+$0x8810];
	v1 =	vadd.f32 v11, v1;
	[tilespmem:s1+$0x1A860] =	vst v0;
	s1 =	smov.u32 s23  }
0xc6: {  	v0 =	vld [tilespmem:s1+$0xA810]  }
0xc7: {  	v6 =	vld [tilespmem:s1+$0x8820];
	v1 =	vadd.f32 v4, v1  }
0xc8: {  	v4 =	vadd.f32 v5, v7;
	v5 =	vld [tilespmem:s1+$0xA820]  }
0xc9: {  	v7 =	vld [tilespmem:s1+$0x8830];
	v1 =	vadd.f32 v2, v1  }
0xca: {  	v2 =	vld [tilespmem:s1+$0xA830]  }
0xcb: {  	v0 =	vadd.f32 v0, v3;
	v3 =	vld [tilespmem:s1+$0x8840];
	[tilespmem:s1+$0x1A870] =	vst v1  }
0xcc: {  	v1 =	vld [tilespmem:s1+$0xA840]  }
0xcd: {  	v5 =	vadd.f32 v5, v6;
	v6 =	vld [tilespmem:s1+$0x8850]  }
0xce: {  	v8 =	vld [tilespmem:s1+$0xA850]  }
0xcf: {  	v2 =	vadd.f32 v2, v7;
	v7 =	vld [tilespmem:s1+$0x8860]  }
0xd0: {  	v9 =	vld [tilespmem:s1+$0xA860]  }
0xd1: {  	v10 =	vld [tilespmem:s1+$0xC800];
	v1 =	vadd.f32 v1, v3  }
0xd2: {  	v3 =	vld [tilespmem:s1+$0xC810]  }
0xd3: {  	v11 =	vld [tilespmem:s1+$0xC820];
	v8 =	vadd.f32 v8, v6  }
0xd4: {  	v6 =	vld [tilespmem:s1+$0xC830]  }
0xd5: {  	v12 =	vld [tilespmem:s1+$0xC840];
	v9 =	vadd.f32 v9, v7  }
0xd6: {  	v10 =	vadd.f32 v10, v4;
	v4 =	vld [tilespmem:s1+$0xC850]  }
0xd7: {  	v13 =	vadd.f32 v3, v0;
	v0 =	vld [tilespmem:s1+$0xC860]  }
0xd8: {  	v14 =	vld [tilespmem:s1+$0xE800];
	v11 =	vadd.f32 v11, v5  }
0xd9: {  	v15 =	vld [tilespmem:s1+$0xE810];
	v6 =	vadd.f32 v6, v2  }
0xda: {  	v16 =	vld [tilespmem:s1+$0xE820];
	v2 =	vadd.f32 v12, v1  }
.Ltmp1:
0xdb: {  	v7 =	vld [tilespmem:s1+$0xE830];
	v3 =	vadd.f32 v4, v8;
	(pc) =	sbr.rel @p0 .LBB2_4-.Ltmp1, $4  }
0xdc: {  	v4 =	vld [tilespmem:s1+$0xE840];
	v0 =	vadd.f32 v0, v9  }
0xdd: {  	v10 =	vadd.f32 v14, v10;
	v5 =	vld [tilespmem:s1+$0xE850]  }
0xde: {  	s23 =	sshra.s32 s25, $0x2;
	v9 =	vadd.f32 v15, v13;
	v8 =	vld [tilespmem:s1+$0xE860]  }
0xdf: {  	s25 =	sadd.s32 $0x200, s25;
	v1 =	vld [tilespmem:s23+$0x8870];
	[tilespmem:s1+$0x1A800] =	vst v10;
	v10 =	vadd.f32 v16, v11  }
0xe0: {  	v11 =	vld [tilespmem:s23+$0xA870];
	[tilespmem:s1+$0x1A810] =	vst v9;
	v6 =	vadd.f32 v7, v6  }
0xe1: {  	v9 =	vld [tilespmem:s23+$0x8800];
	[tilespmem:s1+$0x1A820] =	vst v10;
	v2 =	vadd.f32 v4, v2  }
0xe2: {  	v7 =	vld [tilespmem:s23+$0xC870];
	[tilespmem:s1+$0x1A830] =	vst v6;
	v3 =	vadd.f32 v5, v3  }
0xe3: {  	v4 =	vld [tilespmem:s23+$0xA800];
	[tilespmem:s1+$0x1A840] =	vst v2;
	v0 =	vadd.f32 v8, v0  }
0xe4: {  	v2 =	vld [tilespmem:s23+$0xE870];
	[tilespmem:s1+$0x1A850] =	vst v3  }
0xe5: {  	v3 =	vld [tilespmem:s23+$0x8810];
	[tilespmem:s1+$0x1A860] =	vst v0  }
0xe6: {  	v0 =	vadd.f32 v11, v1;
	v1 =	vld [tilespmem:s23+$0xA810]  }
0xe7: {  	v5 =	vld [tilespmem:s23+$0x8820]  }
0xe8: {  	v6 =	vld [tilespmem:s23+$0xA820]  }
0xe9: {  	v8 =	vld [tilespmem:s23+$0x8840]  }
0xea: {  	v10 =	vld [tilespmem:s23+$0x8850]  }
0xeb: {  	v11 =	vld [tilespmem:s23+$0xA850]  }
0xec: {  	v12 =	vld [tilespmem:s23+$0x8860]  }
0xed: {  	v13 =	vld [tilespmem:s23+$0xA860]  }
0xee: {  	v14 =	vld [tilespmem:s23+$0xC800]  }
0xef: {  	v15 =	vld [tilespmem:s23+$0xC810]  }
0xf0: {  	v16 =	vld [tilespmem:s23+$0xC820]  }
0xf1: {  	v17 =	vld [tilespmem:s23+$0xC830]  }
0xf2: {  	v18 =	vld [tilespmem:s23+$0xC840];
	v0 =	vadd.f32 v7, v0  }
0xf3: {  	v19 =	vld [tilespmem:s23+$0xC850]  }
0xf4: {  	v20 =	vld [tilespmem:s23+$0xC860];
	v0 =	vadd.f32 v2, v0  }
0xf5: {  	v7 =	vld [tilespmem:s23+$0x8830]  }
0xf6: {  	[tilespmem:s23+$0x1A870] =	vst v0;
	v0 =	vld [tilespmem:s23+$0xA840]  }
0xf7: {  	v2 =	vld [tilespmem:s23+$0xA830]  }
0xf8: {  	v4 =	vadd.f32 v4, v9;
	v9 =	vld [tilespmem:s23+$0xE800];
	v1 =	vadd.f32 v1, v3  }
0xf9: {  	v3 =	vadd.f32 v6, v5;
	v5 =	vld [tilespmem:s23+$0xE810]  }
0xfa: {  	v6 =	vld [tilespmem:s23+$0xE820];
	v4 =	vadd.f32 v14, v4;
	v1 =	vadd.f32 v15, v1  }
0xfb: {  	v3 =	vadd.f32 v16, v3;
	v0 =	vadd.f32 v0, v8;
	v8 =	vld [tilespmem:s23+$0xE830]  }
0xfc: {  	v2 =	vadd.f32 v2, v7;
	v7 =	vadd.f32 v11, v10;
	v11 =	vld [tilespmem:s23+$0xE840]  }
0xfd: {  	v4 =	vadd.f32 v9, v4;
	v9 =	vld [tilespmem:s23+$0xE850];
	v10 =	vadd.f32 v13, v12  }
0xfe: {  	v2 =	vadd.f32 v17, v2;
	v1 =	vadd.f32 v5, v1;
	v5 =	vld [tilespmem:s23+$0xE860]  }
0xff: {  	[tilespmem:s23+$0x1A800] =	vst v4;
	v3 =	vadd.f32 v6, v3;
	v0 =	vadd.f32 v18, v0  }
0x100: {  	v4 =	vadd.f32 v19, v7;
	[tilespmem:s23+$0x1A810] =	vst v1;
	v1 =	vadd.f32 v8, v2  }
0x101: {  	[tilespmem:s23+$0x1A820] =	vst v3;
	v0 =	vadd.f32 v11, v0;
	v2 =	vadd.f32 v20, v10  }
0x102: {  	[tilespmem:s23+$0x1A830] =	vst v1;
	v1 =	vadd.f32 v9, v4  }
0x103: {  	[tilespmem:s23+$0x1A840] =	vst v0;
	v0 =	vadd.f32 v5, v2  }
0x104: {  	[tilespmem:s23+$0x1A850] =	vst v1  }
0x105: {  	[tilespmem:s23+$0x1A860] =	vst v0  }
0x106: {  	s25 =	simm.s32 $0x0;
	_ =	strace $0x9000004B  }
0x107: {  	[hbm4b:s6+s25] =	stream.linear.scatter [tilespmem:s0], [sflag:$0x5], $0x2000, $0x38;
	[tilespmem:$0x1E800] =	vst v63  }
0x108: {  	s23 =	simm.s32 $0x400  }
0x109: {  	[tilespmem:s19], [sflag:$0x2] =	stream.indirect.gather [hbm4b:s3+s15], $0x80, s23, s15, $0xb8;
	[tilespmem:$0x1E800] =	vst v63  }
0x10a: {  	s25 =	simm.s32 $0x480  }
0x10b: {  	[tilespmem:s21], [sflag:$0x2] =	stream.indirect.gather [hbm4b:s3+s15], $0x80, s25, s15, $0xb8;
	[tilespmem:$0x1E800] =	vst v63  }
0x10c: {  	_ =	strace $0x8000004C  }
0x10d: {  	_ =	swait.ge [sflag:s20], $0x4000  }
0x10e: {  	[sflag:s20] =	ssyncset.done $0x0  }
0x10f: {  	[sflag:s20] =	ssyncadd.s32 $0xFFFFC000  }
0x110: {  	_ =	swait.ge [sflag:s20], $0x4000  }
0x111: {  	[sflag:s20] =	ssyncset.done $0x0  }
0x112: {  	[sflag:s20] =	ssyncadd.s32 $0xFFFFC000  }
0x113: {  	_ =	strace $0x9000004C  }
0x114: {  	s1 =	simm.s32 $0x0;
	_ =	strace $0x8000004D  }
0x115: {  	v0 =	vld [tilespmem:s1+$0x10870]  }
0x116: {  	v1 =	vld [tilespmem:s1+$0x12870]  }
0x117: {  	v2 =	vld [tilespmem:s1+$0x10800]  }
0x118: {  	v3 =	vld [tilespmem:s1+$0x14870]  }
0x119: {  	v4 =	vld [tilespmem:s1+$0x12800]  }
0x11a: {  	v5 =	vld [tilespmem:s1+$0x16870]  }
0x11b: {  	v6 =	vld [tilespmem:s1+$0x10810]  }
0x11c: {  	v7 =	vld [tilespmem:s1+$0x10820]  }
0x11d: {  	v8 =	vld [tilespmem:s1+$0x10830]  }
0x11e: {  	v9 =	vld [tilespmem:s1+$0x10840]  }
0x11f: {  	v10 =	vld [tilespmem:s1+$0x10850]  }
0x120: {  	v11 =	vld [tilespmem:s1+$0x12850]  }
0x121: {  	v53 =	vld [tilespmem:s1+$0x10860]  }
0x122: {  	v54 =	vld [tilespmem:s1+$0x12860]  }
0x123: {  	v55 =	vld [tilespmem:s1+$0x14800]  }
0x124: {  	v56 =	vld [tilespmem:s1+$0x14810]  }
0x125: {  	v57 =	vld [tilespmem:s1+$0x14820];
	v0 =	vadd.f32 v1, v0  }
0x126: {  	v58 =	vld [tilespmem:s1+$0x14830]  }
0x127: {  	v59 =	vld [tilespmem:s1+$0x14840];
	v0 =	vadd.f32 v3, v0  }
0x128: {  	v1 =	vld [tilespmem:s1+$0x12810]  }
0x129: {  	v3 =	vld [tilespmem:s1+$0x12820];
	v0 =	vadd.f32 v5, v0  }
0x12a: {  	v5 =	vld [tilespmem:s1+$0x12830]  }
0x12b: {  	[tilespmem:s1+$0x1C870] =	vst v0;
	v0 =	vld [tilespmem:s1+$0x12840]  }
0x12c: {  	v60 =	vld [tilespmem:s1+$0x14850]  }
0x12d: {  	v61 =	vld [tilespmem:s1+$0x14860];
	v2 =	vadd.f32 v4, v2  }
0x12e: {  	v21 =	vld [tilespmem:s1+$0x16800];
	v1 =	vadd.f32 v1, v6;
	v3 =	vadd.f32 v3, v7  }
0x12f: {  	v22 =	vld [tilespmem:s1+$0x16810];
	v5 =	vadd.f32 v5, v8;
	v8 =	vadd.f32 v55, v2  }
0x130: {  	v23 =	vld [tilespmem:s1+$0x16820];
	v62 =	vadd.f32 v57, v3;
	v0 =	vadd.f32 v0, v9  }
0x131: {  	v7 =	vld [tilespmem:s1+$0x16830];
	v9 =	vadd.f32 v11, v10;
	v10 =	vadd.f32 v54, v53  }
0x132: {  	v4 =	vld [tilespmem:s1+$0x16840];
	v11 =	vadd.f32 v56, v1;
	v6 =	vadd.f32 v58, v5  }
0x133: {  	v5 =	vld [tilespmem:s1+$0x16850];
	v63 =	vadd.f32 v21, v8;
	v2 =	vadd.f32 v59, v0  }
0x134: {  	s23 =	simm.s32 $0x80;
	v8 =	vld [tilespmem:s1+$0x16860];
	v3 =	vadd.f32 v60, v9;
	v9 =	vadd.f32 v22, v11  }
0x135: {  	s25 =	simm.s32 $0x400;
	v1 =	vld [tilespmem:s23+$0x10870];
	v0 =	vadd.f32 v61, v10;
	[tilespmem:s1+$0x1C800] =	vst v63;
	v10 =	vadd.f32 v23, v62  }
.LBB2_6:
0x136: {  	p0 =	sne.s32 s25, $0x7E00;
	v11 =	vld [tilespmem:s23+$0x12870];
	[tilespmem:s1+$0x1C810] =	vst v9;
	v6 =	vadd.f32 v7, v6  }
0x137: {  	v7 =	vld [tilespmem:s23+$0x10800];
	[tilespmem:s1+$0x1C820] =	vst v10;
	v2 =	vadd.f32 v4, v2  }
0x138: {  	v4 =	vld [tilespmem:s23+$0x14870];
	[tilespmem:s1+$0x1C830] =	vst v6;
	v3 =	vadd.f32 v5, v3  }
0x139: {  	v5 =	vld [tilespmem:s23+$0x12800];
	[tilespmem:s1+$0x1C840] =	vst v2;
	v0 =	vadd.f32 v8, v0  }
0x13a: {  	v2 =	vld [tilespmem:s23+$0x16870];
	[tilespmem:s1+$0x1C850] =	vst v3  }
0x13b: {  	v3 =	vld [tilespmem:s23+$0x10810];
	v1 =	vadd.f32 v11, v1;
	[tilespmem:s1+$0x1C860] =	vst v0;
	s1 =	smov.u32 s23  }
0x13c: {  	v0 =	vld [tilespmem:s1+$0x12810]  }
0x13d: {  	v6 =	vld [tilespmem:s1+$0x10820];
	v1 =	vadd.f32 v4, v1  }
0x13e: {  	v4 =	vadd.f32 v5, v7;
	v5 =	vld [tilespmem:s1+$0x12820]  }
0x13f: {  	v7 =	vld [tilespmem:s1+$0x10830];
	v1 =	vadd.f32 v2, v1  }
0x140: {  	v2 =	vld [tilespmem:s1+$0x12830]  }
0x141: {  	v0 =	vadd.f32 v0, v3;
	v3 =	vld [tilespmem:s1+$0x10840];
	[tilespmem:s1+$0x1C870] =	vst v1  }
0x142: {  	v1 =	vld [tilespmem:s1+$0x12840]  }
0x143: {  	v5 =	vadd.f32 v5, v6;
	v6 =	vld [tilespmem:s1+$0x10850]  }
0x144: {  	v8 =	vld [tilespmem:s1+$0x12850]  }
0x145: {  	v2 =	vadd.f32 v2, v7;
	v7 =	vld [tilespmem:s1+$0x10860]  }
0x146: {  	v9 =	vld [tilespmem:s1+$0x12860]  }
0x147: {  	v10 =	vld [tilespmem:s1+$0x14800];
	v1 =	vadd.f32 v1, v3  }
0x148: {  	v3 =	vld [tilespmem:s1+$0x14810]  }
0x149: {  	v11 =	vld [tilespmem:s1+$0x14820];
	v8 =	vadd.f32 v8, v6  }
0x14a: {  	v6 =	vld [tilespmem:s1+$0x14830]  }
0x14b: {  	v12 =	vld [tilespmem:s1+$0x14840];
	v9 =	vadd.f32 v9, v7  }
0x14c: {  	v10 =	vadd.f32 v10, v4;
	v4 =	vld [tilespmem:s1+$0x14850]  }
0x14d: {  	v13 =	vadd.f32 v3, v0;
	v0 =	vld [tilespmem:s1+$0x14860]  }
0x14e: {  	v14 =	vld [tilespmem:s1+$0x16800];
	v11 =	vadd.f32 v11, v5  }
0x14f: {  	v15 =	vld [tilespmem:s1+$0x16810];
	v6 =	vadd.f32 v6, v2  }
0x150: {  	v16 =	vld [tilespmem:s1+$0x16820];
	v2 =	vadd.f32 v12, v1  }
.Ltmp2:
0x151: {  	v7 =	vld [tilespmem:s1+$0x16830];
	v3 =	vadd.f32 v4, v8;
	(pc) =	sbr.rel @p0 .LBB2_6-.Ltmp2, $4  }
0x152: {  	v4 =	vld [tilespmem:s1+$0x16840];
	v0 =	vadd.f32 v0, v9  }
0x153: {  	v10 =	vadd.f32 v14, v10;
	v5 =	vld [tilespmem:s1+$0x16850]  }
0x154: {  	s23 =	sshra.s32 s25, $0x2;
	v9 =	vadd.f32 v15, v13;
	v8 =	vld [tilespmem:s1+$0x16860]  }
0x155: {  	s25 =	sadd.s32 $0x200, s25;
	v1 =	vld [tilespmem:s23+$0x10870];
	[tilespmem:s1+$0x1C800] =	vst v10;
	v10 =	vadd.f32 v16, v11  }
0x156: {  	v11 =	vld [tilespmem:s23+$0x12870];
	[tilespmem:s1+$0x1C810] =	vst v9;
	v6 =	vadd.f32 v7, v6  }
0x157: {  	v9 =	vld [tilespmem:s23+$0x10800];
	[tilespmem:s1+$0x1C820] =	vst v10;
	v2 =	vadd.f32 v4, v2  }
0x158: {  	v7 =	vld [tilespmem:s23+$0x14870];
	[tilespmem:s1+$0x1C830] =	vst v6;
	v3 =	vadd.f32 v5, v3  }
0x159: {  	v4 =	vld [tilespmem:s23+$0x12800];
	[tilespmem:s1+$0x1C840] =	vst v2;
	v0 =	vadd.f32 v8, v0  }
0x15a: {  	v2 =	vld [tilespmem:s23+$0x16870];
	[tilespmem:s1+$0x1C850] =	vst v3  }
0x15b: {  	v3 =	vld [tilespmem:s23+$0x10810];
	[tilespmem:s1+$0x1C860] =	vst v0  }
0x15c: {  	v0 =	vadd.f32 v11, v1;
	v1 =	vld [tilespmem:s23+$0x12810]  }
0x15d: {  	v5 =	vld [tilespmem:s23+$0x10820]  }
0x15e: {  	v6 =	vld [tilespmem:s23+$0x12820]  }
0x15f: {  	v8 =	vld [tilespmem:s23+$0x10840]  }
0x160: {  	v10 =	vld [tilespmem:s23+$0x10850]  }
0x161: {  	v11 =	vld [tilespmem:s23+$0x12850]  }
0x162: {  	v12 =	vld [tilespmem:s23+$0x10860]  }
0x163: {  	v13 =	vld [tilespmem:s23+$0x12860]  }
0x164: {  	v14 =	vld [tilespmem:s23+$0x14800]  }
0x165: {  	v15 =	vld [tilespmem:s23+$0x14810]  }
0x166: {  	v16 =	vld [tilespmem:s23+$0x14820]  }
0x167: {  	v17 =	vld [tilespmem:s23+$0x14830]  }
0x168: {  	v18 =	vld [tilespmem:s23+$0x14840];
	v0 =	vadd.f32 v7, v0  }
0x169: {  	v19 =	vld [tilespmem:s23+$0x14850]  }
0x16a: {  	v20 =	vld [tilespmem:s23+$0x14860];
	v0 =	vadd.f32 v2, v0  }
0x16b: {  	v7 =	vld [tilespmem:s23+$0x10830]  }
0x16c: {  	[tilespmem:s23+$0x1C870] =	vst v0;
	v0 =	vld [tilespmem:s23+$0x12840]  }
0x16d: {  	v2 =	vld [tilespmem:s23+$0x12830]  }
0x16e: {  	v4 =	vadd.f32 v4, v9;
	v9 =	vld [tilespmem:s23+$0x16800];
	v1 =	vadd.f32 v1, v3  }
0x16f: {  	v3 =	vadd.f32 v6, v5;
	v5 =	vld [tilespmem:s23+$0x16810]  }
0x170: {  	v6 =	vld [tilespmem:s23+$0x16820];
	v4 =	vadd.f32 v14, v4;
	v1 =	vadd.f32 v15, v1  }
0x171: {  	v3 =	vadd.f32 v16, v3;
	v0 =	vadd.f32 v0, v8;
	v8 =	vld [tilespmem:s23+$0x16830]  }
0x172: {  	v2 =	vadd.f32 v2, v7;
	v7 =	vadd.f32 v11, v10;
	v11 =	vld [tilespmem:s23+$0x16840]  }
0x173: {  	v4 =	vadd.f32 v9, v4;
	v9 =	vld [tilespmem:s23+$0x16850];
	v10 =	vadd.f32 v13, v12  }
0x174: {  	v2 =	vadd.f32 v17, v2;
	v1 =	vadd.f32 v5, v1;
	v5 =	vld [tilespmem:s23+$0x16860]  }
0x175: {  	[tilespmem:s23+$0x1C800] =	vst v4;
	v3 =	vadd.f32 v6, v3;
	v0 =	vadd.f32 v18, v0  }
0x176: {  	v4 =	vadd.f32 v19, v7;
	[tilespmem:s23+$0x1C810] =	vst v1;
	v1 =	vadd.f32 v8, v2  }
0x177: {  	[tilespmem:s23+$0x1C820] =	vst v3;
	v0 =	vadd.f32 v11, v0;
	v2 =	vadd.f32 v20, v10  }
0x178: {  	[tilespmem:s23+$0x1C830] =	vst v1;
	v1 =	vadd.f32 v9, v4  }
0x179: {  	[tilespmem:s23+$0x1C840] =	vst v0;
	v0 =	vadd.f32 v5, v2  }
0x17a: {  	[tilespmem:s23+$0x1C850] =	vst v1  }
0x17b: {  	[tilespmem:s23+$0x1C860] =	vst v0  }
0x17c: {  	s25 =	simm.s32 $0x0;
	_ =	strace $0x9000004D  }
0x17d: {  	[hbm4b:s7+s25] =	stream.linear.scatter [tilespmem:s22], [sflag:$0x6], $0x2000, $0x38;
	[tilespmem:$0x1E800] =	vst v63  }
0x17e: {  	s23 =	simm.s32 $0x10800;
	s25 =	simm.s32 $0x500  }
0x17f: {  	[tilespmem:s23], [sflag:$0x3] =	stream.indirect.gather [hbm4b:s3+s15], $0x80, s25, s15, $0xb8;
	[tilespmem:$0x1E800] =	vst v63  }
0x180: {  	s23 =	simm.s32 $0x14800;
	s25 =	simm.s32 $0x580  }
0x181: {  	[tilespmem:s23], [sflag:$0x3] =	stream.indirect.gather [hbm4b:s3+s15], $0x80, s25, s15, $0xb8;
	[tilespmem:$0x1E800] =	vst v63  }
0x182: {  	_ =	strace $0x8000004E  }
0x183: {  	_ =	swait.ge [sflag:s26], $0x4000  }
0x184: {  	[sflag:s26] =	ssyncset.done $0x0  }
0x185: {  	[sflag:s26] =	ssyncadd.s32 $0xFFFFC000  }
0x186: {  	_ =	swait.ge [sflag:s26], $0x4000  }
0x187: {  	[sflag:s26] =	ssyncset.done $0x0  }
0x188: {  	[sflag:s26] =	ssyncadd.s32 $0xFFFFC000  }
0x189: {  	_ =	strace $0x9000004E  }
0x18a: {  	_ =	strace $0x8000004F  }
0x18b: {  	_ =	swait.ge [sflag:s30], $0x2000  }
0x18c: {  	[sflag:s30] =	ssyncset.done $0x0  }
0x18d: {  	[sflag:s30] =	ssyncadd.s32 $0xFFFFE000  }
0x18e: {  	_ =	strace $0x9000004F  }
0x18f: {  	s1 =	simm.s32 $0x0;
	_ =	strace $0x80000050  }
0x190: {  	v0 =	vld [tilespmem:s1+$0x870]  }
0x191: {  	v1 =	vld [tilespmem:s1+$0x2870]  }
0x192: {  	v2 =	vld [tilespmem:s1+$0x800]  }
0x193: {  	v3 =	vld [tilespmem:s1+$0x4870]  }
0x194: {  	v4 =	vld [tilespmem:s1+$0x2800]  }
0x195: {  	v5 =	vld [tilespmem:s1+$0x6870]  }
0x196: {  	v6 =	vld [tilespmem:s1+$0x810]  }
0x197: {  	v7 =	vld [tilespmem:s1+$0x820]  }
0x198: {  	v8 =	vld [tilespmem:s1+$0x830]  }
0x199: {  	v9 =	vld [tilespmem:s1+$0x840]  }
0x19a: {  	v10 =	vld [tilespmem:s1+$0x850]  }
0x19b: {  	v11 =	vld [tilespmem:s1+$0x2850]  }
0x19c: {  	v53 =	vld [tilespmem:s1+$0x860]  }
0x19d: {  	v54 =	vld [tilespmem:s1+$0x2860]  }
0x19e: {  	v55 =	vld [tilespmem:s1+$0x4800]  }
0x19f: {  	v56 =	vld [tilespmem:s1+$0x4810]  }
0x1a0: {  	v57 =	vld [tilespmem:s1+$0x4820];
	v0 =	vadd.f32 v1, v0  }
0x1a1: {  	v58 =	vld [tilespmem:s1+$0x4830]  }
0x1a2: {  	v59 =	vld [tilespmem:s1+$0x4840];
	v0 =	vadd.f32 v3, v0  }
0x1a3: {  	v1 =	vld [tilespmem:s1+$0x2810]  }
0x1a4: {  	v3 =	vld [tilespmem:s1+$0x2820];
	v0 =	vadd.f32 v5, v0  }
0x1a5: {  	v5 =	vld [tilespmem:s1+$0x2830]  }
0x1a6: {  	[tilespmem:s1+$0x18870] =	vst v0;
	v0 =	vld [tilespmem:s1+$0x2840]  }
0x1a7: {  	v60 =	vld [tilespmem:s1+$0x4850]  }
0x1a8: {  	v61 =	vld [tilespmem:s1+$0x4860];
	v2 =	vadd.f32 v4, v2  }
0x1a9: {  	v21 =	vld [tilespmem:s1+$0x6800];
	v1 =	vadd.f32 v1, v6;
	v3 =	vadd.f32 v3, v7  }
0x1aa: {  	v22 =	vld [tilespmem:s1+$0x6810];
	v5 =	vadd.f32 v5, v8;
	v8 =	vadd.f32 v55, v2  }
0x1ab: {  	v23 =	vld [tilespmem:s1+$0x6820];
	v62 =	vadd.f32 v57, v3;
	v0 =	vadd.f32 v0, v9  }
0x1ac: {  	v7 =	vld [tilespmem:s1+$0x6830];
	v9 =	vadd.f32 v11, v10;
	v10 =	vadd.f32 v54, v53  }
0x1ad: {  	v4 =	vld [tilespmem:s1+$0x6840];
	v11 =	vadd.f32 v56, v1;
	v6 =	vadd.f32 v58, v5  }
0x1ae: {  	v5 =	vld [tilespmem:s1+$0x6850];
	v63 =	vadd.f32 v21, v8;
	v2 =	vadd.f32 v59, v0  }
0x1af: {  	s23 =	simm.s32 $0x80;
	v8 =	vld [tilespmem:s1+$0x6860];
	v3 =	vadd.f32 v60, v9;
	v9 =	vadd.f32 v22, v11  }
0x1b0: {  	s25 =	simm.s32 $0x400;
	v1 =	vld [tilespmem:s23+$0x870];
	v0 =	vadd.f32 v61, v10;
	[tilespmem:s1+$0x18800] =	vst v63;
	v10 =	vadd.f32 v23, v62  }
.LBB2_8:
0x1b1: {  	p0 =	sne.s32 s25, $0x7E00;
	v11 =	vld [tilespmem:s23+$0x2870];
	[tilespmem:s1+$0x18810] =	vst v9;
	v6 =	vadd.f32 v7, v6  }
0x1b2: {  	v7 =	vld [tilespmem:s23+$0x800];
	[tilespmem:s1+$0x18820] =	vst v10;
	v2 =	vadd.f32 v4, v2  }
0x1b3: {  	v4 =	vld [tilespmem:s23+$0x4870];
	[tilespmem:s1+$0x18830] =	vst v6;
	v3 =	vadd.f32 v5, v3  }
0x1b4: {  	v5 =	vld [tilespmem:s23+$0x2800];
	[tilespmem:s1+$0x18840] =	vst v2;
	v0 =	vadd.f32 v8, v0  }
0x1b5: {  	v2 =	vld [tilespmem:s23+$0x6870];
	[tilespmem:s1+$0x18850] =	vst v3  }
0x1b6: {  	v3 =	vld [tilespmem:s23+$0x810];
	v1 =	vadd.f32 v11, v1;
	[tilespmem:s1+$0x18860] =	vst v0;
	s1 =	smov.u32 s23  }
0x1b7: {  	v0 =	vld [tilespmem:s1+$0x2810]  }
0x1b8: {  	v6 =	vld [tilespmem:s1+$0x820];
	v1 =	vadd.f32 v4, v1  }
0x1b9: {  	v4 =	vadd.f32 v5, v7;
	v5 =	vld [tilespmem:s1+$0x2820]  }
0x1ba: {  	v7 =	vld [tilespmem:s1+$0x830];
	v1 =	vadd.f32 v2, v1  }
0x1bb: {  	v2 =	vld [tilespmem:s1+$0x2830]  }
0x1bc: {  	v0 =	vadd.f32 v0, v3;
	v3 =	vld [tilespmem:s1+$0x840];
	[tilespmem:s1+$0x18870] =	vst v1  }
0x1bd: {  	v1 =	vld [tilespmem:s1+$0x2840]  }
0x1be: {  	v5 =	vadd.f32 v5, v6;
	v6 =	vld [tilespmem:s1+$0x850]  }
0x1bf: {  	v8 =	vld [tilespmem:s1+$0x2850]  }
0x1c0: {  	v2 =	vadd.f32 v2, v7;
	v7 =	vld [tilespmem:s1+$0x860]  }
0x1c1: {  	v9 =	vld [tilespmem:s1+$0x2860]  }
0x1c2: {  	v10 =	vld [tilespmem:s1+$0x4800];
	v1 =	vadd.f32 v1, v3  }
0x1c3: {  	v3 =	vld [tilespmem:s1+$0x4810]  }
0x1c4: {  	v11 =	vld [tilespmem:s1+$0x4820];
	v8 =	vadd.f32 v8, v6  }
0x1c5: {  	v6 =	vld [tilespmem:s1+$0x4830]  }
0x1c6: {  	v12 =	vld [tilespmem:s1+$0x4840];
	v9 =	vadd.f32 v9, v7  }
0x1c7: {  	v10 =	vadd.f32 v10, v4;
	v4 =	vld [tilespmem:s1+$0x4850]  }
0x1c8: {  	v13 =	vadd.f32 v3, v0;
	v0 =	vld [tilespmem:s1+$0x4860]  }
0x1c9: {  	v14 =	vld [tilespmem:s1+$0x6800];
	v11 =	vadd.f32 v11, v5  }
0x1ca: {  	v15 =	vld [tilespmem:s1+$0x6810];
	v6 =	vadd.f32 v6, v2  }
0x1cb: {  	v16 =	vld [tilespmem:s1+$0x6820];
	v2 =	vadd.f32 v12, v1  }
.Ltmp3:
0x1cc: {  	v7 =	vld [tilespmem:s1+$0x6830];
	v3 =	vadd.f32 v4, v8;
	(pc) =	sbr.rel @p0 .LBB2_8-.Ltmp3, $4  }
0x1cd: {  	v4 =	vld [tilespmem:s1+$0x6840];
	v0 =	vadd.f32 v0, v9  }
0x1ce: {  	v10 =	vadd.f32 v14, v10;
	v5 =	vld [tilespmem:s1+$0x6850]  }
0x1cf: {  	s23 =	sshra.s32 s25, $0x2;
	v9 =	vadd.f32 v15, v13;
	v8 =	vld [tilespmem:s1+$0x6860]  }
0x1d0: {  	s25 =	sadd.s32 $0x200, s25;
	v1 =	vld [tilespmem:s23+$0x870];
	[tilespmem:s1+$0x18800] =	vst v10;
	v10 =	vadd.f32 v16, v11  }
0x1d1: {  	v11 =	vld [tilespmem:s23+$0x2870];
	[tilespmem:s1+$0x18810] =	vst v9;
	v6 =	vadd.f32 v7, v6  }
0x1d2: {  	v9 =	vld [tilespmem:s23+$0x800];
	[tilespmem:s1+$0x18820] =	vst v10;
	v2 =	vadd.f32 v4, v2  }
0x1d3: {  	v7 =	vld [tilespmem:s23+$0x4870];
	[tilespmem:s1+$0x18830] =	vst v6;
	v3 =	vadd.f32 v5, v3  }
0x1d4: {  	v4 =	vld [tilespmem:s23+$0x2800];
	[tilespmem:s1+$0x18840] =	vst v2;
	v0 =	vadd.f32 v8, v0  }
0x1d5: {  	v2 =	vld [tilespmem:s23+$0x6870];
	[tilespmem:s1+$0x18850] =	vst v3  }
0x1d6: {  	v3 =	vld [tilespmem:s23+$0x810];
	[tilespmem:s1+$0x18860] =	vst v0  }
0x1d7: {  	v0 =	vadd.f32 v11, v1;
	v1 =	vld [tilespmem:s23+$0x2810]  }
0x1d8: {  	v5 =	vld [tilespmem:s23+$0x820]  }
0x1d9: {  	v6 =	vld [tilespmem:s23+$0x2820]  }
0x1da: {  	v8 =	vld [tilespmem:s23+$0x840]  }
0x1db: {  	v10 =	vld [tilespmem:s23+$0x850]  }
0x1dc: {  	v11 =	vld [tilespmem:s23+$0x2850]  }
0x1dd: {  	v12 =	vld [tilespmem:s23+$0x860]  }
0x1de: {  	v13 =	vld [tilespmem:s23+$0x2860]  }
0x1df: {  	v14 =	vld [tilespmem:s23+$0x4800]  }
0x1e0: {  	v15 =	vld [tilespmem:s23+$0x4810]  }
0x1e1: {  	v16 =	vld [tilespmem:s23+$0x4820]  }
0x1e2: {  	v17 =	vld [tilespmem:s23+$0x4830]  }
0x1e3: {  	v18 =	vld [tilespmem:s23+$0x4840];
	v0 =	vadd.f32 v7, v0  }
0x1e4: {  	v19 =	vld [tilespmem:s23+$0x4850]  }
0x1e5: {  	v20 =	vld [tilespmem:s23+$0x4860];
	v0 =	vadd.f32 v2, v0  }
0x1e6: {  	v7 =	vld [tilespmem:s23+$0x830]  }
0x1e7: {  	[tilespmem:s23+$0x18870] =	vst v0;
	v0 =	vld [tilespmem:s23+$0x2840]  }
0x1e8: {  	v2 =	vld [tilespmem:s23+$0x2830]  }
0x1e9: {  	v4 =	vadd.f32 v4, v9;
	v9 =	vld [tilespmem:s23+$0x6800];
	v1 =	vadd.f32 v1, v3  }
0x1ea: {  	v3 =	vadd.f32 v6, v5;
	v5 =	vld [tilespmem:s23+$0x6810]  }
0x1eb: {  	v6 =	vld [tilespmem:s23+$0x6820];
	v4 =	vadd.f32 v14, v4;
	v1 =	vadd.f32 v15, v1  }
0x1ec: {  	v3 =	vadd.f32 v16, v3;
	v0 =	vadd.f32 v0, v8;
	v8 =	vld [tilespmem:s23+$0x6830]  }
0x1ed: {  	v2 =	vadd.f32 v2, v7;
	v7 =	vadd.f32 v11, v10;
	v11 =	vld [tilespmem:s23+$0x6840]  }
0x1ee: {  	v4 =	vadd.f32 v9, v4;
	v9 =	vld [tilespmem:s23+$0x6850];
	v10 =	vadd.f32 v13, v12  }
0x1ef: {  	v2 =	vadd.f32 v17, v2;
	v1 =	vadd.f32 v5, v1;
	v5 =	vld [tilespmem:s23+$0x6860]  }
0x1f0: {  	[tilespmem:s23+$0x18800] =	vst v4;
	v3 =	vadd.f32 v6, v3;
	v0 =	vadd.f32 v18, v0  }
0x1f1: {  	v4 =	vadd.f32 v19, v7;
	[tilespmem:s23+$0x18810] =	vst v1;
	v1 =	vadd.f32 v8, v2  }
0x1f2: {  	[tilespmem:s23+$0x18820] =	vst v3;
	v0 =	vadd.f32 v11, v0;
	v2 =	vadd.f32 v20, v10  }
0x1f3: {  	[tilespmem:s23+$0x18830] =	vst v1;
	v1 =	vadd.f32 v9, v4  }
0x1f4: {  	[tilespmem:s23+$0x18840] =	vst v0;
	v0 =	vadd.f32 v5, v2  }
0x1f5: {  	[tilespmem:s23+$0x18850] =	vst v1  }
0x1f6: {  	[tilespmem:s23+$0x18860] =	vst v0  }
0x1f7: {  	s25 =	simm.s32 $0x0;
	_ =	strace $0x90000050  }
0x1f8: {  	[hbm4b:s8+s25] =	stream.linear.scatter [tilespmem:s28], [sflag:$0x4], $0x2000, $0x38;
	[tilespmem:$0x1E800] =	vst v63  }
0x1f9: {  	s23 =	simm.s32 $0x600  }
0x1fa: {  	[tilespmem:s16], [sflag:$0x1] =	stream.indirect.gather [hbm4b:s3+s15], $0x80, s23, s15, $0xb8;
	[tilespmem:$0x1E800] =	vst v63  }
0x1fb: {  	s25 =	simm.s32 $0x680  }
0x1fc: {  	[tilespmem:s17], [sflag:$0x1] =	stream.indirect.gather [hbm4b:s3+s15], $0x80, s25, s15, $0xb8;
	[tilespmem:$0x1E800] =	vst v63  }
0x1fd: {  	_ =	strace $0x80000051  }
0x1fe: {  	_ =	swait.ge [sflag:s31], $0x4000  }
0x1ff: {  	[sflag:s31] =	ssyncset.done $0x0  }
0x200: {  	[sflag:s31] =	ssyncadd.s32 $0xFFFFC000  }
0x201: {  	_ =	swait.ge [sflag:s31], $0x4000  }
0x202: {  	[sflag:s31] =	ssyncset.done $0x0  }
0x203: {  	[sflag:s31] =	ssyncadd.s32 $0xFFFFC000  }
0x204: {  	_ =	strace $0x90000051  }
0x205: {  	_ =	strace $0x80000052  }
0x206: {  	_ =	swait.ge [sflag:s24], $0x2000  }
0x207: {  	[sflag:s24] =	ssyncset.done $0x0  }
0x208: {  	[sflag:s24] =	ssyncadd.s32 $0xFFFFE000  }
0x209: {  	_ =	strace $0x90000052  }
0x20a: {  	s1 =	simm.s32 $0x0;
	_ =	strace $0x80000053  }
0x20b: {  	v0 =	vld [tilespmem:s1+$0x8870]  }
0x20c: {  	v1 =	vld [tilespmem:s1+$0xA870]  }
0x20d: {  	v2 =	vld [tilespmem:s1+$0x8800]  }
0x20e: {  	v3 =	vld [tilespmem:s1+$0xC870]  }
0x20f: {  	v4 =	vld [tilespmem:s1+$0xA800]  }
0x210: {  	v5 =	vld [tilespmem:s1+$0xE870]  }
0x211: {  	v6 =	vld [tilespmem:s1+$0x8810]  }
0x212: {  	v7 =	vld [tilespmem:s1+$0x8820]  }
0x213: {  	v8 =	vld [tilespmem:s1+$0x8830]  }
0x214: {  	v9 =	vld [tilespmem:s1+$0x8840]  }
0x215: {  	v10 =	vld [tilespmem:s1+$0x8850]  }
0x216: {  	v11 =	vld [tilespmem:s1+$0xA850]  }
0x217: {  	v53 =	vld [tilespmem:s1+$0x8860]  }
0x218: {  	v54 =	vld [tilespmem:s1+$0xA860]  }
0x219: {  	v55 =	vld [tilespmem:s1+$0xC800]  }
0x21a: {  	v56 =	vld [tilespmem:s1+$0xC810]  }
0x21b: {  	v57 =	vld [tilespmem:s1+$0xC820];
	v0 =	vadd.f32 v1, v0  }
0x21c: {  	v58 =	vld [tilespmem:s1+$0xC830]  }
0x21d: {  	v59 =	vld [tilespmem:s1+$0xC840];
	v0 =	vadd.f32 v3, v0  }
0x21e: {  	v1 =	vld [tilespmem:s1+$0xA810]  }
0x21f: {  	v3 =	vld [tilespmem:s1+$0xA820];
	v0 =	vadd.f32 v5, v0  }
0x220: {  	v5 =	vld [tilespmem:s1+$0xA830]  }
0x221: {  	[tilespmem:s1+$0x1A870] =	vst v0;
	v0 =	vld [tilespmem:s1+$0xA840]  }
0x222: {  	v60 =	vld [tilespmem:s1+$0xC850]  }
0x223: {  	v61 =	vld [tilespmem:s1+$0xC860];
	v2 =	vadd.f32 v4, v2  }
0x224: {  	v21 =	vld [tilespmem:s1+$0xE800];
	v1 =	vadd.f32 v1, v6;
	v3 =	vadd.f32 v3, v7  }
0x225: {  	v22 =	vld [tilespmem:s1+$0xE810];
	v5 =	vadd.f32 v5, v8;
	v8 =	vadd.f32 v55, v2  }
0x226: {  	v23 =	vld [tilespmem:s1+$0xE820];
	v62 =	vadd.f32 v57, v3;
	v0 =	vadd.f32 v0, v9  }
0x227: {  	v7 =	vld [tilespmem:s1+$0xE830];
	v9 =	vadd.f32 v11, v10;
	v10 =	vadd.f32 v54, v53  }
0x228: {  	v4 =	vld [tilespmem:s1+$0xE840];
	v11 =	vadd.f32 v56, v1;
	v6 =	vadd.f32 v58, v5  }
0x229: {  	v5 =	vld [tilespmem:s1+$0xE850];
	v63 =	vadd.f32 v21, v8;
	v2 =	vadd.f32 v59, v0  }
0x22a: {  	s23 =	simm.s32 $0x80;
	v8 =	vld [tilespmem:s1+$0xE860];
	v3 =	vadd.f32 v60, v9;
	v9 =	vadd.f32 v22, v11  }
0x22b: {  	s25 =	simm.s32 $0x400;
	v1 =	vld [tilespmem:s23+$0x8870];
	v0 =	vadd.f32 v61, v10;
	[tilespmem:s1+$0x1A800] =	vst v63;
	v10 =	vadd.f32 v23, v62  }
.LBB2_10:
0x22c: {  	p0 =	sne.s32 s25, $0x7E00;
	v11 =	vld [tilespmem:s23+$0xA870];
	[tilespmem:s1+$0x1A810] =	vst v9;
	v6 =	vadd.f32 v7, v6  }
0x22d: {  	v7 =	vld [tilespmem:s23+$0x8800];
	[tilespmem:s1+$0x1A820] =	vst v10;
	v2 =	vadd.f32 v4, v2  }
0x22e: {  	v4 =	vld [tilespmem:s23+$0xC870];
	[tilespmem:s1+$0x1A830] =	vst v6;
	v3 =	vadd.f32 v5, v3  }
0x22f: {  	v5 =	vld [tilespmem:s23+$0xA800];
	[tilespmem:s1+$0x1A840] =	vst v2;
	v0 =	vadd.f32 v8, v0  }
0x230: {  	v2 =	vld [tilespmem:s23+$0xE870];
	[tilespmem:s1+$0x1A850] =	vst v3  }
0x231: {  	v3 =	vld [tilespmem:s23+$0x8810];
	v1 =	vadd.f32 v11, v1;
	[tilespmem:s1+$0x1A860] =	vst v0;
	s1 =	smov.u32 s23  }
0x232: {  	v0 =	vld [tilespmem:s1+$0xA810]  }
0x233: {  	v6 =	vld [tilespmem:s1+$0x8820];
	v1 =	vadd.f32 v4, v1  }
0x234: {  	v4 =	vadd.f32 v5, v7;
	v5 =	vld [tilespmem:s1+$0xA820]  }
0x235: {  	v7 =	vld [tilespmem:s1+$0x8830];
	v1 =	vadd.f32 v2, v1  }
0x236: {  	v2 =	vld [tilespmem:s1+$0xA830]  }
0x237: {  	v0 =	vadd.f32 v0, v3;
	v3 =	vld [tilespmem:s1+$0x8840];
	[tilespmem:s1+$0x1A870] =	vst v1  }
0x238: {  	v1 =	vld [tilespmem:s1+$0xA840]  }
0x239: {  	v5 =	vadd.f32 v5, v6;
	v6 =	vld [tilespmem:s1+$0x8850]  }
0x23a: {  	v8 =	vld [tilespmem:s1+$0xA850]  }
0x23b: {  	v2 =	vadd.f32 v2, v7;
	v7 =	vld [tilespmem:s1+$0x8860]  }
0x23c: {  	v9 =	vld [tilespmem:s1+$0xA860]  }
0x23d: {  	v10 =	vld [tilespmem:s1+$0xC800];
	v1 =	vadd.f32 v1, v3  }
0x23e: {  	v3 =	vld [tilespmem:s1+$0xC810]  }
0x23f: {  	v11 =	vld [tilespmem:s1+$0xC820];
	v8 =	vadd.f32 v8, v6  }
0x240: {  	v6 =	vld [tilespmem:s1+$0xC830]  }
0x241: {  	v12 =	vld [tilespmem:s1+$0xC840];
	v9 =	vadd.f32 v9, v7  }
0x242: {  	v10 =	vadd.f32 v10, v4;
	v4 =	vld [tilespmem:s1+$0xC850]  }
0x243: {  	v13 =	vadd.f32 v3, v0;
	v0 =	vld [tilespmem:s1+$0xC860]  }
0x244: {  	v14 =	vld [tilespmem:s1+$0xE800];
	v11 =	vadd.f32 v11, v5  }
0x245: {  	v15 =	vld [tilespmem:s1+$0xE810];
	v6 =	vadd.f32 v6, v2  }
0x246: {  	v16 =	vld [tilespmem:s1+$0xE820];
	v2 =	vadd.f32 v12, v1  }
.Ltmp4:
0x247: {  	v7 =	vld [tilespmem:s1+$0xE830];
	v3 =	vadd.f32 v4, v8;
	(pc) =	sbr.rel @p0 .LBB2_10-.Ltmp4, $4  }
0x248: {  	v4 =	vld [tilespmem:s1+$0xE840];
	v0 =	vadd.f32 v0, v9  }
0x249: {  	v10 =	vadd.f32 v14, v10;
	v5 =	vld [tilespmem:s1+$0xE850]  }
0x24a: {  	s23 =	sshra.s32 s25, $0x2;
	v9 =	vadd.f32 v15, v13;
	v8 =	vld [tilespmem:s1+$0xE860]  }
0x24b: {  	s25 =	sadd.s32 $0x200, s25;
	v1 =	vld [tilespmem:s23+$0x8870];
	[tilespmem:s1+$0x1A800] =	vst v10;
	v10 =	vadd.f32 v16, v11  }
0x24c: {  	v11 =	vld [tilespmem:s23+$0xA870];
	[tilespmem:s1+$0x1A810] =	vst v9;
	v6 =	vadd.f32 v7, v6  }
0x24d: {  	v9 =	vld [tilespmem:s23+$0x8800];
	[tilespmem:s1+$0x1A820] =	vst v10;
	v2 =	vadd.f32 v4, v2  }
0x24e: {  	v7 =	vld [tilespmem:s23+$0xC870];
	[tilespmem:s1+$0x1A830] =	vst v6;
	v3 =	vadd.f32 v5, v3  }
0x24f: {  	v4 =	vld [tilespmem:s23+$0xA800];
	[tilespmem:s1+$0x1A840] =	vst v2;
	v0 =	vadd.f32 v8, v0  }
0x250: {  	v2 =	vld [tilespmem:s23+$0xE870];
	[tilespmem:s1+$0x1A850] =	vst v3  }
0x251: {  	v3 =	vld [tilespmem:s23+$0x8810];
	[tilespmem:s1+$0x1A860] =	vst v0  }
0x252: {  	v0 =	vadd.f32 v11, v1;
	v1 =	vld [tilespmem:s23+$0xA810]  }
0x253: {  	v5 =	vld [tilespmem:s23+$0x8820]  }
0x254: {  	v6 =	vld [tilespmem:s23+$0xA820]  }
0x255: {  	v8 =	vld [tilespmem:s23+$0x8840]  }
0x256: {  	v10 =	vld [tilespmem:s23+$0x8850]  }
0x257: {  	v11 =	vld [tilespmem:s23+$0xA850]  }
0x258: {  	v12 =	vld [tilespmem:s23+$0x8860]  }
0x259: {  	v13 =	vld [tilespmem:s23+$0xA860]  }
0x25a: {  	v14 =	vld [tilespmem:s23+$0xC800]  }
0x25b: {  	v15 =	vld [tilespmem:s23+$0xC810]  }
0x25c: {  	v16 =	vld [tilespmem:s23+$0xC820]  }
0x25d: {  	v17 =	vld [tilespmem:s23+$0xC830]  }
0x25e: {  	v18 =	vld [tilespmem:s23+$0xC840];
	v0 =	vadd.f32 v7, v0  }
0x25f: {  	v19 =	vld [tilespmem:s23+$0xC850]  }
0x260: {  	v20 =	vld [tilespmem:s23+$0xC860];
	v0 =	vadd.f32 v2, v0  }
0x261: {  	v7 =	vld [tilespmem:s23+$0x8830]  }
0x262: {  	[tilespmem:s23+$0x1A870] =	vst v0;
	v0 =	vld [tilespmem:s23+$0xA840]  }
0x263: {  	v2 =	vld [tilespmem:s23+$0xA830]  }
0x264: {  	v4 =	vadd.f32 v4, v9;
	v9 =	vld [tilespmem:s23+$0xE800];
	v1 =	vadd.f32 v1, v3  }
0x265: {  	v3 =	vadd.f32 v6, v5;
	v5 =	vld [tilespmem:s23+$0xE810]  }
0x266: {  	v6 =	vld [tilespmem:s23+$0xE820];
	v4 =	vadd.f32 v14, v4;
	v1 =	vadd.f32 v15, v1  }
0x267: {  	v3 =	vadd.f32 v16, v3;
	v0 =	vadd.f32 v0, v8;
	v8 =	vld [tilespmem:s23+$0xE830]  }
0x268: {  	v2 =	vadd.f32 v2, v7;
	v7 =	vadd.f32 v11, v10;
	v11 =	vld [tilespmem:s23+$0xE840]  }
0x269: {  	v4 =	vadd.f32 v9, v4;
	v9 =	vld [tilespmem:s23+$0xE850];
	v10 =	vadd.f32 v13, v12  }
0x26a: {  	v2 =	vadd.f32 v17, v2;
	v1 =	vadd.f32 v5, v1;
	v5 =	vld [tilespmem:s23+$0xE860]  }
0x26b: {  	[tilespmem:s23+$0x1A800] =	vst v4;
	v3 =	vadd.f32 v6, v3;
	v0 =	vadd.f32 v18, v0  }
0x26c: {  	v4 =	vadd.f32 v19, v7;
	[tilespmem:s23+$0x1A810] =	vst v1;
	v1 =	vadd.f32 v8, v2  }
0x26d: {  	[tilespmem:s23+$0x1A820] =	vst v3;
	v0 =	vadd.f32 v11, v0;
	v2 =	vadd.f32 v20, v10  }
0x26e: {  	[tilespmem:s23+$0x1A830] =	vst v1;
	v1 =	vadd.f32 v9, v4  }
0x26f: {  	[tilespmem:s23+$0x1A840] =	vst v0;
	v0 =	vadd.f32 v5, v2  }
0x270: {  	[tilespmem:s23+$0x1A850] =	vst v1  }
0x271: {  	[tilespmem:s23+$0x1A860] =	vst v0  }
0x272: {  	s25 =	simm.s32 $0x0;
	_ =	strace $0x90000053  }
0x273: {  	[hbm4b:s9+s25] =	stream.linear.scatter [tilespmem:s0], [sflag:$0x5], $0x2000, $0x38;
	[tilespmem:$0x1E800] =	vst v63  }
0x274: {  	s23 =	simm.s32 $0x700  }
0x275: {  	[tilespmem:s19], [sflag:$0x2] =	stream.indirect.gather [hbm4b:s3+s15], $0x80, s23, s15, $0xb8;
	[tilespmem:$0x1E800] =	vst v63  }
0x276: {  	s25 =	simm.s32 $0x780  }
0x277: {  	[tilespmem:s21], [sflag:$0x2] =	stream.indirect.gather [hbm4b:s3+s15], $0x80, s25, s15, $0xb8;
	[tilespmem:$0x1E800] =	vst v63  }
0x278: {  	_ =	strace $0x80000054  }
0x279: {  	_ =	swait.ge [sflag:s20], $0x4000  }
0x27a: {  	[sflag:s20] =	ssyncset.done $0x0  }
0x27b: {  	[sflag:s20] =	ssyncadd.s32 $0xFFFFC000  }
0x27c: {  	_ =	swait.ge [sflag:s20], $0x4000  }
0x27d: {  	[sflag:s20] =	ssyncset.done $0x0  }
0x27e: {  	[sflag:s20] =	ssyncadd.s32 $0xFFFFC000  }
0x27f: {  	_ =	strace $0x90000054  }
0x280: {  	_ =	strace $0x80000055  }
0x281: {  	_ =	swait.ge [sflag:s18], $0x2000  }
0x282: {  	[sflag:s18] =	ssyncset.done $0x0  }
0x283: {  	[sflag:s18] =	ssyncadd.s32 $0xFFFFE000  }
0x284: {  	_ =	strace $0x90000055  }
0x285: {  	s1 =	simm.s32 $0x0;
	_ =	strace $0x80000056  }
0x286: {  	v0 =	vld [tilespmem:s1+$0x10870]  }
0x287: {  	v1 =	vld [tilespmem:s1+$0x12870]  }
0x288: {  	v2 =	vld [tilespmem:s1+$0x10800]  }
0x289: {  	v3 =	vld [tilespmem:s1+$0x14870]  }
0x28a: {  	v4 =	vld [tilespmem:s1+$0x12800]  }
0x28b: {  	v5 =	vld [tilespmem:s1+$0x16870]  }
0x28c: {  	v6 =	vld [tilespmem:s1+$0x10810]  }
0x28d: {  	v7 =	vld [tilespmem:s1+$0x10820]  }
0x28e: {  	v8 =	vld [tilespmem:s1+$0x10830]  }
0x28f: {  	v9 =	vld [tilespmem:s1+$0x10840]  }
0x290: {  	v10 =	vld [tilespmem:s1+$0x10850]  }
0x291: {  	v11 =	vld [tilespmem:s1+$0x12850]  }
0x292: {  	v53 =	vld [tilespmem:s1+$0x10860]  }
0x293: {  	v54 =	vld [tilespmem:s1+$0x12860]  }
0x294: {  	v55 =	vld [tilespmem:s1+$0x14800]  }
0x295: {  	v56 =	vld [tilespmem:s1+$0x14810]  }
0x296: {  	v57 =	vld [tilespmem:s1+$0x14820];
	v0 =	vadd.f32 v1, v0  }
0x297: {  	v58 =	vld [tilespmem:s1+$0x14830]  }
0x298: {  	v59 =	vld [tilespmem:s1+$0x14840];
	v0 =	vadd.f32 v3, v0  }
0x299: {  	v1 =	vld [tilespmem:s1+$0x12810]  }
0x29a: {  	v3 =	vld [tilespmem:s1+$0x12820];
	v0 =	vadd.f32 v5, v0  }
0x29b: {  	v5 =	vld [tilespmem:s1+$0x12830]  }
0x29c: {  	[tilespmem:s1+$0x1C870] =	vst v0;
	v0 =	vld [tilespmem:s1+$0x12840]  }
0x29d: {  	v60 =	vld [tilespmem:s1+$0x14850]  }
0x29e: {  	v61 =	vld [tilespmem:s1+$0x14860];
	v2 =	vadd.f32 v4, v2  }
0x29f: {  	v21 =	vld [tilespmem:s1+$0x16800];
	v1 =	vadd.f32 v1, v6;
	v3 =	vadd.f32 v3, v7  }
0x2a0: {  	v22 =	vld [tilespmem:s1+$0x16810];
	v5 =	vadd.f32 v5, v8;
	v8 =	vadd.f32 v55, v2  }
0x2a1: {  	v23 =	vld [tilespmem:s1+$0x16820];
	v62 =	vadd.f32 v57, v3;
	v0 =	vadd.f32 v0, v9  }
0x2a2: {  	v7 =	vld [tilespmem:s1+$0x16830];
	v9 =	vadd.f32 v11, v10;
	v10 =	vadd.f32 v54, v53  }
0x2a3: {  	v4 =	vld [tilespmem:s1+$0x16840];
	v11 =	vadd.f32 v56, v1;
	v6 =	vadd.f32 v58, v5  }
0x2a4: {  	v5 =	vld [tilespmem:s1+$0x16850];
	v63 =	vadd.f32 v21, v8;
	v2 =	vadd.f32 v59, v0  }
0x2a5: {  	s23 =	simm.s32 $0x80;
	v8 =	vld [tilespmem:s1+$0x16860];
	v3 =	vadd.f32 v60, v9;
	v9 =	vadd.f32 v22, v11  }
0x2a6: {  	s25 =	simm.s32 $0x400;
	v1 =	vld [tilespmem:s23+$0x10870];
	v0 =	vadd.f32 v61, v10;
	[tilespmem:s1+$0x1C800] =	vst v63;
	v10 =	vadd.f32 v23, v62  }
.LBB2_12:
0x2a7: {  	p0 =	sne.s32 s25, $0x7E00;
	v11 =	vld [tilespmem:s23+$0x12870];
	[tilespmem:s1+$0x1C810] =	vst v9;
	v6 =	vadd.f32 v7, v6  }
0x2a8: {  	v7 =	vld [tilespmem:s23+$0x10800];
	[tilespmem:s1+$0x1C820] =	vst v10;
	v2 =	vadd.f32 v4, v2  }
0x2a9: {  	v4 =	vld [tilespmem:s23+$0x14870];
	[tilespmem:s1+$0x1C830] =	vst v6;
	v3 =	vadd.f32 v5, v3  }
0x2aa: {  	v5 =	vld [tilespmem:s23+$0x12800];
	[tilespmem:s1+$0x1C840] =	vst v2;
	v0 =	vadd.f32 v8, v0  }
0x2ab: {  	v2 =	vld [tilespmem:s23+$0x16870];
	[tilespmem:s1+$0x1C850] =	vst v3  }
0x2ac: {  	v3 =	vld [tilespmem:s23+$0x10810];
	v1 =	vadd.f32 v11, v1;
	[tilespmem:s1+$0x1C860] =	vst v0;
	s1 =	smov.u32 s23  }
0x2ad: {  	v0 =	vld [tilespmem:s1+$0x12810]  }
0x2ae: {  	v6 =	vld [tilespmem:s1+$0x10820];
	v1 =	vadd.f32 v4, v1  }
0x2af: {  	v4 =	vadd.f32 v5, v7;
	v5 =	vld [tilespmem:s1+$0x12820]  }
0x2b0: {  	v7 =	vld [tilespmem:s1+$0x10830];
	v1 =	vadd.f32 v2, v1  }
0x2b1: {  	v2 =	vld [tilespmem:s1+$0x12830]  }
0x2b2: {  	v0 =	vadd.f32 v0, v3;
	v3 =	vld [tilespmem:s1+$0x10840];
	[tilespmem:s1+$0x1C870] =	vst v1  }
0x2b3: {  	v1 =	vld [tilespmem:s1+$0x12840]  }
0x2b4: {  	v5 =	vadd.f32 v5, v6;
	v6 =	vld [tilespmem:s1+$0x10850]  }
0x2b5: {  	v8 =	vld [tilespmem:s1+$0x12850]  }
0x2b6: {  	v2 =	vadd.f32 v2, v7;
	v7 =	vld [tilespmem:s1+$0x10860]  }
0x2b7: {  	v9 =	vld [tilespmem:s1+$0x12860]  }
0x2b8: {  	v10 =	vld [tilespmem:s1+$0x14800];
	v1 =	vadd.f32 v1, v3  }
0x2b9: {  	v3 =	vld [tilespmem:s1+$0x14810]  }
0x2ba: {  	v11 =	vld [tilespmem:s1+$0x14820];
	v8 =	vadd.f32 v8, v6  }
0x2bb: {  	v6 =	vld [tilespmem:s1+$0x14830]  }
0x2bc: {  	v12 =	vld [tilespmem:s1+$0x14840];
	v9 =	vadd.f32 v9, v7  }
0x2bd: {  	v10 =	vadd.f32 v10, v4;
	v4 =	vld [tilespmem:s1+$0x14850]  }
0x2be: {  	v13 =	vadd.f32 v3, v0;
	v0 =	vld [tilespmem:s1+$0x14860]  }
0x2bf: {  	v14 =	vld [tilespmem:s1+$0x16800];
	v11 =	vadd.f32 v11, v5  }
0x2c0: {  	v15 =	vld [tilespmem:s1+$0x16810];
	v6 =	vadd.f32 v6, v2  }
0x2c1: {  	v16 =	vld [tilespmem:s1+$0x16820];
	v2 =	vadd.f32 v12, v1  }
.Ltmp5:
0x2c2: {  	v7 =	vld [tilespmem:s1+$0x16830];
	v3 =	vadd.f32 v4, v8;
	(pc) =	sbr.rel @p0 .LBB2_12-.Ltmp5, $4  }
0x2c3: {  	v4 =	vld [tilespmem:s1+$0x16840];
	v0 =	vadd.f32 v0, v9  }
0x2c4: {  	v10 =	vadd.f32 v14, v10;
	v5 =	vld [tilespmem:s1+$0x16850]  }
0x2c5: {  	s23 =	sshra.s32 s25, $0x2;
	v9 =	vadd.f32 v15, v13;
	v8 =	vld [tilespmem:s1+$0x16860]  }
0x2c6: {  	s25 =	sadd.s32 $0x200, s25;
	v1 =	vld [tilespmem:s23+$0x10870];
	[tilespmem:s1+$0x1C800] =	vst v10;
	v10 =	vadd.f32 v16, v11  }
0x2c7: {  	v11 =	vld [tilespmem:s23+$0x12870];
	[tilespmem:s1+$0x1C810] =	vst v9;
	v6 =	vadd.f32 v7, v6  }
0x2c8: {  	v9 =	vld [tilespmem:s23+$0x10800];
	[tilespmem:s1+$0x1C820] =	vst v10;
	v2 =	vadd.f32 v4, v2  }
0x2c9: {  	v7 =	vld [tilespmem:s23+$0x14870];
	[tilespmem:s1+$0x1C830] =	vst v6;
	v3 =	vadd.f32 v5, v3  }
0x2ca: {  	v4 =	vld [tilespmem:s23+$0x12800];
	[tilespmem:s1+$0x1C840] =	vst v2;
	v0 =	vadd.f32 v8, v0  }
0x2cb: {  	v2 =	vld [tilespmem:s23+$0x16870];
	[tilespmem:s1+$0x1C850] =	vst v3  }
0x2cc: {  	v3 =	vld [tilespmem:s23+$0x10810];
	[tilespmem:s1+$0x1C860] =	vst v0  }
0x2cd: {  	v0 =	vadd.f32 v11, v1;
	v1 =	vld [tilespmem:s23+$0x12810]  }
0x2ce: {  	v5 =	vld [tilespmem:s23+$0x10820]  }
0x2cf: {  	v6 =	vld [tilespmem:s23+$0x12820]  }
0x2d0: {  	v8 =	vld [tilespmem:s23+$0x10840]  }
0x2d1: {  	v10 =	vld [tilespmem:s23+$0x10850]  }
0x2d2: {  	v11 =	vld [tilespmem:s23+$0x12850]  }
0x2d3: {  	v12 =	vld [tilespmem:s23+$0x10860]  }
0x2d4: {  	v13 =	vld [tilespmem:s23+$0x12860]  }
0x2d5: {  	v14 =	vld [tilespmem:s23+$0x14800]  }
0x2d6: {  	v15 =	vld [tilespmem:s23+$0x14810]  }
0x2d7: {  	v16 =	vld [tilespmem:s23+$0x14820]  }
0x2d8: {  	v17 =	vld [tilespmem:s23+$0x14830]  }
0x2d9: {  	v18 =	vld [tilespmem:s23+$0x14840];
	v0 =	vadd.f32 v7, v0  }
0x2da: {  	v19 =	vld [tilespmem:s23+$0x14850]  }
0x2db: {  	v20 =	vld [tilespmem:s23+$0x14860];
	v0 =	vadd.f32 v2, v0  }
0x2dc: {  	v7 =	vld [tilespmem:s23+$0x10830]  }
0x2dd: {  	[tilespmem:s23+$0x1C870] =	vst v0;
	v0 =	vld [tilespmem:s23+$0x12840]  }
0x2de: {  	v2 =	vld [tilespmem:s23+$0x12830]  }
0x2df: {  	v4 =	vadd.f32 v4, v9;
	v9 =	vld [tilespmem:s23+$0x16800];
	v1 =	vadd.f32 v1, v3  }
0x2e0: {  	v3 =	vadd.f32 v6, v5;
	v5 =	vld [tilespmem:s23+$0x16810]  }
0x2e1: {  	v6 =	vld [tilespmem:s23+$0x16820];
	v4 =	vadd.f32 v14, v4;
	v1 =	vadd.f32 v15, v1  }
0x2e2: {  	v3 =	vadd.f32 v16, v3;
	v0 =	vadd.f32 v0, v8;
	v8 =	vld [tilespmem:s23+$0x16830]  }
0x2e3: {  	v2 =	vadd.f32 v2, v7;
	v7 =	vadd.f32 v11, v10;
	v11 =	vld [tilespmem:s23+$0x16840]  }
0x2e4: {  	v4 =	vadd.f32 v9, v4;
	v9 =	vld [tilespmem:s23+$0x16850];
	v10 =	vadd.f32 v13, v12  }
0x2e5: {  	v2 =	vadd.f32 v17, v2;
	v1 =	vadd.f32 v5, v1;
	v5 =	vld [tilespmem:s23+$0x16860]  }
0x2e6: {  	[tilespmem:s23+$0x1C800] =	vst v4;
	v3 =	vadd.f32 v6, v3;
	v0 =	vadd.f32 v18, v0  }
0x2e7: {  	v4 =	vadd.f32 v19, v7;
	[tilespmem:s23+$0x1C810] =	vst v1;
	v1 =	vadd.f32 v8, v2  }
0x2e8: {  	[tilespmem:s23+$0x1C820] =	vst v3;
	v0 =	vadd.f32 v11, v0;
	v2 =	vadd.f32 v20, v10  }
0x2e9: {  	[tilespmem:s23+$0x1C830] =	vst v1;
	v1 =	vadd.f32 v9, v4  }
0x2ea: {  	[tilespmem:s23+$0x1C840] =	vst v0;
	v0 =	vadd.f32 v5, v2  }
0x2eb: {  	[tilespmem:s23+$0x1C850] =	vst v1  }
0x2ec: {  	[tilespmem:s23+$0x1C860] =	vst v0  }
0x2ed: {  	s25 =	simm.s32 $0x0;
	_ =	strace $0x90000056  }
0x2ee: {  	[hbm4b:s10+s25] =	stream.linear.scatter [tilespmem:s22], [sflag:$0x6], $0x2000, $0x38;
	[tilespmem:$0x1E800] =	vst v63  }
0x2ef: {  	_ =	strace $0x80000057  }
0x2f0: {  	_ =	swait.ge [sflag:s26], $0x4000  }
0x2f1: {  	[sflag:s26] =	ssyncset.done $0x0  }
0x2f2: {  	[sflag:s26] =	ssyncadd.s32 $0xFFFFC000  }
0x2f3: {  	_ =	swait.ge [sflag:s26], $0x4000  }
0x2f4: {  	[sflag:s26] =	ssyncset.done $0x0  }
0x2f5: {  	[sflag:s26] =	ssyncadd.s32 $0xFFFFC000  }
0x2f6: {  	_ =	strace $0x90000057  }
0x2f7: {  	_ =	strace $0x80000058  }
0x2f8: {  	_ =	swait.ge [sflag:s30], $0x2000  }
0x2f9: {  	[sflag:s30] =	ssyncset.done $0x0  }
0x2fa: {  	[sflag:s30] =	ssyncadd.s32 $0xFFFFE000  }
0x2fb: {  	_ =	strace $0x90000058  }
0x2fc: {  	s1 =	simm.s32 $0x0;
	_ =	strace $0x80000059  }
0x2fd: {  	v0 =	vld [tilespmem:s1+$0x870]  }
0x2fe: {  	v1 =	vld [tilespmem:s1+$0x2870]  }
0x2ff: {  	v2 =	vld [tilespmem:s1+$0x800]  }
0x300: {  	v3 =	vld [tilespmem:s1+$0x4870]  }
0x301: {  	v4 =	vld [tilespmem:s1+$0x2800]  }
0x302: {  	v5 =	vld [tilespmem:s1+$0x6870]  }
0x303: {  	v6 =	vld [tilespmem:s1+$0x810]  }
0x304: {  	v7 =	vld [tilespmem:s1+$0x820]  }
0x305: {  	v8 =	vld [tilespmem:s1+$0x830]  }
0x306: {  	v9 =	vld [tilespmem:s1+$0x840]  }
0x307: {  	v10 =	vld [tilespmem:s1+$0x850]  }
0x308: {  	v11 =	vld [tilespmem:s1+$0x2850]  }
0x309: {  	v53 =	vld [tilespmem:s1+$0x860]  }
0x30a: {  	v54 =	vld [tilespmem:s1+$0x2860]  }
0x30b: {  	v55 =	vld [tilespmem:s1+$0x4800]  }
0x30c: {  	v56 =	vld [tilespmem:s1+$0x4810]  }
0x30d: {  	v57 =	vld [tilespmem:s1+$0x4820];
	v0 =	vadd.f32 v1, v0  }
0x30e: {  	v58 =	vld [tilespmem:s1+$0x4830]  }
0x30f: {  	v59 =	vld [tilespmem:s1+$0x4840];
	v0 =	vadd.f32 v3, v0  }
0x310: {  	v1 =	vld [tilespmem:s1+$0x2810]  }
0x311: {  	v3 =	vld [tilespmem:s1+$0x2820];
	v0 =	vadd.f32 v5, v0  }
0x312: {  	v5 =	vld [tilespmem:s1+$0x2830]  }
0x313: {  	[tilespmem:s1+$0x18870] =	vst v0;
	v0 =	vld [tilespmem:s1+$0x2840]  }
0x314: {  	v60 =	vld [tilespmem:s1+$0x4850]  }
0x315: {  	v61 =	vld [tilespmem:s1+$0x4860];
	v2 =	vadd.f32 v4, v2  }
0x316: {  	v21 =	vld [tilespmem:s1+$0x6800];
	v1 =	vadd.f32 v1, v6;
	v3 =	vadd.f32 v3, v7  }
0x317: {  	v22 =	vld [tilespmem:s1+$0x6810];
	v5 =	vadd.f32 v5, v8;
	v8 =	vadd.f32 v55, v2  }
0x318: {  	v23 =	vld [tilespmem:s1+$0x6820];
	v62 =	vadd.f32 v57, v3;
	v0 =	vadd.f32 v0, v9  }
0x319: {  	v7 =	vld [tilespmem:s1+$0x6830];
	v9 =	vadd.f32 v11, v10;
	v10 =	vadd.f32 v54, v53  }
0x31a: {  	v4 =	vld [tilespmem:s1+$0x6840];
	v11 =	vadd.f32 v56, v1;
	v6 =	vadd.f32 v58, v5  }
0x31b: {  	v5 =	vld [tilespmem:s1+$0x6850];
	v63 =	vadd.f32 v21, v8;
	v2 =	vadd.f32 v59, v0  }
0x31c: {  	s23 =	simm.s32 $0x80;
	v8 =	vld [tilespmem:s1+$0x6860];
	v3 =	vadd.f32 v60, v9;
	v9 =	vadd.f32 v22, v11  }
0x31d: {  	s25 =	simm.s32 $0x400;
	v1 =	vld [tilespmem:s23+$0x870];
	v0 =	vadd.f32 v61, v10;
	[tilespmem:s1+$0x18800] =	vst v63;
	v10 =	vadd.f32 v23, v62  }
.LBB2_14:
0x31e: {  	p0 =	sne.s32 s25, $0x7E00;
	v11 =	vld [tilespmem:s23+$0x2870];
	[tilespmem:s1+$0x18810] =	vst v9;
	v6 =	vadd.f32 v7, v6  }
0x31f: {  	v7 =	vld [tilespmem:s23+$0x800];
	[tilespmem:s1+$0x18820] =	vst v10;
	v2 =	vadd.f32 v4, v2  }
0x320: {  	v4 =	vld [tilespmem:s23+$0x4870];
	[tilespmem:s1+$0x18830] =	vst v6;
	v3 =	vadd.f32 v5, v3  }
0x321: {  	v5 =	vld [tilespmem:s23+$0x2800];
	[tilespmem:s1+$0x18840] =	vst v2;
	v0 =	vadd.f32 v8, v0  }
0x322: {  	v2 =	vld [tilespmem:s23+$0x6870];
	[tilespmem:s1+$0x18850] =	vst v3  }
0x323: {  	v3 =	vld [tilespmem:s23+$0x810];
	v1 =	vadd.f32 v11, v1;
	[tilespmem:s1+$0x18860] =	vst v0;
	s1 =	smov.u32 s23  }
0x324: {  	v0 =	vld [tilespmem:s1+$0x2810]  }
0x325: {  	v6 =	vld [tilespmem:s1+$0x820];
	v1 =	vadd.f32 v4, v1  }
0x326: {  	v4 =	vadd.f32 v5, v7;
	v5 =	vld [tilespmem:s1+$0x2820]  }
0x327: {  	v7 =	vld [tilespmem:s1+$0x830];
	v1 =	vadd.f32 v2, v1  }
0x328: {  	v2 =	vld [tilespmem:s1+$0x2830]  }
0x329: {  	v0 =	vadd.f32 v0, v3;
	v3 =	vld [tilespmem:s1+$0x840];
	[tilespmem:s1+$0x18870] =	vst v1  }
0x32a: {  	v1 =	vld [tilespmem:s1+$0x2840]  }
0x32b: {  	v5 =	vadd.f32 v5, v6;
	v6 =	vld [tilespmem:s1+$0x850]  }
0x32c: {  	v8 =	vld [tilespmem:s1+$0x2850]  }
0x32d: {  	v2 =	vadd.f32 v2, v7;
	v7 =	vld [tilespmem:s1+$0x860]  }
0x32e: {  	v9 =	vld [tilespmem:s1+$0x2860]  }
0x32f: {  	v10 =	vld [tilespmem:s1+$0x4800];
	v1 =	vadd.f32 v1, v3  }
0x330: {  	v3 =	vld [tilespmem:s1+$0x4810]  }
0x331: {  	v11 =	vld [tilespmem:s1+$0x4820];
	v8 =	vadd.f32 v8, v6  }
0x332: {  	v6 =	vld [tilespmem:s1+$0x4830]  }
0x333: {  	v12 =	vld [tilespmem:s1+$0x4840];
	v9 =	vadd.f32 v9, v7  }
0x334: {  	v10 =	vadd.f32 v10, v4;
	v4 =	vld [tilespmem:s1+$0x4850]  }
0x335: {  	v13 =	vadd.f32 v3, v0;
	v0 =	vld [tilespmem:s1+$0x4860]  }
0x336: {  	v14 =	vld [tilespmem:s1+$0x6800];
	v11 =	vadd.f32 v11, v5  }
0x337: {  	v15 =	vld [tilespmem:s1+$0x6810];
	v6 =	vadd.f32 v6, v2  }
0x338: {  	v16 =	vld [tilespmem:s1+$0x6820];
	v2 =	vadd.f32 v12, v1  }
.Ltmp6:
0x339: {  	v7 =	vld [tilespmem:s1+$0x6830];
	v3 =	vadd.f32 v4, v8;
	(pc) =	sbr.rel @p0 .LBB2_14-.Ltmp6, $4  }
0x33a: {  	v4 =	vld [tilespmem:s1+$0x6840];
	v0 =	vadd.f32 v0, v9  }
0x33b: {  	v10 =	vadd.f32 v14, v10;
	v5 =	vld [tilespmem:s1+$0x6850]  }
0x33c: {  	s23 =	sshra.s32 s25, $0x2;
	v9 =	vadd.f32 v15, v13;
	v8 =	vld [tilespmem:s1+$0x6860]  }
0x33d: {  	s25 =	sadd.s32 $0x200, s25;
	v1 =	vld [tilespmem:s23+$0x870];
	[tilespmem:s1+$0x18800] =	vst v10;
	v10 =	vadd.f32 v16, v11  }
0x33e: {  	v11 =	vld [tilespmem:s23+$0x2870];
	[tilespmem:s1+$0x18810] =	vst v9;
	v6 =	vadd.f32 v7, v6  }
0x33f: {  	v9 =	vld [tilespmem:s23+$0x800];
	[tilespmem:s1+$0x18820] =	vst v10;
	v2 =	vadd.f32 v4, v2  }
0x340: {  	v7 =	vld [tilespmem:s23+$0x4870];
	[tilespmem:s1+$0x18830] =	vst v6;
	v3 =	vadd.f32 v5, v3  }
0x341: {  	v4 =	vld [tilespmem:s23+$0x2800];
	[tilespmem:s1+$0x18840] =	vst v2;
	v0 =	vadd.f32 v8, v0  }
0x342: {  	v2 =	vld [tilespmem:s23+$0x6870];
	[tilespmem:s1+$0x18850] =	vst v3  }
0x343: {  	v3 =	vld [tilespmem:s23+$0x810];
	[tilespmem:s1+$0x18860] =	vst v0  }
0x344: {  	v0 =	vadd.f32 v11, v1;
	v1 =	vld [tilespmem:s23+$0x2810]  }
0x345: {  	v5 =	vld [tilespmem:s23+$0x820]  }
0x346: {  	v6 =	vld [tilespmem:s23+$0x2820]  }
0x347: {  	v8 =	vld [tilespmem:s23+$0x840]  }
0x348: {  	v10 =	vld [tilespmem:s23+$0x850]  }
0x349: {  	v11 =	vld [tilespmem:s23+$0x2850]  }
0x34a: {  	v12 =	vld [tilespmem:s23+$0x860]  }
0x34b: {  	v13 =	vld [tilespmem:s23+$0x2860]  }
0x34c: {  	v14 =	vld [tilespmem:s23+$0x4800]  }
0x34d: {  	v15 =	vld [tilespmem:s23+$0x4810]  }
0x34e: {  	v16 =	vld [tilespmem:s23+$0x4820]  }
0x34f: {  	v17 =	vld [tilespmem:s23+$0x4830]  }
0x350: {  	v18 =	vld [tilespmem:s23+$0x4840];
	v0 =	vadd.f32 v7, v0  }
0x351: {  	v19 =	vld [tilespmem:s23+$0x4850]  }
0x352: {  	v20 =	vld [tilespmem:s23+$0x4860];
	v0 =	vadd.f32 v2, v0  }
0x353: {  	v7 =	vld [tilespmem:s23+$0x830]  }
0x354: {  	[tilespmem:s23+$0x18870] =	vst v0;
	v0 =	vld [tilespmem:s23+$0x2840]  }
0x355: {  	v2 =	vld [tilespmem:s23+$0x2830]  }
0x356: {  	v4 =	vadd.f32 v4, v9;
	v9 =	vld [tilespmem:s23+$0x6800];
	v1 =	vadd.f32 v1, v3  }
0x357: {  	v3 =	vadd.f32 v6, v5;
	v5 =	vld [tilespmem:s23+$0x6810]  }
0x358: {  	v6 =	vld [tilespmem:s23+$0x6820];
	v4 =	vadd.f32 v14, v4;
	v1 =	vadd.f32 v15, v1  }
0x359: {  	v3 =	vadd.f32 v16, v3;
	v0 =	vadd.f32 v0, v8;
	v8 =	vld [tilespmem:s23+$0x6830]  }
0x35a: {  	v2 =	vadd.f32 v2, v7;
	v7 =	vadd.f32 v11, v10;
	v11 =	vld [tilespmem:s23+$0x6840]  }
0x35b: {  	v4 =	vadd.f32 v9, v4;
	v9 =	vld [tilespmem:s23+$0x6850];
	v10 =	vadd.f32 v13, v12  }
0x35c: {  	v2 =	vadd.f32 v17, v2;
	v1 =	vadd.f32 v5, v1;
	v5 =	vld [tilespmem:s23+$0x6860]  }
0x35d: {  	[tilespmem:s23+$0x18800] =	vst v4;
	v3 =	vadd.f32 v6, v3;
	v0 =	vadd.f32 v18, v0  }
0x35e: {  	v4 =	vadd.f32 v19, v7;
	[tilespmem:s23+$0x18810] =	vst v1;
	v1 =	vadd.f32 v8, v2  }
0x35f: {  	[tilespmem:s23+$0x18820] =	vst v3;
	v0 =	vadd.f32 v11, v0;
	v2 =	vadd.f32 v20, v10  }
0x360: {  	[tilespmem:s23+$0x18830] =	vst v1;
	v1 =	vadd.f32 v9, v4  }
0x361: {  	[tilespmem:s23+$0x18840] =	vst v0;
	v0 =	vadd.f32 v5, v2  }
0x362: {  	[tilespmem:s23+$0x18850] =	vst v1  }
0x363: {  	[tilespmem:s23+$0x18860] =	vst v0  }
0x364: {  	s25 =	simm.s32 $0x0;
	_ =	strace $0x90000059  }
0x365: {  	[hbm4b:s11+s25] =	stream.linear.scatter [tilespmem:s28], [sflag:$0x4], $0x2000, $0x38;
	[tilespmem:$0x1E800] =	vst v63  }
0x366: {  	_ =	strace $0x8000005A  }
0x367: {  	_ =	swait.ge [sflag:s31], $0x4000  }
0x368: {  	[sflag:s31] =	ssyncset.done $0x0  }
0x369: {  	[sflag:s31] =	ssyncadd.s32 $0xFFFFC000  }
0x36a: {  	_ =	swait.ge [sflag:s31], $0x4000  }
0x36b: {  	[sflag:s31] =	ssyncset.done $0x0  }
0x36c: {  	[sflag:s31] =	ssyncadd.s32 $0xFFFFC000  }
0x36d: {  	_ =	strace $0x9000005A  }
0x36e: {  	_ =	strace $0x8000005B  }
0x36f: {  	_ =	swait.ge [sflag:s24], $0x2000  }
0x370: {  	[sflag:s24] =	ssyncset.done $0x0  }
0x371: {  	[sflag:s24] =	ssyncadd.s32 $0xFFFFE000  }
0x372: {  	_ =	strace $0x9000005B  }
0x373: {  	s1 =	simm.s32 $0x0;
	_ =	strace $0x8000005C  }
0x374: {  	v0 =	vld [tilespmem:s1+$0x8870]  }
0x375: {  	v1 =	vld [tilespmem:s1+$0xA870]  }
0x376: {  	v2 =	vld [tilespmem:s1+$0x8800]  }
0x377: {  	v3 =	vld [tilespmem:s1+$0xC870]  }
0x378: {  	v4 =	vld [tilespmem:s1+$0xA800]  }
0x379: {  	v5 =	vld [tilespmem:s1+$0xE870]  }
0x37a: {  	v6 =	vld [tilespmem:s1+$0x8810]  }
0x37b: {  	v7 =	vld [tilespmem:s1+$0x8820]  }
0x37c: {  	v8 =	vld [tilespmem:s1+$0x8830]  }
0x37d: {  	v9 =	vld [tilespmem:s1+$0x8840]  }
0x37e: {  	v10 =	vld [tilespmem:s1+$0x8850]  }
0x37f: {  	v11 =	vld [tilespmem:s1+$0xA850]  }
0x380: {  	v53 =	vld [tilespmem:s1+$0x8860]  }
0x381: {  	v54 =	vld [tilespmem:s1+$0xA860]  }
0x382: {  	v55 =	vld [tilespmem:s1+$0xC800]  }
0x383: {  	v56 =	vld [tilespmem:s1+$0xC810]  }
0x384: {  	v57 =	vld [tilespmem:s1+$0xC820];
	v0 =	vadd.f32 v1, v0  }
0x385: {  	v58 =	vld [tilespmem:s1+$0xC830]  }
0x386: {  	v59 =	vld [tilespmem:s1+$0xC840];
	v0 =	vadd.f32 v3, v0  }
0x387: {  	v1 =	vld [tilespmem:s1+$0xA810]  }
0x388: {  	v3 =	vld [tilespmem:s1+$0xA820];
	v0 =	vadd.f32 v5, v0  }
0x389: {  	v5 =	vld [tilespmem:s1+$0xA830]  }
0x38a: {  	[tilespmem:s1+$0x1A870] =	vst v0;
	v0 =	vld [tilespmem:s1+$0xA840]  }
0x38b: {  	v60 =	vld [tilespmem:s1+$0xC850]  }
0x38c: {  	v61 =	vld [tilespmem:s1+$0xC860];
	v2 =	vadd.f32 v4, v2  }
0x38d: {  	v21 =	vld [tilespmem:s1+$0xE800];
	v1 =	vadd.f32 v1, v6;
	v3 =	vadd.f32 v3, v7  }
0x38e: {  	v22 =	vld [tilespmem:s1+$0xE810];
	v5 =	vadd.f32 v5, v8;
	v8 =	vadd.f32 v55, v2  }
0x38f: {  	v23 =	vld [tilespmem:s1+$0xE820];
	v62 =	vadd.f32 v57, v3;
	v0 =	vadd.f32 v0, v9  }
0x390: {  	v7 =	vld [tilespmem:s1+$0xE830];
	v9 =	vadd.f32 v11, v10;
	v10 =	vadd.f32 v54, v53  }
0x391: {  	v4 =	vld [tilespmem:s1+$0xE840];
	v11 =	vadd.f32 v56, v1;
	v6 =	vadd.f32 v58, v5  }
0x392: {  	v5 =	vld [tilespmem:s1+$0xE850];
	v63 =	vadd.f32 v21, v8;
	v2 =	vadd.f32 v59, v0  }
0x393: {  	s23 =	simm.s32 $0x80;
	v8 =	vld [tilespmem:s1+$0xE860];
	v3 =	vadd.f32 v60, v9;
	v9 =	vadd.f32 v22, v11  }
0x394: {  	s25 =	simm.s32 $0x400;
	v1 =	vld [tilespmem:s23+$0x8870];
	v0 =	vadd.f32 v61, v10;
	[tilespmem:s1+$0x1A800] =	vst v63;
	v10 =	vadd.f32 v23, v62  }
.LBB2_16:
0x395: {  	p0 =	sne.s32 s25, $0x7E00;
	v11 =	vld [tilespmem:s23+$0xA870];
	[tilespmem:s1+$0x1A810] =	vst v9;
	v6 =	vadd.f32 v7, v6  }
0x396: {  	v7 =	vld [tilespmem:s23+$0x8800];
	[tilespmem:s1+$0x1A820] =	vst v10;
	v2 =	vadd.f32 v4, v2  }
0x397: {  	v4 =	vld [tilespmem:s23+$0xC870];
	[tilespmem:s1+$0x1A830] =	vst v6;
	v3 =	vadd.f32 v5, v3  }
0x398: {  	v5 =	vld [tilespmem:s23+$0xA800];
	[tilespmem:s1+$0x1A840] =	vst v2;
	v0 =	vadd.f32 v8, v0  }
0x399: {  	v2 =	vld [tilespmem:s23+$0xE870];
	[tilespmem:s1+$0x1A850] =	vst v3  }
0x39a: {  	v3 =	vld [tilespmem:s23+$0x8810];
	v1 =	vadd.f32 v11, v1;
	[tilespmem:s1+$0x1A860] =	vst v0;
	s1 =	smov.u32 s23  }
0x39b: {  	v0 =	vld [tilespmem:s1+$0xA810]  }
0x39c: {  	v6 =	vld [tilespmem:s1+$0x8820];
	v1 =	vadd.f32 v4, v1  }
0x39d: {  	v4 =	vadd.f32 v5, v7;
	v5 =	vld [tilespmem:s1+$0xA820]  }
0x39e: {  	v7 =	vld [tilespmem:s1+$0x8830];
	v1 =	vadd.f32 v2, v1  }
0x39f: {  	v2 =	vld [tilespmem:s1+$0xA830]  }
0x3a0: {  	v0 =	vadd.f32 v0, v3;
	v3 =	vld [tilespmem:s1+$0x8840];
	[tilespmem:s1+$0x1A870] =	vst v1  }
0x3a1: {  	v1 =	vld [tilespmem:s1+$0xA840]  }
0x3a2: {  	v5 =	vadd.f32 v5, v6;
	v6 =	vld [tilespmem:s1+$0x8850]  }
0x3a3: {  	v8 =	vld [tilespmem:s1+$0xA850]  }
0x3a4: {  	v2 =	vadd.f32 v2, v7;
	v7 =	vld [tilespmem:s1+$0x8860]  }
0x3a5: {  	v9 =	vld [tilespmem:s1+$0xA860]  }
0x3a6: {  	v10 =	vld [tilespmem:s1+$0xC800];
	v1 =	vadd.f32 v1, v3  }
0x3a7: {  	v3 =	vld [tilespmem:s1+$0xC810]  }
0x3a8: {  	v11 =	vld [tilespmem:s1+$0xC820];
	v8 =	vadd.f32 v8, v6  }
0x3a9: {  	v6 =	vld [tilespmem:s1+$0xC830]  }
0x3aa: {  	v12 =	vld [tilespmem:s1+$0xC840];
	v9 =	vadd.f32 v9, v7  }
0x3ab: {  	v10 =	vadd.f32 v10, v4;
	v4 =	vld [tilespmem:s1+$0xC850]  }
0x3ac: {  	v13 =	vadd.f32 v3, v0;
	v0 =	vld [tilespmem:s1+$0xC860]  }
0x3ad: {  	v14 =	vld [tilespmem:s1+$0xE800];
	v11 =	vadd.f32 v11, v5  }
0x3ae: {  	v15 =	vld [tilespmem:s1+$0xE810];
	v6 =	vadd.f32 v6, v2  }
0x3af: {  	v16 =	vld [tilespmem:s1+$0xE820];
	v2 =	vadd.f32 v12, v1  }
.Ltmp7:
0x3b0: {  	v7 =	vld [tilespmem:s1+$0xE830];
	v3 =	vadd.f32 v4, v8;
	(pc) =	sbr.rel @p0 .LBB2_16-.Ltmp7, $4  }
0x3b1: {  	v4 =	vld [tilespmem:s1+$0xE840];
	v0 =	vadd.f32 v0, v9  }
0x3b2: {  	v10 =	vadd.f32 v14, v10;
	v5 =	vld [tilespmem:s1+$0xE850]  }
0x3b3: {  	s23 =	sshra.s32 s25, $0x2;
	v9 =	vadd.f32 v15, v13;
	v8 =	vld [tilespmem:s1+$0xE860]  }
0x3b4: {  	s25 =	sadd.s32 $0x200, s25;
	v1 =	vld [tilespmem:s23+$0x8870];
	[tilespmem:s1+$0x1A800] =	vst v10;
	v10 =	vadd.f32 v16, v11  }
0x3b5: {  	v11 =	vld [tilespmem:s23+$0xA870];
	[tilespmem:s1+$0x1A810] =	vst v9;
	v6 =	vadd.f32 v7, v6  }
0x3b6: {  	v9 =	vld [tilespmem:s23+$0x8800];
	[tilespmem:s1+$0x1A820] =	vst v10;
	v2 =	vadd.f32 v4, v2  }
0x3b7: {  	v39 =	vld [tilespmem:s23+$0xC870];
	[tilespmem:s1+$0x1A830] =	vst v6;
	v3 =	vadd.f32 v5, v3  }
0x3b8: {  	v40 =	vld [tilespmem:s23+$0xA800];
	[tilespmem:s1+$0x1A840] =	vst v2;
	v0 =	vadd.f32 v8, v0  }
0x3b9: {  	v2 =	vld [tilespmem:s23+$0xE870];
	[tilespmem:s1+$0x1A850] =	vst v3  }
0x3ba: {  	v3 =	vld [tilespmem:s23+$0x8810];
	[tilespmem:s1+$0x1A860] =	vst v0  }
0x3bb: {  	v42 =	vld [tilespmem:s23+$0xA810]  }
0x3bc: {  	v43 =	vld [tilespmem:s23+$0x8820]  }
0x3bd: {  	v6 =	vld [tilespmem:s23+$0xA820]  }
0x3be: {  	v44 =	vld [tilespmem:s23+$0x8830]  }
0x3bf: {  	v45 =	vld [tilespmem:s23+$0xA830]  }
0x3c0: {  	v46 =	vld [tilespmem:s23+$0x8840]  }
0x3c1: {  	v47 =	vld [tilespmem:s23+$0xA840]  }
0x3c2: {  	v10 =	vld [tilespmem:s23+$0x8850]  }
0x3c3: {  	v48 =	vld [tilespmem:s23+$0xA850]  }
0x3c4: {  	v12 =	vld [tilespmem:s23+$0x8860]  }
0x3c5: {  	v13 =	vld [tilespmem:s23+$0xA860]  }
0x3c6: {  	v14 =	vld [tilespmem:s23+$0xC800]  }
0x3c7: {  	v15 =	vld [tilespmem:s23+$0xC810]  }
0x3c8: {  	v16 =	vld [tilespmem:s23+$0xC820]  }
0x3c9: {  	v41 =	vadd.f32 v11, v1;
	v17 =	vld [tilespmem:s23+$0xC830]  }
0x3ca: {  	v18 =	vld [tilespmem:s23+$0xC840]  }
0x3cb: {  	v19 =	vld [tilespmem:s23+$0xC850];
	v0 =	vadd.f32 v39, v41  }
0x3cc: {  	v20 =	vld [tilespmem:s23+$0xC860]  }
0x3cd: {  	v49 =	vld [tilespmem:s23+$0xE800];
	v4 =	vadd.f32 v40, v9;
	v0 =	vadd.f32 v2, v0  }
0x3ce: {  	v51 =	vld [tilespmem:s23+$0xE810];
	v1 =	vadd.f32 v42, v3;
	v50 =	vadd.f32 v6, v43  }
0x3cf: {  	v52 =	vld [tilespmem:s23+$0xE820];
	[tilespmem:s23+$0x1A870] =	vst v0;
	v2 =	vadd.f32 v45, v44;
	v0 =	vadd.f32 v47, v46  }
0x3d0: {  	v54 =	vld [tilespmem:s23+$0xE830];
	v53 =	vadd.f32 v48, v10;
	v4 =	vadd.f32 v14, v4  }
0x3d1: {  	v56 =	vld [tilespmem:s23+$0xE840];
	v55 =	vadd.f32 v13, v12;
	v1 =	vadd.f32 v15, v1  }
0x3d2: {  	v57 =	vld [tilespmem:s23+$0xE850];
	v3 =	vadd.f32 v16, v50;
	v4 =	vadd.f32 v49, v4  }
0x3d3: {  	v58 =	vld [tilespmem:s23+$0xE860];
	v2 =	vadd.f32 v17, v2;
	v1 =	vadd.f32 v51, v1  }
0x3d4: {  	v0 =	vadd.f32 v18, v0;
	[tilespmem:s23+$0x1A800] =	vst v4;
	v3 =	vadd.f32 v52, v3  }
0x3d5: {  	v59 =	vadd.f32 v19, v53;
	v60 =	vadd.f32 v54, v2;
	[tilespmem:s23+$0x1A810] =	vst v1  }
0x3d6: {  	v61 =	vadd.f32 v20, v55;
	v0 =	vadd.f32 v56, v0;
	[tilespmem:s23+$0x1A820] =	vst v3  }
0x3d7: {  	v62 =	vadd.f32 v57, v59;
	[tilespmem:s23+$0x1A830] =	vst v60  }
0x3d8: {  	v63 =	vadd.f32 v58, v61;
	[tilespmem:s23+$0x1A840] =	vst v0  }
0x3d9: {  	[tilespmem:s23+$0x1A850] =	vst v62  }
0x3da: {  	[tilespmem:s23+$0x1A860] =	vst v63  }
0x3db: {  	_ =	strace $0x9000005C  }
0x3dc: {  	[hbm4b:s12+s2] =	stream.linear.scatter [tilespmem:s0], [sflag:$0x5], $0x2000, $0x38;
	[tilespmem:$0x1E800] =	vst v63  }
0x3dd: {  	_ =	swait.ge [sflag:s30], $0x2000  }
0x3de: {  	[sflag:s30] =	ssyncset.done $0x0  }
0x3df: {  	s29 =	sadd.s32 $0x1, s29;
	[sflag:s30] =	ssyncadd.s32 $0xFFFFE000  }
0x3e0: {  	p0 =	sne.s32 s29, s13;
	_ =	swait.ge [sflag:s24], $0x2000  }
.Ltmp8:
0x3e1: {  	[sflag:s24] =	ssyncset.done $0x0;
	(pc) =	sbr.rel @p0 .LBB2_1-.Ltmp8, $4  }
0x3e2: {  	[sflag:s24] =	ssyncadd.s32 $0xFFFFE000  }
0x3e3: {  	_ =	swait.ge [sflag:s18], $0x2000  }
0x3e4: {  	[sflag:s18] =	ssyncset.done $0x0  }
0x3e5: {  	[sflag:s18] =	ssyncadd.s32 $0xFFFFE000  }
0x3e6: {  	_ =	sfence.sel $0x180000  }
0x3e7: {  	[bflag:$0x0] =	sbarrier.arrive $0xFFFF  }
0x3e8: {  	_ =	strace $0x90000047  }
0x3e9: {  	s0 =	stileid.u32;
	[bflag:$0x2] =	sbarrier.arrive $0xFFFF  }
0x3ea: {  	p0 =	sne.s32 s0, $0x0;
	s0 =	rddreg [dreg:$0x2]  }
0x3eb: {  	s0 =	sadd.s32 @!p0 $0x100000, s0  }
0x3ec: {  	[sflag:s0] =	ssyncadd.tile.s32 @!p0 $0x1;
	_ =	shalt  }
.Lfunc_end2:
_tile_overlayer_lowered:
.L_overlay_start_2:
0x3ed: {  	(tag) =	ssettag $0x2  }
0x3ee: {  	s0 =	rddreg [dreg:$0x0];
	s2 =	stileid.u32  }
0x3ef: {  	s1 =	rddreg [dreg:$0x1];
	p0 =	sne.s32 s2, $0x0  }
0x3f0: {  	s3 =	rddreg [dreg:$0x2];
	[bflag:$0x3] =	sbarrier.arrive $0xFFFF;
	s2 =	simm.s32 @!p0 $0x1C07  }
0x3f1: {  	[timem:s3], [sflag:s2] =	dma.local @!p0 [hbm:s0], s1  }
0x3f2: {  	s0 =	simm.s32 @!p0 $0x7  }
0x3f3: {  	_ =	swait.ge @!p0 [sflag:s0], s1  }
0x3f4: {  	s1 =	ssub.s32 @!p0 $0x0, s1;
	[sflag:s0] =	ssyncset.done @!p0 $0x0  }
0x3f5: {  	[sflag:s0] =	ssyncadd.s32 @!p0 s1  }
0x3f6: {  	[bflag:$0x3] =	sbarrier.arrive $0xFFFF  }
0x3f7: {  	_ =	shalt  }

</sc_bundles>
